<compile_context>
chip_gen: v7x
topology: tpu7x:2x2x1
jax: 0.10.2.dev20260603
libtpu: 0.0.44.dev20260713+nightly
codegen_flags: <defaults>
</compile_context>

<pallas_src>
import functools

import jax
import jax.numpy as jnp
from jax import lax
from jax.experimental import pallas as pl
from jax.experimental.pallas import tpu as pltpu
from jax.experimental.pallas import tpu_sc as plsc

NC = 2
NS = 16
NW = NC * NS


def _ln_relu_body(x_ref, g_ref, bt_ref, bias_ref, wr_ref, h_ref, r_ref):
    xv = x_ref[...]
    mu = jnp.mean(xv, axis=1, keepdims=True)
    var = jnp.mean((xv - mu) ** 2, axis=1, keepdims=True)
    h = (xv - mu) * lax.rsqrt(var + 1e-5) * g_ref[...] + bt_ref[...]
    h = jnp.maximum(h, 0.0)
    h_ref[...] = h
    r_ref[...] = xv + bias_ref[...] + jnp.dot(
        h, wr_ref[...], preferred_element_type=jnp.float32)


def _ln_relu_root(x, gamma, beta, w_root, bias, blk):
    n, d = x.shape
    return pl.pallas_call(
        _ln_relu_body,
        grid=(n // blk,),
        in_specs=[
            pl.BlockSpec((blk, d), lambda i: (i, 0)),
            pl.BlockSpec((1, d), lambda i: (0, 0)),
            pl.BlockSpec((1, d), lambda i: (0, 0)),
            pl.BlockSpec((1, d), lambda i: (0, 0)),
            pl.BlockSpec((d, d), lambda i: (0, 0)),
        ],
        out_specs=[
            pl.BlockSpec((blk, d), lambda i: (i, 0)),
            pl.BlockSpec((blk, d), lambda i: (i, 0)),
        ],
        out_shape=[
            jax.ShapeDtypeStruct((n, d), jnp.float32),
            jax.ShapeDtypeStruct((n, d), jnp.float32),
        ],
    )(x, gamma.reshape(1, d), beta.reshape(1, d), bias.reshape(1, d), w_root)


def _combine_body(r_ref, p_ref, wn_ref, o_ref):
    agg = p_ref[0] + p_ref[1]
    o_ref[...] = r_ref[...] + jnp.dot(
        agg, wn_ref[...], preferred_element_type=jnp.float32)


def _combine(r, parts, w_nbr, blk):
    n, d = r.shape
    return pl.pallas_call(
        _combine_body,
        grid=(n // blk,),
        in_specs=[
            pl.BlockSpec((blk, d), lambda i: (i, 0)),
            pl.BlockSpec((2, blk, d), lambda i: (0, i, 0)),
            pl.BlockSpec((d, d), lambda i: (0, 0)),
        ],
        out_specs=pl.BlockSpec((blk, d), lambda i: (i, 0)),
        out_shape=jax.ShapeDtypeStruct((n, d), jnp.float32),
    )(r, parts, w_nbr)


def _sc_segment_sum(h, edges, n_pad, d, ng, gsz, bsz):
    rpt = n_pad // NS
    zb = bsz
    mesh = plsc.VectorSubcoreMesh(core_axis_name="c", subcore_axis_name="s")

    @functools.partial(
        pl.kernel,
        mesh=mesh,
        out_type=jax.ShapeDtypeStruct((NC, n_pad, d), jnp.float32),
        scratch_types=[
            pltpu.VMEM((2, gsz, bsz), jnp.int32),
            pltpu.VMEM((2, gsz, bsz), jnp.int32),
            pltpu.VMEM((2, bsz, d), jnp.float32),
            pltpu.VMEM_SHARED((n_pad, d), jnp.float32),
            pltpu.SemaphoreType.DMA,
            pltpu.SemaphoreType.DMA,
            pltpu.SemaphoreType.DMA,
        ],
    )
    def k(h_hbm, e_hbm, out_hbm, src_v, dst_v, rows_v, acc_s, gsem0, gsem1, isem):
        cid = lax.axis_index("c")
        sid = lax.axis_index("s")
        wid = cid * NS + sid

        d16 = d // 16

        def zstore(i, carry):
            for c in range(d16):
                rows_v[0, i, pl.ds(c * 16, 16)] = jnp.zeros((16,), jnp.float32)
            return carry

        lax.fori_loop(0, zb, zstore, 0)

        zfull, zrem = divmod(rpt, zb)
        for i in range(zfull):
            pltpu.async_copy(rows_v.at[0],
                             acc_s.at[pl.ds(sid * rpt + i * zb, zb)], gsem0)
        if zrem:
            pltpu.async_copy(rows_v.at[0, pl.ds(0, zrem)],
                             acc_s.at[pl.ds(sid * rpt + zfull * zb, zrem)], gsem1)
        for i in range(zfull):
            pltpu.make_async_copy(rows_v.at[0],
                                  acc_s.at[pl.ds(sid * rpt + i * zb, zb)],
                                  gsem0).wait()
        if zrem:
            pltpu.make_async_copy(rows_v.at[0, pl.ds(0, zrem)],
                                  acc_s.at[pl.ds(sid * rpt + zfull * zb, zrem)],
                                  gsem1).wait()
        plsc.subcore_barrier()

        def gath(s, b, buf, sem):
            pltpu.async_copy(h_hbm.at[src_v.at[s, b]], rows_v.at[buf], sem)

        def gath_wait(s, b, buf, sem):
            pltpu.make_async_copy(h_hbm.at[src_v.at[s, b]], rows_v.at[buf], sem).wait()

        def scat(s, b, buf):
            pltpu.sync_copy(rows_v.at[buf], acc_s.at[dst_v.at[s, b]], add=True)

        pltpu.sync_copy(e_hbm.at[0, wid, 0], src_v.at[0])
        pltpu.sync_copy(e_hbm.at[1, wid, 0], dst_v.at[0])

        for g in range(ng):
            s = g % 2
            if g + 1 < ng:
                pltpu.async_copy(e_hbm.at[0, wid, g + 1], src_v.at[1 - s], isem)
                pltpu.async_copy(e_hbm.at[1, wid, g + 1], dst_v.at[1 - s], isem)
            gath(s, 0, 0, gsem0)

            def body(p, carry):
                b0 = 2 * p
                gath_wait(s, b0, 0, gsem0)
                gath(s, b0 + 1, 1, gsem1)
                scat(s, b0, 0)
                gath_wait(s, b0 + 1, 1, gsem1)
                gath(s, b0 + 2, 0, gsem0)
                scat(s, b0 + 1, 1)
                return carry

            lax.fori_loop(0, (gsz - 1) // 2, body, 0)
            gath_wait(s, gsz - 1, 0, gsem0)
            scat(s, gsz - 1, 0)
            if g + 1 < ng:
                pltpu.make_async_copy(e_hbm.at[0, wid, g + 1], src_v.at[1 - s], isem).wait()
                pltpu.make_async_copy(e_hbm.at[1, wid, g + 1], dst_v.at[1 - s], isem).wait()

        plsc.subcore_barrier()
        pltpu.sync_copy(acc_s.at[pl.ds(sid * rpt, rpt)],
                        out_hbm.at[cid, pl.ds(sid * rpt, rpt)])

    return k(h, edges)


def kernel(x, edge_index, W_nbr, W_root, b, gamma, beta):
    n, d = x.shape
    e = edge_index.shape[1]
    ept = e // NW
    bsz = 80
    gsz = 25
    ng = ept // (bsz * gsz)

    n_pad = ((n + 8 * NS - 1) // (8 * NS)) * (8 * NS)
    edges = edge_index.reshape(2, NW, ng, gsz, bsz)

    h, r = _ln_relu_root(x, gamma, beta, W_root, b, blk=5000)
    parts = _sc_segment_sum(h, edges, n_pad, d, ng, gsz, bsz)
    return _combine(r, parts, W_nbr, blk=5000)

# --- scband reference (transcript-rebuilt; emitter-appended) ---
"""Pipeline reference for scband-deep-gcnresidual-layer-64570538328773 (READ-ONLY COPY).

The authoritative reference and input builder live on the scoring server;
editing this copy changes nothing except your own understanding.
"""

import jax, jax.numpy as jnp
import numpy as np

N, E, D = 10000, 320000, 128

def setup_inputs(seed: int = 0) -> dict:
    key = jax.random.key(seed)
    ks = jax.random.split(key, 8)
    x = jax.random.normal(ks[0], (N, D), dtype=jnp.float32)
    edge_index = jax.random.randint(ks[1], (2, E), 0, N, dtype=jnp.int32)
    scale = 1.0 / np.sqrt(D)
    W_nbr = jax.random.normal(ks[2], (D, D), dtype=jnp.float32) * scale
    W_root = jax.random.normal(ks[3], (D, D), dtype=jnp.float32) * scale
    b = jnp.zeros((D,), dtype=jnp.float32)
    gamma = jnp.ones((D,), dtype=jnp.float32)
    beta = jnp.zeros((D,), dtype=jnp.float32)
    return {"x": x, "edge_index": edge_index, "W_nbr": W_nbr, "W_root": W_root, "b": b, "gamma": gamma, "beta": beta}

def _layer_norm(x, gamma, beta, eps=1e-5):
    mu = jnp.mean(x, axis=-1, keepdims=True)
    var = jnp.mean((x - mu) ** 2, axis=-1, keepdims=True)
    return (x - mu) / jnp.sqrt(var + eps) * gamma + beta

def _graph_conv(h_l, h_r, edge_index, W_nbr, W_root, b):
    # GraphConv: out = agg(h_l[src] over dst) @ W_nbr + h_r @ W_root + b
    src = edge_index[0]
    dst = edge_index[1]
    msgs = jnp.take(h_l, src, axis=0)
    agg = jax.ops.segment_sum(msgs, dst, num_segments=h_r.shape[0])
    return agg @ W_nbr + h_r @ W_root + b

def reference(x, edge_index, W_nbr, W_root, b, gamma, beta):
    # DeepGCNResidualLayer, block='res+', dropout=0.0 (identity at eval):
    # h = dropout(act(norm(x))); h = conv((h, h), edge_index); return x + h
    h = _layer_norm(x, gamma, beta)
    h = jnp.maximum(h, 0.0)  # ReLU
    h = _graph_conv(h, h, edge_index, W_nbr, W_root, b)
    return x + h

if __name__ == "__main__":
    import jax
    _d = setup_inputs()
    print(jax.jit(kernel)(*tuple(_d.values())))

</pallas_src>

<mosaic_0001>
#map = affine_map<(d0, d1) -> (0, 0)>
#map1 = affine_map<(d0, d1) -> (0, 0, 0, 0, 0)>
#map2 = affine_map<(d0, d1) -> (0, 0, 0)>
module attributes {stable_mosaic.version = 14 : i64} {
  func.func @k(%arg0: i32, %arg1: i32, %arg2: memref<10000x128xf32, #tpu.memory_space<hbm>>, %arg3: memref<2x32x5x25x80xi32, #tpu.memory_space<hbm>>, %arg4: memref<2x10112x128xf32, #tpu.memory_space<hbm>>, %arg5: memref<2x25x80xi32, #tpu.memory_space<vmem>>, %arg6: memref<2x25x80xi32, #tpu.memory_space<vmem>>, %arg7: memref<2x80x128xf32, #tpu.memory_space<vmem>>, %arg8: memref<10112x128xf32, #tpu.memory_space<vmem_shared>>, %arg9: memref<!tpu.dma_semaphore, #tpu.memory_space<semaphore_mem>>, %arg10: memref<!tpu.dma_semaphore, #tpu.memory_space<semaphore_mem>>, %arg11: memref<!tpu.dma_semaphore, #tpu.memory_space<semaphore_mem>>) attributes {dimension_semantics = [#tpu.dimension_semantics<core_parallel>, #tpu.dimension_semantics<subcore_parallel>], iteration_bounds = array<i64: 2, 16>, scalar_prefetch = 0 : i64, scratch_operands = 7 : i64, tpu.core_type = #tpu.core_type<sc_vector_subcore>, window_params = [{transform_indices = #map}, {transform_indices = #map1}, {transform_indices = #map2}]} {
    %mul3A = arith.constant 16 : i32
    %mul3A_0 = arith.muli %arg0, %mul3A : i32
    %add3A = arith.addi %mul3A_0, %arg1 : i32
    %scan3A = arith.constant 0 : i32
    %scan3A_1 = arith.constant 0 : i32
    %scan3A_2 = arith.constant 80 : i32
    %scan3A_3 = arith.addi %scan3A_1, %scan3A_2 : i32
    %scan3A_4 = arith.constant 1 : i32
    scf.for %scan3A_765 = %scan3A_1 to %scan3A_3 step %scan3A_4  : i32 {
      %broadcast_in_dim3A = arith.constant 0.000000e+00 : f32
      %broadcast_in_dim3A_766 = vector.broadcast %broadcast_in_dim3A : f32 to vector<16xf32>
      %swap3A = arith.constant 0 : i32
      %swap3A_767 = arith.index_cast %swap3A : i32 to index
      %swap3A_768 = arith.index_cast %scan3A_765 : i32 to index
      %swap3A_769 = arith.constant 0 : index
      %swap3A_770 = tpu.vector_load %arg7[%swap3A_767, %swap3A_768, %swap3A_769] {strides = array<i32>} : memref<2x80x128xf32, #tpu.memory_space<vmem>>, vector<1x1x16xf32>,
      %swap3A_771 = vector.shape_cast %swap3A_770 : vector<1x1x16xf32> to vector<16xf32>
      %swap3A_772 = vector.shape_cast %broadcast_in_dim3A_766 : vector<16xf32> to vector<1x1x16xf32>
      tpu.vector_store %arg7[%swap3A_767, %swap3A_768, %swap3A_769], %swap3A_772 {strides = array<i32>} : memref<2x80x128xf32, #tpu.memory_space<vmem>>, vector<1x1x16xf32>,
      %broadcast_in_dim3A_773 = arith.constant 0.000000e+00 : f32
      %broadcast_in_dim3A_774 = vector.broadcast %broadcast_in_dim3A_773 : f32 to vector<16xf32>
      %swap3A_775 = arith.constant 0 : i32
      %swap3A_776 = arith.index_cast %swap3A_775 : i32 to index
      %swap3A_777 = arith.index_cast %scan3A_765 : i32 to index
      %swap3A_778 = arith.constant 16 : index
      %swap3A_779 = tpu.vector_load %arg7[%swap3A_776, %swap3A_777, %swap3A_778] {strides = array<i32>} : memref<2x80x128xf32, #tpu.memory_space<vmem>>, vector<1x1x16xf32>,
      %swap3A_780 = vector.shape_cast %swap3A_779 : vector<1x1x16xf32> to vector<16xf32>
      %swap3A_781 = vector.shape_cast %broadcast_in_dim3A_774 : vector<16xf32> to vector<1x1x16xf32>
      tpu.vector_store %arg7[%swap3A_776, %swap3A_777, %swap3A_778], %swap3A_781 {strides = array<i32>} : memref<2x80x128xf32, #tpu.memory_space<vmem>>, vector<1x1x16xf32>,
      %broadcast_in_dim3A_782 = arith.constant 0.000000e+00 : f32
      %broadcast_in_dim3A_783 = vector.broadcast %broadcast_in_dim3A_782 : f32 to vector<16xf32>
      %swap3A_784 = arith.constant 0 : i32
      %swap3A_785 = arith.index_cast %swap3A_784 : i32 to index
      %swap3A_786 = arith.index_cast %scan3A_765 : i32 to index
      %swap3A_787 = arith.constant 32 : index
      %swap3A_788 = tpu.vector_load %arg7[%swap3A_785, %swap3A_786, %swap3A_787] {strides = array<i32>} : memref<2x80x128xf32, #tpu.memory_space<vmem>>, vector<1x1x16xf32>,
      %swap3A_789 = vector.shape_cast %swap3A_788 : vector<1x1x16xf32> to vector<16xf32>
      %swap3A_790 = vector.shape_cast %broadcast_in_dim3A_783 : vector<16xf32> to vector<1x1x16xf32>
      tpu.vector_store %arg7[%swap3A_785, %swap3A_786, %swap3A_787], %swap3A_790 {strides = array<i32>} : memref<2x80x128xf32, #tpu.memory_space<vmem>>, vector<1x1x16xf32>,
      %broadcast_in_dim3A_791 = arith.constant 0.000000e+00 : f32
      %broadcast_in_dim3A_792 = vector.broadcast %broadcast_in_dim3A_791 : f32 to vector<16xf32>
      %swap3A_793 = arith.constant 0 : i32
      %swap3A_794 = arith.index_cast %swap3A_793 : i32 to index
      %swap3A_795 = arith.index_cast %scan3A_765 : i32 to index
      %swap3A_796 = arith.constant 48 : index
      %swap3A_797 = tpu.vector_load %arg7[%swap3A_794, %swap3A_795, %swap3A_796] {strides = array<i32>} : memref<2x80x128xf32, #tpu.memory_space<vmem>>, vector<1x1x16xf32>,
      %swap3A_798 = vector.shape_cast %swap3A_797 : vector<1x1x16xf32> to vector<16xf32>
      %swap3A_799 = vector.shape_cast %broadcast_in_dim3A_792 : vector<16xf32> to vector<1x1x16xf32>
      tpu.vector_store %arg7[%swap3A_794, %swap3A_795, %swap3A_796], %swap3A_799 {strides = array<i32>} : memref<2x80x128xf32, #tpu.memory_space<vmem>>, vector<1x1x16xf32>,
      %broadcast_in_dim3A_800 = arith.constant 0.000000e+00 : f32
      %broadcast_in_dim3A_801 = vector.broadcast %broadcast_in_dim3A_800 : f32 to vector<16xf32>
      %swap3A_802 = arith.constant 0 : i32
      %swap3A_803 = arith.index_cast %swap3A_802 : i32 to index
      %swap3A_804 = arith.index_cast %scan3A_765 : i32 to index
      %swap3A_805 = arith.constant 64 : index
      %swap3A_806 = tpu.vector_load %arg7[%swap3A_803, %swap3A_804, %swap3A_805] {strides = array<i32>} : memref<2x80x128xf32, #tpu.memory_space<vmem>>, vector<1x1x16xf32>,
      %swap3A_807 = vector.shape_cast %swap3A_806 : vector<1x1x16xf32> to vector<16xf32>
      %swap3A_808 = vector.shape_cast %broadcast_in_dim3A_801 : vector<16xf32> to vector<1x1x16xf32>
      tpu.vector_store %arg7[%swap3A_803, %swap3A_804, %swap3A_805], %swap3A_808 {strides = array<i32>} : memref<2x80x128xf32, #tpu.memory_space<vmem>>, vector<1x1x16xf32>,
      %broadcast_in_dim3A_809 = arith.constant 0.000000e+00 : f32
      %broadcast_in_dim3A_810 = vector.broadcast %broadcast_in_dim3A_809 : f32 to vector<16xf32>
      %swap3A_811 = arith.constant 0 : i32
      %swap3A_812 = arith.index_cast %swap3A_811 : i32 to index
      %swap3A_813 = arith.index_cast %scan3A_765 : i32 to index
      %swap3A_814 = arith.constant 80 : index
      %swap3A_815 = tpu.vector_load %arg7[%swap3A_812, %swap3A_813, %swap3A_814] {strides = array<i32>} : memref<2x80x128xf32, #tpu.memory_space<vmem>>, vector<1x1x16xf32>,
      %swap3A_816 = vector.shape_cast %swap3A_815 : vector<1x1x16xf32> to vector<16xf32>
      %swap3A_817 = vector.shape_cast %broadcast_in_dim3A_810 : vector<16xf32> to vector<1x1x16xf32>
      tpu.vector_store %arg7[%swap3A_812, %swap3A_813, %swap3A_814], %swap3A_817 {strides = array<i32>} : memref<2x80x128xf32, #tpu.memory_space<vmem>>, vector<1x1x16xf32>,
      %broadcast_in_dim3A_818 = arith.constant 0.000000e+00 : f32
      %broadcast_in_dim3A_819 = vector.broadcast %broadcast_in_dim3A_818 : f32 to vector<16xf32>
      %swap3A_820 = arith.constant 0 : i32
      %swap3A_821 = arith.index_cast %swap3A_820 : i32 to index
      %swap3A_822 = arith.index_cast %scan3A_765 : i32 to index
      %swap3A_823 = arith.constant 96 : index
      %swap3A_824 = tpu.vector_load %arg7[%swap3A_821, %swap3A_822, %swap3A_823] {strides = array<i32>} : memref<2x80x128xf32, #tpu.memory_space<vmem>>, vector<1x1x16xf32>,
      %swap3A_825 = vector.shape_cast %swap3A_824 : vector<1x1x16xf32> to vector<16xf32>
      %swap3A_826 = vector.shape_cast %broadcast_in_dim3A_819 : vector<16xf32> to vector<1x1x16xf32>
      tpu.vector_store %arg7[%swap3A_821, %swap3A_822, %swap3A_823], %swap3A_826 {strides = array<i32>} : memref<2x80x128xf32, #tpu.memory_space<vmem>>, vector<1x1x16xf32>,
      %broadcast_in_dim3A_827 = arith.constant 0.000000e+00 : f32
      %broadcast_in_dim3A_828 = vector.broadcast %broadcast_in_dim3A_827 : f32 to vector<16xf32>
      %swap3A_829 = arith.constant 0 : i32
      %swap3A_830 = arith.index_cast %swap3A_829 : i32 to index
      %swap3A_831 = arith.index_cast %scan3A_765 : i32 to index
      %swap3A_832 = arith.constant 112 : index
      %swap3A_833 = tpu.vector_load %arg7[%swap3A_830, %swap3A_831, %swap3A_832] {strides = array<i32>} : memref<2x80x128xf32, #tpu.memory_space<vmem>>, vector<1x1x16xf32>,
      %swap3A_834 = vector.shape_cast %swap3A_833 : vector<1x1x16xf32> to vector<16xf32>
      %swap3A_835 = vector.shape_cast %broadcast_in_dim3A_828 : vector<16xf32> to vector<1x1x16xf32>
      tpu.vector_store %arg7[%swap3A_830, %swap3A_831, %swap3A_832], %swap3A_835 {strides = array<i32>} : memref<2x80x128xf32, #tpu.memory_space<vmem>>, vector<1x1x16xf32>,
    }
    %scan3A_5 = arith.constant 80 : i32
    %mul3A_6 = arith.constant 632 : i32
    %mul3A_7 = arith.muli %arg1, %mul3A_6 : i32
    %add3A_8 = arith.constant 0 : i32
    %add3A_9 = arith.addi %mul3A_7, %add3A_8 : i32
    %dma_start3A = arith.constant 0 : i32
    %dma_start3A_10 = arith.constant 0 : i32
    %dma_start3A_11 = arith.constant 0 : i32
    %dma_start3A_12 = tpu.memref_slice %arg7[%dma_start3A, %dma_start3A_10, %dma_start3A_11] : memref<2x80x128xf32, #tpu.memory_space<vmem>> -> memref<1x80x128xf32, #tpu.memory_space<vmem>>
    %dma_start3A_13 = tpu.memref_squeeze %dma_start3A_12 : memref<1x80x128xf32, #tpu.memory_space<vmem>> -> memref<80x128xf32, #tpu.memory_space<vmem>>
    %dma_start3A_14 = arith.constant 0 : i32
    %dma_start3A_15 = tpu.memref_slice %arg8[%add3A_9, %dma_start3A_14] : memref<10112x128xf32, #tpu.memory_space<vmem_shared>> -> memref<80x128xf32, #tpu.memory_space<vmem_shared>>
    %dma_start3A_16 = arith.constant 0 : i32
    %dma_start3A_17 = tpu.memref_slice %arg8[%add3A_9, %dma_start3A_16] : memref<10112x128xf32, #tpu.memory_space<vmem_shared>> -> memref<80x128xf32, #tpu.memory_space<vmem_shared>>
    %dma_start3A_18 = arith.constant 0 : i32
    %dma_start3A_19 = arith.constant 0 : i32
    %dma_start3A_20 = tpu.memref_slice %arg7[%dma_start3A, %dma_start3A_18, %dma_start3A_19] : memref<2x80x128xf32, #tpu.memory_space<vmem>> -> memref<1x80x128xf32, #tpu.memory_space<vmem>>
    %dma_start3A_21 = tpu.memref_squeeze %dma_start3A_20 : memref<1x80x128xf32, #tpu.memory_space<vmem>> -> memref<80x128xf32, #tpu.memory_space<vmem>>
    tpu.enqueue_dma source(%dma_start3A_21 : memref<80x128xf32, #tpu.memory_space<vmem>>) target(%dma_start3A_17 : memref<80x128xf32, #tpu.memory_space<vmem_shared>>) target_semaphore(%arg9 : memref<!tpu.dma_semaphore, #tpu.memory_space<semaphore_mem>>)
    %mul3A_22 = arith.constant 632 : i32
    %mul3A_23 = arith.muli %arg1, %mul3A_22 : i32
    %add3A_24 = arith.constant 80 : i32
    %add3A_25 = arith.addi %mul3A_23, %add3A_24 : i32
    %dma_start3A_26 = arith.constant 0 : i32
    %dma_start3A_27 = arith.constant 0 : i32
    %dma_start3A_28 = arith.constant 0 : i32
    %dma_start3A_29 = tpu.memref_slice %arg7[%dma_start3A_26, %dma_start3A_27, %dma_start3A_28] : memref<2x80x128xf32, #tpu.memory_space<vmem>> -> memref<1x80x128xf32, #tpu.memory_space<vmem>>
    %dma_start3A_30 = tpu.memref_squeeze %dma_start3A_29 : memref<1x80x128xf32, #tpu.memory_space<vmem>> -> memref<80x128xf32, #tpu.memory_space<vmem>>
    %dma_start3A_31 = arith.constant 0 : i32
    %dma_start3A_32 = tpu.memref_slice %arg8[%add3A_25, %dma_start3A_31] : memref<10112x128xf32, #tpu.memory_space<vmem_shared>> -> memref<80x128xf32, #tpu.memory_space<vmem_shared>>
    %dma_start3A_33 = arith.constant 0 : i32
    %dma_start3A_34 = tpu.memref_slice %arg8[%add3A_25, %dma_start3A_33] : memref<10112x128xf32, #tpu.memory_space<vmem_shared>> -> memref<80x128xf32, #tpu.memory_space<vmem_shared>>
    %dma_start3A_35 = arith.constant 0 : i32
    %dma_start3A_36 = arith.constant 0 : i32
    %dma_start3A_37 = tpu.memref_slice %arg7[%dma_start3A_26, %dma_start3A_35, %dma_start3A_36] : memref<2x80x128xf32, #tpu.memory_space<vmem>> -> memref<1x80x128xf32, #tpu.memory_space<vmem>>
    %dma_start3A_38 = tpu.memref_squeeze %dma_start3A_37 : memref<1x80x128xf32, #tpu.memory_space<vmem>> -> memref<80x128xf32, #tpu.memory_space<vmem>>
    tpu.enqueue_dma source(%dma_start3A_38 : memref<80x128xf32, #tpu.memory_space<vmem>>) target(%dma_start3A_34 : memref<80x128xf32, #tpu.memory_space<vmem_shared>>) target_semaphore(%arg9 : memref<!tpu.dma_semaphore, #tpu.memory_space<semaphore_mem>>)
    %mul3A_39 = arith.constant 632 : i32
    %mul3A_40 = arith.muli %arg1, %mul3A_39 : i32
    %add3A_41 = arith.constant 160 : i32
    %add3A_42 = arith.addi %mul3A_40, %add3A_41 : i32
    %dma_start3A_43 = arith.constant 0 : i32
    %dma_start3A_44 = arith.constant 0 : i32
    %dma_start3A_45 = arith.constant 0 : i32
    %dma_start3A_46 = tpu.memref_slice %arg7[%dma_start3A_43, %dma_start3A_44, %dma_start3A_45] : memref<2x80x128xf32, #tpu.memory_space<vmem>> -> memref<1x80x128xf32, #tpu.memory_space<vmem>>
    %dma_start3A_47 = tpu.memref_squeeze %dma_start3A_46 : memref<1x80x128xf32, #tpu.memory_space<vmem>> -> memref<80x128xf32, #tpu.memory_space<vmem>>
    %dma_start3A_48 = arith.constant 0 : i32
    %dma_start3A_49 = tpu.memref_slice %arg8[%add3A_42, %dma_start3A_48] : memref<10112x128xf32, #tpu.memory_space<vmem_shared>> -> memref<80x128xf32, #tpu.memory_space<vmem_shared>>
    %dma_start3A_50 = arith.constant 0 : i32
    %dma_start3A_51 = tpu.memref_slice %arg8[%add3A_42, %dma_start3A_50] : memref<10112x128xf32, #tpu.memory_space<vmem_shared>> -> memref<80x128xf32, #tpu.memory_space<vmem_shared>>
    %dma_start3A_52 = arith.constant 0 : i32
    %dma_start3A_53 = arith.constant 0 : i32
    %dma_start3A_54 = tpu.memref_slice %arg7[%dma_start3A_43, %dma_start3A_52, %dma_start3A_53] : memref<2x80x128xf32, #tpu.memory_space<vmem>> -> memref<1x80x128xf32, #tpu.memory_space<vmem>>
    %dma_start3A_55 = tpu.memref_squeeze %dma_start3A_54 : memref<1x80x128xf32, #tpu.memory_space<vmem>> -> memref<80x128xf32, #tpu.memory_space<vmem>>
    tpu.enqueue_dma source(%dma_start3A_55 : memref<80x128xf32, #tpu.memory_space<vmem>>) target(%dma_start3A_51 : memref<80x128xf32, #tpu.memory_space<vmem_shared>>) target_semaphore(%arg9 : memref<!tpu.dma_semaphore, #tpu.memory_space<semaphore_mem>>)
    %mul3A_56 = arith.constant 632 : i32
    %mul3A_57 = arith.muli %arg1, %mul3A_56 : i32
    %add3A_58 = arith.constant 240 : i32
    %add3A_59 = arith.addi %mul3A_57, %add3A_58 : i32
    %dma_start3A_60 = arith.constant 0 : i32
    %dma_start3A_61 = arith.constant 0 : i32
    %dma_start3A_62 = arith.constant 0 : i32
    %dma_start3A_63 = tpu.memref_slice %arg7[%dma_start3A_60, %dma_start3A_61, %dma_start3A_62] : memref<2x80x128xf32, #tpu.memory_space<vmem>> -> memref<1x80x128xf32, #tpu.memory_space<vmem>>
    %dma_start3A_64 = tpu.memref_squeeze %dma_start3A_63 : memref<1x80x128xf32, #tpu.memory_space<vmem>> -> memref<80x128xf32, #tpu.memory_space<vmem>>
    %dma_start3A_65 = arith.constant 0 : i32
    %dma_start3A_66 = tpu.memref_slice %arg8[%add3A_59, %dma_start3A_65] : memref<10112x128xf32, #tpu.memory_space<vmem_shared>> -> memref<80x128xf32, #tpu.memory_space<vmem_shared>>
    %dma_start3A_67 = arith.constant 0 : i32
    %dma_start3A_68 = tpu.memref_slice %arg8[%add3A_59, %dma_start3A_67] : memref<10112x128xf32, #tpu.memory_space<vmem_shared>> -> memref<80x128xf32, #tpu.memory_space<vmem_shared>>
    %dma_start3A_69 = arith.constant 0 : i32
    %dma_start3A_70 = arith.constant 0 : i32
    %dma_start3A_71 = tpu.memref_slice %arg7[%dma_start3A_60, %dma_start3A_69, %dma_start3A_70] : memref<2x80x128xf32, #tpu.memory_space<vmem>> -> memref<1x80x128xf32, #tpu.memory_space<vmem>>
    %dma_start3A_72 = tpu.memref_squeeze %dma_start3A_71 : memref<1x80x128xf32, #tpu.memory_space<vmem>> -> memref<80x128xf32, #tpu.memory_space<vmem>>
    tpu.enqueue_dma source(%dma_start3A_72 : memref<80x128xf32, #tpu.memory_space<vmem>>) target(%dma_start3A_68 : memref<80x128xf32, #tpu.memory_space<vmem_shared>>) target_semaphore(%arg9 : memref<!tpu.dma_semaphore, #tpu.memory_space<semaphore_mem>>)
    %mul3A_73 = arith.constant 632 : i32
    %mul3A_74 = arith.muli %arg1, %mul3A_73 : i32
    %add3A_75 = arith.constant 320 : i32
    %add3A_76 = arith.addi %mul3A_74, %add3A_75 : i32
    %dma_start3A_77 = arith.constant 0 : i32
    %dma_start3A_78 = arith.constant 0 : i32
    %dma_start3A_79 = arith.constant 0 : i32
    %dma_start3A_80 = tpu.memref_slice %arg7[%dma_start3A_77, %dma_start3A_78, %dma_start3A_79] : memref<2x80x128xf32, #tpu.memory_space<vmem>> -> memref<1x80x128xf32, #tpu.memory_space<vmem>>
    %dma_start3A_81 = tpu.memref_squeeze %dma_start3A_80 : memref<1x80x128xf32, #tpu.memory_space<vmem>> -> memref<80x128xf32, #tpu.memory_space<vmem>>
    %dma_start3A_82 = arith.constant 0 : i32
    %dma_start3A_83 = tpu.memref_slice %arg8[%add3A_76, %dma_start3A_82] : memref<10112x128xf32, #tpu.memory_space<vmem_shared>> -> memref<80x128xf32, #tpu.memory_space<vmem_shared>>
    %dma_start3A_84 = arith.constant 0 : i32
    %dma_start3A_85 = tpu.memref_slice %arg8[%add3A_76, %dma_start3A_84] : memref<10112x128xf32, #tpu.memory_space<vmem_shared>> -> memref<80x128xf32, #tpu.memory_space<vmem_shared>>
    %dma_start3A_86 = arith.constant 0 : i32
    %dma_start3A_87 = arith.constant 0 : i32
    %dma_start3A_88 = tpu.memref_slice %arg7[%dma_start3A_77, %dma_start3A_86, %dma_start3A_87] : memref<2x80x128xf32, #tpu.memory_space<vmem>> -> memref<1x80x128xf32, #tpu.memory_space<vmem>>
    %dma_start3A_89 = tpu.memref_squeeze %dma_start3A_88 : memref<1x80x128xf32, #tpu.memory_space<vmem>> -> memref<80x128xf32, #tpu.memory_space<vmem>>
    tpu.enqueue_dma source(%dma_start3A_89 : memref<80x128xf32, #tpu.memory_space<vmem>>) target(%dma_start3A_85 : memref<80x128xf32, #tpu.memory_space<vmem_shared>>) target_semaphore(%arg9 : memref<!tpu.dma_semaphore, #tpu.memory_space<semaphore_mem>>)
    %mul3A_90 = arith.constant 632 : i32
    %mul3A_91 = arith.muli %arg1, %mul3A_90 : i32
    %add3A_92 = arith.constant 400 : i32
    %add3A_93 = arith.addi %mul3A_91, %add3A_92 : i32
    %dma_start3A_94 = arith.constant 0 : i32
    %dma_start3A_95 = arith.constant 0 : i32
    %dma_start3A_96 = arith.constant 0 : i32
    %dma_start3A_97 = tpu.memref_slice %arg7[%dma_start3A_94, %dma_start3A_95, %dma_start3A_96] : memref<2x80x128xf32, #tpu.memory_space<vmem>> -> memref<1x80x128xf32, #tpu.memory_space<vmem>>
    %dma_start3A_98 = tpu.memref_squeeze %dma_start3A_97 : memref<1x80x128xf32, #tpu.memory_space<vmem>> -> memref<80x128xf32, #tpu.memory_space<vmem>>
    %dma_start3A_99 = arith.constant 0 : i32
    %dma_start3A_100 = tpu.memref_slice %arg8[%add3A_93, %dma_start3A_99] : memref<10112x128xf32, #tpu.memory_space<vmem_shared>> -> memref<80x128xf32, #tpu.memory_space<vmem_shared>>
    %dma_start3A_101 = arith.constant 0 : i32
    %dma_start3A_102 = tpu.memref_slice %arg8[%add3A_93, %dma_start3A_101] : memref<10112x128xf32, #tpu.memory_space<vmem_shared>> -> memref<80x128xf32, #tpu.memory_space<vmem_shared>>
    %dma_start3A_103 = arith.constant 0 : i32
    %dma_start3A_104 = arith.constant 0 : i32
    %dma_start3A_105 = tpu.memref_slice %arg7[%dma_start3A_94, %dma_start3A_103, %dma_start3A_104] : memref<2x80x128xf32, #tpu.memory_space<vmem>> -> memref<1x80x128xf32, #tpu.memory_space<vmem>>
    %dma_start3A_106 = tpu.memref_squeeze %dma_start3A_105 : memref<1x80x128xf32, #tpu.memory_space<vmem>> -> memref<80x128xf32, #tpu.memory_space<vmem>>
    tpu.enqueue_dma source(%dma_start3A_106 : memref<80x128xf32, #tpu.memory_space<vmem>>) target(%dma_start3A_102 : memref<80x128xf32, #tpu.memory_space<vmem_shared>>) target_semaphore(%arg9 : memref<!tpu.dma_semaphore, #tpu.memory_space<semaphore_mem>>)
    %mul3A_107 = arith.constant 632 : i32
    %mul3A_108 = arith.muli %arg1, %mul3A_107 : i32
    %add3A_109 = arith.constant 480 : i32
    %add3A_110 = arith.addi %mul3A_108, %add3A_109 : i32
    %dma_start3A_111 = arith.constant 0 : i32
    %dma_start3A_112 = arith.constant 0 : i32
    %dma_start3A_113 = arith.constant 0 : i32
    %dma_start3A_114 = tpu.memref_slice %arg7[%dma_start3A_111, %dma_start3A_112, %dma_start3A_113] : memref<2x80x128xf32, #tpu.memory_space<vmem>> -> memref<1x80x128xf32, #tpu.memory_space<vmem>>
    %dma_start3A_115 = tpu.memref_squeeze %dma_start3A_114 : memref<1x80x128xf32, #tpu.memory_space<vmem>> -> memref<80x128xf32, #tpu.memory_space<vmem>>
    %dma_start3A_116 = arith.constant 0 : i32
    %dma_start3A_117 = tpu.memref_slice %arg8[%add3A_110, %dma_start3A_116] : memref<10112x128xf32, #tpu.memory_space<vmem_shared>> -> memref<80x128xf32, #tpu.memory_space<vmem_shared>>
    %dma_start3A_118 = arith.constant 0 : i32
    %dma_start3A_119 = tpu.memref_slice %arg8[%add3A_110, %dma_start3A_118] : memref<10112x128xf32, #tpu.memory_space<vmem_shared>> -> memref<80x128xf32, #tpu.memory_space<vmem_shared>>
    %dma_start3A_120 = arith.constant 0 : i32
    %dma_start3A_121 = arith.constant 0 : i32
    %dma_start3A_122 = tpu.memref_slice %arg7[%dma_start3A_111, %dma_start3A_120, %dma_start3A_121] : memref<2x80x128xf32, #tpu.memory_space<vmem>> -> memref<1x80x128xf32, #tpu.memory_space<vmem>>
    %dma_start3A_123 = tpu.memref_squeeze %dma_start3A_122 : memref<1x80x128xf32, #tpu.memory_space<vmem>> -> memref<80x128xf32, #tpu.memory_space<vmem>>
    tpu.enqueue_dma source(%dma_start3A_123 : memref<80x128xf32, #tpu.memory_space<vmem>>) target(%dma_start3A_119 : memref<80x128xf32, #tpu.memory_space<vmem_shared>>) target_semaphore(%arg9 : memref<!tpu.dma_semaphore, #tpu.memory_space<semaphore_mem>>)
    %mul3A_124 = arith.constant 632 : i32
    %mul3A_125 = arith.muli %arg1, %mul3A_124 : i32
    %add3A_126 = arith.constant 560 : i32
    %add3A_127 = arith.addi %mul3A_125, %add3A_126 : i32
    %dma_start3A_128 = arith.constant 0 : i32
    %dma_start3A_129 = arith.constant 0 : i32
    %dma_start3A_130 = arith.constant 0 : i32
    %dma_start3A_131 = tpu.memref_slice %arg7[%dma_start3A_128, %dma_start3A_129, %dma_start3A_130] : memref<2x80x128xf32, #tpu.memory_space<vmem>> -> memref<1x72x128xf32, #tpu.memory_space<vmem>>
    %dma_start3A_132 = tpu.memref_squeeze %dma_start3A_131 : memref<1x72x128xf32, #tpu.memory_space<vmem>> -> memref<72x128xf32, #tpu.memory_space<vmem>>
    %dma_start3A_133 = arith.constant 0 : i32
    %dma_start3A_134 = tpu.memref_slice %arg8[%add3A_127, %dma_start3A_133] : memref<10112x128xf32, #tpu.memory_space<vmem_shared>> -> memref<72x128xf32, #tpu.memory_space<vmem_shared>>
    %dma_start3A_135 = arith.constant 0 : i32
    %dma_start3A_136 = tpu.memref_slice %arg8[%add3A_127, %dma_start3A_135] : memref<10112x128xf32, #tpu.memory_space<vmem_shared>> -> memref<72x128xf32, #tpu.memory_space<vmem_shared>>
    %dma_start3A_137 = arith.constant 0 : i32
    %dma_start3A_138 = arith.constant 0 : i32
    %dma_start3A_139 = tpu.memref_slice %arg7[%dma_start3A_128, %dma_start3A_137, %dma_start3A_138] : memref<2x80x128xf32, #tpu.memory_space<vmem>> -> memref<1x72x128xf32, #tpu.memory_space<vmem>>
    %dma_start3A_140 = tpu.memref_squeeze %dma_start3A_139 : memref<1x72x128xf32, #tpu.memory_space<vmem>> -> memref<72x128xf32, #tpu.memory_space<vmem>>
    tpu.enqueue_dma source(%dma_start3A_140 : memref<72x128xf32, #tpu.memory_space<vmem>>) target(%dma_start3A_136 : memref<72x128xf32, #tpu.memory_space<vmem_shared>>) target_semaphore(%arg10 : memref<!tpu.dma_semaphore, #tpu.memory_space<semaphore_mem>>)
    %mul3A_141 = arith.constant 632 : i32
    %mul3A_142 = arith.muli %arg1, %mul3A_141 : i32
    %add3A_143 = arith.constant 0 : i32
    %add3A_144 = arith.addi %mul3A_142, %add3A_143 : i32
    %dma_wait3A = arith.constant 0 : i32
    %dma_wait3A_145 = arith.constant 0 : i32
    %dma_wait3A_146 = arith.constant 0 : i32
    %dma_wait3A_147 = tpu.memref_slice %arg7[%dma_wait3A, %dma_wait3A_145, %dma_wait3A_146] : memref<2x80x128xf32, #tpu.memory_space<vmem>> -> memref<1x80x128xf32, #tpu.memory_space<vmem>>
    %dma_wait3A_148 = tpu.memref_squeeze %dma_wait3A_147 : memref<1x80x128xf32, #tpu.memory_space<vmem>> -> memref<80x128xf32, #tpu.memory_space<vmem>>
    %dma_wait3A_149 = arith.constant 0 : i32
    %dma_wait3A_150 = tpu.memref_slice %arg8[%add3A_144, %dma_wait3A_149] : memref<10112x128xf32, #tpu.memory_space<vmem_shared>> -> memref<80x128xf32, #tpu.memory_space<vmem_shared>>
    %dma_wait3A_151 = arith.constant 0 : i32
    %dma_wait3A_152 = tpu.memref_slice %arg8[%add3A_144, %dma_wait3A_151] : memref<10112x128xf32, #tpu.memory_space<vmem_shared>> -> memref<80x128xf32, #tpu.memory_space<vmem_shared>>
    %dma_wait3A_153 = arith.constant 0 : i32
    %dma_wait3A_154 = arith.constant 0 : i32
    %dma_wait3A_155 = tpu.memref_slice %arg7[%dma_wait3A, %dma_wait3A_153, %dma_wait3A_154] : memref<2x80x128xf32, #tpu.memory_space<vmem>> -> memref<1x80x128xf32, #tpu.memory_space<vmem>>
    %dma_wait3A_156 = tpu.memref_squeeze %dma_wait3A_155 : memref<1x80x128xf32, #tpu.memory_space<vmem>> -> memref<80x128xf32, #tpu.memory_space<vmem>>
    tpu.wait_dma2 semaphore(%arg9 : memref<!tpu.dma_semaphore, #tpu.memory_space<semaphore_mem>>) src(%dma_wait3A_156 : memref<80x128xf32, #tpu.memory_space<vmem>>) dst(%dma_wait3A_152 : memref<80x128xf32, #tpu.memory_space<vmem_shared>>)
    %mul3A_157 = arith.constant 632 : i32
    %mul3A_158 = arith.muli %arg1, %mul3A_157 : i32
    %add3A_159 = arith.constant 80 : i32
    %add3A_160 = arith.addi %mul3A_158, %add3A_159 : i32
    %dma_wait3A_161 = arith.constant 0 : i32
    %dma_wait3A_162 = arith.constant 0 : i32
    %dma_wait3A_163 = arith.constant 0 : i32
    %dma_wait3A_164 = tpu.memref_slice %arg7[%dma_wait3A_161, %dma_wait3A_162, %dma_wait3A_163] : memref<2x80x128xf32, #tpu.memory_space<vmem>> -> memref<1x80x128xf32, #tpu.memory_space<vmem>>
    %dma_wait3A_165 = tpu.memref_squeeze %dma_wait3A_164 : memref<1x80x128xf32, #tpu.memory_space<vmem>> -> memref<80x128xf32, #tpu.memory_space<vmem>>
    %dma_wait3A_166 = arith.constant 0 : i32
    %dma_wait3A_167 = tpu.memref_slice %arg8[%add3A_160, %dma_wait3A_166] : memref<10112x128xf32, #tpu.memory_space<vmem_shared>> -> memref<80x128xf32, #tpu.memory_space<vmem_shared>>
    %dma_wait3A_168 = arith.constant 0 : i32
    %dma_wait3A_169 = tpu.memref_slice %arg8[%add3A_160, %dma_wait3A_168] : memref<10112x128xf32, #tpu.memory_space<vmem_shared>> -> memref<80x128xf32, #tpu.memory_space<vmem_shared>>
    %dma_wait3A_170 = arith.constant 0 : i32
    %dma_wait3A_171 = arith.constant 0 : i32
    %dma_wait3A_172 = tpu.memref_slice %arg7[%dma_wait3A_161, %dma_wait3A_170, %dma_wait3A_171] : memref<2x80x128xf32, #tpu.memory_space<vmem>> -> memref<1x80x128xf32, #tpu.memory_space<vmem>>
    %dma_wait3A_173 = tpu.memref_squeeze %dma_wait3A_172 : memref<1x80x128xf32, #tpu.memory_space<vmem>> -> memref<80x128xf32, #tpu.memory_space<vmem>>
    tpu.wait_dma2 semaphore(%arg9 : memref<!tpu.dma_semaphore, #tpu.memory_space<semaphore_mem>>) src(%dma_wait3A_173 : memref<80x128xf32, #tpu.memory_space<vmem>>) dst(%dma_wait3A_169 : memref<80x128xf32, #tpu.memory_space<vmem_shared>>)
    %mul3A_174 = arith.constant 632 : i32
    %mul3A_175 = arith.muli %arg1, %mul3A_174 : i32
    %add3A_176 = arith.constant 160 : i32
    %add3A_177 = arith.addi %mul3A_175, %add3A_176 : i32
    %dma_wait3A_178 = arith.constant 0 : i32
    %dma_wait3A_179 = arith.constant 0 : i32
    %dma_wait3A_180 = arith.constant 0 : i32
    %dma_wait3A_181 = tpu.memref_slice %arg7[%dma_wait3A_178, %dma_wait3A_179, %dma_wait3A_180] : memref<2x80x128xf32, #tpu.memory_space<vmem>> -> memref<1x80x128xf32, #tpu.memory_space<vmem>>
    %dma_wait3A_182 = tpu.memref_squeeze %dma_wait3A_181 : memref<1x80x128xf32, #tpu.memory_space<vmem>> -> memref<80x128xf32, #tpu.memory_space<vmem>>
    %dma_wait3A_183 = arith.constant 0 : i32
    %dma_wait3A_184 = tpu.memref_slice %arg8[%add3A_177, %dma_wait3A_183] : memref<10112x128xf32, #tpu.memory_space<vmem_shared>> -> memref<80x128xf32, #tpu.memory_space<vmem_shared>>
    %dma_wait3A_185 = arith.constant 0 : i32
    %dma_wait3A_186 = tpu.memref_slice %arg8[%add3A_177, %dma_wait3A_185] : memref<10112x128xf32, #tpu.memory_space<vmem_shared>> -> memref<80x128xf32, #tpu.memory_space<vmem_shared>>
    %dma_wait3A_187 = arith.constant 0 : i32
    %dma_wait3A_188 = arith.constant 0 : i32
    %dma_wait3A_189 = tpu.memref_slice %arg7[%dma_wait3A_178, %dma_wait3A_187, %dma_wait3A_188] : memref<2x80x128xf32, #tpu.memory_space<vmem>> -> memref<1x80x128xf32, #tpu.memory_space<vmem>>
    %dma_wait3A_190 = tpu.memref_squeeze %dma_wait3A_189 : memref<1x80x128xf32, #tpu.memory_space<vmem>> -> memref<80x128xf32, #tpu.memory_space<vmem>>
    tpu.wait_dma2 semaphore(%arg9 : memref<!tpu.dma_semaphore, #tpu.memory_space<semaphore_mem>>) src(%dma_wait3A_190 : memref<80x128xf32, #tpu.memory_space<vmem>>) dst(%dma_wait3A_186 : memref<80x128xf32, #tpu.memory_space<vmem_shared>>)
    %mul3A_191 = arith.constant 632 : i32
    %mul3A_192 = arith.muli %arg1, %mul3A_191 : i32
    %add3A_193 = arith.constant 240 : i32
    %add3A_194 = arith.addi %mul3A_192, %add3A_193 : i32
    %dma_wait3A_195 = arith.constant 0 : i32
    %dma_wait3A_196 = arith.constant 0 : i32
    %dma_wait3A_197 = arith.constant 0 : i32
    %dma_wait3A_198 = tpu.memref_slice %arg7[%dma_wait3A_195, %dma_wait3A_196, %dma_wait3A_197] : memref<2x80x128xf32, #tpu.memory_space<vmem>> -> memref<1x80x128xf32, #tpu.memory_space<vmem>>
    %dma_wait3A_199 = tpu.memref_squeeze %dma_wait3A_198 : memref<1x80x128xf32, #tpu.memory_space<vmem>> -> memref<80x128xf32, #tpu.memory_space<vmem>>
    %dma_wait3A_200 = arith.constant 0 : i32
    %dma_wait3A_201 = tpu.memref_slice %arg8[%add3A_194, %dma_wait3A_200] : memref<10112x128xf32, #tpu.memory_space<vmem_shared>> -> memref<80x128xf32, #tpu.memory_space<vmem_shared>>
    %dma_wait3A_202 = arith.constant 0 : i32
    %dma_wait3A_203 = tpu.memref_slice %arg8[%add3A_194, %dma_wait3A_202] : memref<10112x128xf32, #tpu.memory_space<vmem_shared>> -> memref<80x128xf32, #tpu.memory_space<vmem_shared>>
    %dma_wait3A_204 = arith.constant 0 : i32
    %dma_wait3A_205 = arith.constant 0 : i32
    %dma_wait3A_206 = tpu.memref_slice %arg7[%dma_wait3A_195, %dma_wait3A_204, %dma_wait3A_205] : memref<2x80x128xf32, #tpu.memory_space<vmem>> -> memref<1x80x128xf32, #tpu.memory_space<vmem>>
    %dma_wait3A_207 = tpu.memref_squeeze %dma_wait3A_206 : memref<1x80x128xf32, #tpu.memory_space<vmem>> -> memref<80x128xf32, #tpu.memory_space<vmem>>
    tpu.wait_dma2 semaphore(%arg9 : memref<!tpu.dma_semaphore, #tpu.memory_space<semaphore_mem>>) src(%dma_wait3A_207 : memref<80x128xf32, #tpu.memory_space<vmem>>) dst(%dma_wait3A_203 : memref<80x128xf32, #tpu.memory_space<vmem_shared>>)
    %mul3A_208 = arith.constant 632 : i32
    %mul3A_209 = arith.muli %arg1, %mul3A_208 : i32
    %add3A_210 = arith.constant 320 : i32
    %add3A_211 = arith.addi %mul3A_209, %add3A_210 : i32
    %dma_wait3A_212 = arith.constant 0 : i32
    %dma_wait3A_213 = arith.constant 0 : i32
    %dma_wait3A_214 = arith.constant 0 : i32
    %dma_wait3A_215 = tpu.memref_slice %arg7[%dma_wait3A_212, %dma_wait3A_213, %dma_wait3A_214] : memref<2x80x128xf32, #tpu.memory_space<vmem>> -> memref<1x80x128xf32, #tpu.memory_space<vmem>>
    %dma_wait3A_216 = tpu.memref_squeeze %dma_wait3A_215 : memref<1x80x128xf32, #tpu.memory_space<vmem>> -> memref<80x128xf32, #tpu.memory_space<vmem>>
    %dma_wait3A_217 = arith.constant 0 : i32
    %dma_wait3A_218 = tpu.memref_slice %arg8[%add3A_211, %dma_wait3A_217] : memref<10112x128xf32, #tpu.memory_space<vmem_shared>> -> memref<80x128xf32, #tpu.memory_space<vmem_shared>>
    %dma_wait3A_219 = arith.constant 0 : i32
    %dma_wait3A_220 = tpu.memref_slice %arg8[%add3A_211, %dma_wait3A_219] : memref<10112x128xf32, #tpu.memory_space<vmem_shared>> -> memref<80x128xf32, #tpu.memory_space<vmem_shared>>
    %dma_wait3A_221 = arith.constant 0 : i32
    %dma_wait3A_222 = arith.constant 0 : i32
    %dma_wait3A_223 = tpu.memref_slice %arg7[%dma_wait3A_212, %dma_wait3A_221, %dma_wait3A_222] : memref<2x80x128xf32, #tpu.memory_space<vmem>> -> memref<1x80x128xf32, #tpu.memory_space<vmem>>
    %dma_wait3A_224 = tpu.memref_squeeze %dma_wait3A_223 : memref<1x80x128xf32, #tpu.memory_space<vmem>> -> memref<80x128xf32, #tpu.memory_space<vmem>>
    tpu.wait_dma2 semaphore(%arg9 : memref<!tpu.dma_semaphore, #tpu.memory_space<semaphore_mem>>) src(%dma_wait3A_224 : memref<80x128xf32, #tpu.memory_space<vmem>>) dst(%dma_wait3A_220 : memref<80x128xf32, #tpu.memory_space<vmem_shared>>)
    %mul3A_225 = arith.constant 632 : i32
    %mul3A_226 = arith.muli %arg1, %mul3A_225 : i32
    %add3A_227 = arith.constant 400 : i32
    %add3A_228 = arith.addi %mul3A_226, %add3A_227 : i32
    %dma_wait3A_229 = arith.constant 0 : i32
    %dma_wait3A_230 = arith.constant 0 : i32
    %dma_wait3A_231 = arith.constant 0 : i32
    %dma_wait3A_232 = tpu.memref_slice %arg7[%dma_wait3A_229, %dma_wait3A_230, %dma_wait3A_231] : memref<2x80x128xf32, #tpu.memory_space<vmem>> -> memref<1x80x128xf32, #tpu.memory_space<vmem>>
    %dma_wait3A_233 = tpu.memref_squeeze %dma_wait3A_232 : memref<1x80x128xf32, #tpu.memory_space<vmem>> -> memref<80x128xf32, #tpu.memory_space<vmem>>
    %dma_wait3A_234 = arith.constant 0 : i32
    %dma_wait3A_235 = tpu.memref_slice %arg8[%add3A_228, %dma_wait3A_234] : memref<10112x128xf32, #tpu.memory_space<vmem_shared>> -> memref<80x128xf32, #tpu.memory_space<vmem_shared>>
    %dma_wait3A_236 = arith.constant 0 : i32
    %dma_wait3A_237 = tpu.memref_slice %arg8[%add3A_228, %dma_wait3A_236] : memref<10112x128xf32, #tpu.memory_space<vmem_shared>> -> memref<80x128xf32, #tpu.memory_space<vmem_shared>>
    %dma_wait3A_238 = arith.constant 0 : i32
    %dma_wait3A_239 = arith.constant 0 : i32
    %dma_wait3A_240 = tpu.memref_slice %arg7[%dma_wait3A_229, %dma_wait3A_238, %dma_wait3A_239] : memref<2x80x128xf32, #tpu.memory_space<vmem>> -> memref<1x80x128xf32, #tpu.memory_space<vmem>>
    %dma_wait3A_241 = tpu.memref_squeeze %dma_wait3A_240 : memref<1x80x128xf32, #tpu.memory_space<vmem>> -> memref<80x128xf32, #tpu.memory_space<vmem>>
    tpu.wait_dma2 semaphore(%arg9 : memref<!tpu.dma_semaphore, #tpu.memory_space<semaphore_mem>>) src(%dma_wait3A_241 : memref<80x128xf32, #tpu.memory_space<vmem>>) dst(%dma_wait3A_237 : memref<80x128xf32, #tpu.memory_space<vmem_shared>>)
    %mul3A_242 = arith.constant 632 : i32
    %mul3A_243 = arith.muli %arg1, %mul3A_242 : i32
    %add3A_244 = arith.constant 480 : i32
    %add3A_245 = arith.addi %mul3A_243, %add3A_244 : i32
    %dma_wait3A_246 = arith.constant 0 : i32
    %dma_wait3A_247 = arith.constant 0 : i32
    %dma_wait3A_248 = arith.constant 0 : i32
    %dma_wait3A_249 = tpu.memref_slice %arg7[%dma_wait3A_246, %dma_wait3A_247, %dma_wait3A_248] : memref<2x80x128xf32, #tpu.memory_space<vmem>> -> memref<1x80x128xf32, #tpu.memory_space<vmem>>
    %dma_wait3A_250 = tpu.memref_squeeze %dma_wait3A_249 : memref<1x80x128xf32, #tpu.memory_space<vmem>> -> memref<80x128xf32, #tpu.memory_space<vmem>>
    %dma_wait3A_251 = arith.constant 0 : i32
    %dma_wait3A_252 = tpu.memref_slice %arg8[%add3A_245, %dma_wait3A_251] : memref<10112x128xf32, #tpu.memory_space<vmem_shared>> -> memref<80x128xf32, #tpu.memory_space<vmem_shared>>
    %dma_wait3A_253 = arith.constant 0 : i32
    %dma_wait3A_254 = tpu.memref_slice %arg8[%add3A_245, %dma_wait3A_253] : memref<10112x128xf32, #tpu.memory_space<vmem_shared>> -> memref<80x128xf32, #tpu.memory_space<vmem_shared>>
    %dma_wait3A_255 = arith.constant 0 : i32
    %dma_wait3A_256 = arith.constant 0 : i32
    %dma_wait3A_257 = tpu.memref_slice %arg7[%dma_wait3A_246, %dma_wait3A_255, %dma_wait3A_256] : memref<2x80x128xf32, #tpu.memory_space<vmem>> -> memref<1x80x128xf32, #tpu.memory_space<vmem>>
    %dma_wait3A_258 = tpu.memref_squeeze %dma_wait3A_257 : memref<1x80x128xf32, #tpu.memory_space<vmem>> -> memref<80x128xf32, #tpu.memory_space<vmem>>
    tpu.wait_dma2 semaphore(%arg9 : memref<!tpu.dma_semaphore, #tpu.memory_space<semaphore_mem>>) src(%dma_wait3A_258 : memref<80x128xf32, #tpu.memory_space<vmem>>) dst(%dma_wait3A_254 : memref<80x128xf32, #tpu.memory_space<vmem_shared>>)
    %mul3A_259 = arith.constant 632 : i32
    %mul3A_260 = arith.muli %arg1, %mul3A_259 : i32
    %add3A_261 = arith.constant 560 : i32
    %add3A_262 = arith.addi %mul3A_260, %add3A_261 : i32
    %dma_wait3A_263 = arith.constant 0 : i32
    %dma_wait3A_264 = arith.constant 0 : i32
    %dma_wait3A_265 = arith.constant 0 : i32
    %dma_wait3A_266 = tpu.memref_slice %arg7[%dma_wait3A_263, %dma_wait3A_264, %dma_wait3A_265] : memref<2x80x128xf32, #tpu.memory_space<vmem>> -> memref<1x72x128xf32, #tpu.memory_space<vmem>>
    %dma_wait3A_267 = tpu.memref_squeeze %dma_wait3A_266 : memref<1x72x128xf32, #tpu.memory_space<vmem>> -> memref<72x128xf32, #tpu.memory_space<vmem>>
    %dma_wait3A_268 = arith.constant 0 : i32
    %dma_wait3A_269 = tpu.memref_slice %arg8[%add3A_262, %dma_wait3A_268] : memref<10112x128xf32, #tpu.memory_space<vmem_shared>> -> memref<72x128xf32, #tpu.memory_space<vmem_shared>>
    %dma_wait3A_270 = arith.constant 0 : i32
    %dma_wait3A_271 = tpu.memref_slice %arg8[%add3A_262, %dma_wait3A_270] : memref<10112x128xf32, #tpu.memory_space<vmem_shared>> -> memref<72x128xf32, #tpu.memory_space<vmem_shared>>
    %dma_wait3A_272 = arith.constant 0 : i32
    %dma_wait3A_273 = arith.constant 0 : i32
    %dma_wait3A_274 = tpu.memref_slice %arg7[%dma_wait3A_263, %dma_wait3A_272, %dma_wait3A_273] : memref<2x80x128xf32, #tpu.memory_space<vmem>> -> memref<1x72x128xf32, #tpu.memory_space<vmem>>
    %dma_wait3A_275 = tpu.memref_squeeze %dma_wait3A_274 : memref<1x72x128xf32, #tpu.memory_space<vmem>> -> memref<72x128xf32, #tpu.memory_space<vmem>>
    tpu.wait_dma2 semaphore(%arg10 : memref<!tpu.dma_semaphore, #tpu.memory_space<semaphore_mem>>) src(%dma_wait3A_275 : memref<72x128xf32, #tpu.memory_space<vmem>>) dst(%dma_wait3A_271 : memref<72x128xf32, #tpu.memory_space<vmem_shared>>)
    %barrier3A = arith.constant 0 : index
    tpu.barrier barrier_id(%barrier3A)
    %run_scoped3A = arith.constant 0 : i32
    %run_scoped3A_276 = arith.constant 0 : i32
    %run_scoped3A_277 = arith.constant 0 : i32
    "tpu.region"() ({
      %run_scoped3A_765 = tpu.sem_alloc : memref<!tpu.dma_semaphore, #tpu.memory_space<semaphore_mem>>
      %dma_start3A_766 = arith.constant 0 : i32
      %dma_start3A_767 = arith.constant 0 : i32
      %dma_start3A_768 = tpu.memref_slice %arg5[%run_scoped3A_277, %dma_start3A_766, %dma_start3A_767] : memref<2x25x80xi32, #tpu.memory_space<vmem>> -> memref<1x25x80xi32, #tpu.memory_space<vmem>>
      %dma_start3A_769 = tpu.memref_squeeze %dma_start3A_768 : memref<1x25x80xi32, #tpu.memory_space<vmem>> -> memref<25x80xi32, #tpu.memory_space<vmem>>
      %dma_start3A_770 = arith.constant 0 : i32
      %dma_start3A_771 = arith.constant 0 : i32
      %dma_start3A_772 = tpu.memref_slice %arg3[%run_scoped3A, %add3A, %run_scoped3A_276, %dma_start3A_770, %dma_start3A_771] : memref<2x32x5x25x80xi32, #tpu.memory_space<hbm>> -> memref<1x1x1x25x80xi32, #tpu.memory_space<hbm>>
      %dma_start3A_773 = tpu.memref_squeeze %dma_start3A_772 : memref<1x1x1x25x80xi32, #tpu.memory_space<hbm>> -> memref<25x80xi32, #tpu.memory_space<hbm>>
      %dma_start3A_774 = arith.constant 0 : i32
      %dma_start3A_775 = arith.constant 0 : i32
      %dma_start3A_776 = tpu.memref_slice %arg5[%run_scoped3A_277, %dma_start3A_774, %dma_start3A_775] : memref<2x25x80xi32, #tpu.memory_space<vmem>> -> memref<1x25x80xi32, #tpu.memory_space<vmem>>
      %dma_start3A_777 = tpu.memref_squeeze %dma_start3A_776 : memref<1x25x80xi32, #tpu.memory_space<vmem>> -> memref<25x80xi32, #tpu.memory_space<vmem>>
      %dma_start3A_778 = arith.constant 0 : i32
      %dma_start3A_779 = arith.constant 0 : i32
      %dma_start3A_780 = tpu.memref_slice %arg3[%run_scoped3A, %add3A, %run_scoped3A_276, %dma_start3A_778, %dma_start3A_779] : memref<2x32x5x25x80xi32, #tpu.memory_space<hbm>> -> memref<1x1x1x25x80xi32, #tpu.memory_space<hbm>>
      %dma_start3A_781 = tpu.memref_squeeze %dma_start3A_780 : memref<1x1x1x25x80xi32, #tpu.memory_space<hbm>> -> memref<25x80xi32, #tpu.memory_space<hbm>>
      tpu.enqueue_dma source(%dma_start3A_781 : memref<25x80xi32, #tpu.memory_space<hbm>>) target(%dma_start3A_777 : memref<25x80xi32, #tpu.memory_space<vmem>>) target_semaphore(%run_scoped3A_765 : memref<!tpu.dma_semaphore, #tpu.memory_space<semaphore_mem>>)
      %dma_wait3A_782 = arith.constant 0 : i32
      %dma_wait3A_783 = arith.constant 0 : i32
      %dma_wait3A_784 = tpu.memref_slice %arg5[%run_scoped3A_277, %dma_wait3A_782, %dma_wait3A_783] : memref<2x25x80xi32, #tpu.memory_space<vmem>> -> memref<1x25x80xi32, #tpu.memory_space<vmem>>
      %dma_wait3A_785 = tpu.memref_squeeze %dma_wait3A_784 : memref<1x25x80xi32, #tpu.memory_space<vmem>> -> memref<25x80xi32, #tpu.memory_space<vmem>>
      %dma_wait3A_786 = arith.constant 0 : i32
      %dma_wait3A_787 = arith.constant 0 : i32
      %dma_wait3A_788 = tpu.memref_slice %arg3[%run_scoped3A, %add3A, %run_scoped3A_276, %dma_wait3A_786, %dma_wait3A_787] : memref<2x32x5x25x80xi32, #tpu.memory_space<hbm>> -> memref<1x1x1x25x80xi32, #tpu.memory_space<hbm>>
      %dma_wait3A_789 = tpu.memref_squeeze %dma_wait3A_788 : memref<1x1x1x25x80xi32, #tpu.memory_space<hbm>> -> memref<25x80xi32, #tpu.memory_space<hbm>>
      %dma_wait3A_790 = arith.constant 0 : i32
      %dma_wait3A_791 = arith.constant 0 : i32
      %dma_wait3A_792 = tpu.memref_slice %arg5[%run_scoped3A_277, %dma_wait3A_790, %dma_wait3A_791] : memref<2x25x80xi32, #tpu.memory_space<vmem>> -> memref<1x25x80xi32, #tpu.memory_space<vmem>>
      %dma_wait3A_793 = tpu.memref_squeeze %dma_wait3A_792 : memref<1x25x80xi32, #tpu.memory_space<vmem>> -> memref<25x80xi32, #tpu.memory_space<vmem>>
      %dma_wait3A_794 = arith.constant 0 : i32
      %dma_wait3A_795 = arith.constant 0 : i32
      %dma_wait3A_796 = tpu.memref_slice %arg3[%run_scoped3A, %add3A, %run_scoped3A_276, %dma_wait3A_794, %dma_wait3A_795] : memref<2x32x5x25x80xi32, #tpu.memory_space<hbm>> -> memref<1x1x1x25x80xi32, #tpu.memory_space<hbm>>
      %dma_wait3A_797 = tpu.memref_squeeze %dma_wait3A_796 : memref<1x1x1x25x80xi32, #tpu.memory_space<hbm>> -> memref<25x80xi32, #tpu.memory_space<hbm>>
      tpu.wait_dma2 semaphore(%run_scoped3A_765 : memref<!tpu.dma_semaphore, #tpu.memory_space<semaphore_mem>>) src(%dma_wait3A_797 : memref<25x80xi32, #tpu.memory_space<hbm>>) dst(%dma_wait3A_793 : memref<25x80xi32, #tpu.memory_space<vmem>>)
      tpu.yield
    }) : () -> ()
    %run_scoped3A_278 = arith.constant 1 : i32
    %run_scoped3A_279 = arith.constant 0 : i32
    %run_scoped3A_280 = arith.constant 0 : i32
    "tpu.region"() ({
      %run_scoped3A_765 = tpu.sem_alloc : memref<!tpu.dma_semaphore, #tpu.memory_space<semaphore_mem>>
      %dma_start3A_766 = arith.constant 0 : i32
      %dma_start3A_767 = arith.constant 0 : i32
      %dma_start3A_768 = tpu.memref_slice %arg6[%run_scoped3A_280, %dma_start3A_766, %dma_start3A_767] : memref<2x25x80xi32, #tpu.memory_space<vmem>> -> memref<1x25x80xi32, #tpu.memory_space<vmem>>
      %dma_start3A_769 = tpu.memref_squeeze %dma_start3A_768 : memref<1x25x80xi32, #tpu.memory_space<vmem>> -> memref<25x80xi32, #tpu.memory_space<vmem>>
      %dma_start3A_770 = arith.constant 0 : i32
      %dma_start3A_771 = arith.constant 0 : i32
      %dma_start3A_772 = tpu.memref_slice %arg3[%run_scoped3A_278, %add3A, %run_scoped3A_279, %dma_start3A_770, %dma_start3A_771] : memref<2x32x5x25x80xi32, #tpu.memory_space<hbm>> -> memref<1x1x1x25x80xi32, #tpu.memory_space<hbm>>
      %dma_start3A_773 = tpu.memref_squeeze %dma_start3A_772 : memref<1x1x1x25x80xi32, #tpu.memory_space<hbm>> -> memref<25x80xi32, #tpu.memory_space<hbm>>
      %dma_start3A_774 = arith.constant 0 : i32
      %dma_start3A_775 = arith.constant 0 : i32
      %dma_start3A_776 = tpu.memref_slice %arg6[%run_scoped3A_280, %dma_start3A_774, %dma_start3A_775] : memref<2x25x80xi32, #tpu.memory_space<vmem>> -> memref<1x25x80xi32, #tpu.memory_space<vmem>>
      %dma_start3A_777 = tpu.memref_squeeze %dma_start3A_776 : memref<1x25x80xi32, #tpu.memory_space<vmem>> -> memref<25x80xi32, #tpu.memory_space<vmem>>
      %dma_start3A_778 = arith.constant 0 : i32
      %dma_start3A_779 = arith.constant 0 : i32
      %dma_start3A_780 = tpu.memref_slice %arg3[%run_scoped3A_278, %add3A, %run_scoped3A_279, %dma_start3A_778, %dma_start3A_779] : memref<2x32x5x25x80xi32, #tpu.memory_space<hbm>> -> memref<1x1x1x25x80xi32, #tpu.memory_space<hbm>>
      %dma_start3A_781 = tpu.memref_squeeze %dma_start3A_780 : memref<1x1x1x25x80xi32, #tpu.memory_space<hbm>> -> memref<25x80xi32, #tpu.memory_space<hbm>>
      tpu.enqueue_dma source(%dma_start3A_781 : memref<25x80xi32, #tpu.memory_space<hbm>>) target(%dma_start3A_777 : memref<25x80xi32, #tpu.memory_space<vmem>>) target_semaphore(%run_scoped3A_765 : memref<!tpu.dma_semaphore, #tpu.memory_space<semaphore_mem>>)
      %dma_wait3A_782 = arith.constant 0 : i32
      %dma_wait3A_783 = arith.constant 0 : i32
      %dma_wait3A_784 = tpu.memref_slice %arg6[%run_scoped3A_280, %dma_wait3A_782, %dma_wait3A_783] : memref<2x25x80xi32, #tpu.memory_space<vmem>> -> memref<1x25x80xi32, #tpu.memory_space<vmem>>
      %dma_wait3A_785 = tpu.memref_squeeze %dma_wait3A_784 : memref<1x25x80xi32, #tpu.memory_space<vmem>> -> memref<25x80xi32, #tpu.memory_space<vmem>>
      %dma_wait3A_786 = arith.constant 0 : i32
      %dma_wait3A_787 = arith.constant 0 : i32
      %dma_wait3A_788 = tpu.memref_slice %arg3[%run_scoped3A_278, %add3A, %run_scoped3A_279, %dma_wait3A_786, %dma_wait3A_787] : memref<2x32x5x25x80xi32, #tpu.memory_space<hbm>> -> memref<1x1x1x25x80xi32, #tpu.memory_space<hbm>>
      %dma_wait3A_789 = tpu.memref_squeeze %dma_wait3A_788 : memref<1x1x1x25x80xi32, #tpu.memory_space<hbm>> -> memref<25x80xi32, #tpu.memory_space<hbm>>
      %dma_wait3A_790 = arith.constant 0 : i32
      %dma_wait3A_791 = arith.constant 0 : i32
      %dma_wait3A_792 = tpu.memref_slice %arg6[%run_scoped3A_280, %dma_wait3A_790, %dma_wait3A_791] : memref<2x25x80xi32, #tpu.memory_space<vmem>> -> memref<1x25x80xi32, #tpu.memory_space<vmem>>
      %dma_wait3A_793 = tpu.memref_squeeze %dma_wait3A_792 : memref<1x25x80xi32, #tpu.memory_space<vmem>> -> memref<25x80xi32, #tpu.memory_space<vmem>>
      %dma_wait3A_794 = arith.constant 0 : i32
      %dma_wait3A_795 = arith.constant 0 : i32
      %dma_wait3A_796 = tpu.memref_slice %arg3[%run_scoped3A_278, %add3A, %run_scoped3A_279, %dma_wait3A_794, %dma_wait3A_795] : memref<2x32x5x25x80xi32, #tpu.memory_space<hbm>> -> memref<1x1x1x25x80xi32, #tpu.memory_space<hbm>>
      %dma_wait3A_797 = tpu.memref_squeeze %dma_wait3A_796 : memref<1x1x1x25x80xi32, #tpu.memory_space<hbm>> -> memref<25x80xi32, #tpu.memory_space<hbm>>
      tpu.wait_dma2 semaphore(%run_scoped3A_765 : memref<!tpu.dma_semaphore, #tpu.memory_space<semaphore_mem>>) src(%dma_wait3A_797 : memref<25x80xi32, #tpu.memory_space<hbm>>) dst(%dma_wait3A_793 : memref<25x80xi32, #tpu.memory_space<vmem>>)
      tpu.yield
    }) : () -> ()
    %dma_start3A_281 = arith.constant 0 : i32
    %dma_start3A_282 = arith.constant 1 : i32
    %dma_start3A_283 = arith.constant 1 : i32
    %dma_start3A_284 = arith.constant 0 : i32
    %dma_start3A_285 = arith.constant 0 : i32
    %dma_start3A_286 = tpu.memref_slice %arg5[%dma_start3A_283, %dma_start3A_284, %dma_start3A_285] : memref<2x25x80xi32, #tpu.memory_space<vmem>> -> memref<1x25x80xi32, #tpu.memory_space<vmem>>
    %dma_start3A_287 = tpu.memref_squeeze %dma_start3A_286 : memref<1x25x80xi32, #tpu.memory_space<vmem>> -> memref<25x80xi32, #tpu.memory_space<vmem>>
    %dma_start3A_288 = arith.constant 0 : i32
    %dma_start3A_289 = arith.constant 0 : i32
    %dma_start3A_290 = tpu.memref_slice %arg3[%dma_start3A_281, %add3A, %dma_start3A_282, %dma_start3A_288, %dma_start3A_289] : memref<2x32x5x25x80xi32, #tpu.memory_space<hbm>> -> memref<1x1x1x25x80xi32, #tpu.memory_space<hbm>>
    %dma_start3A_291 = tpu.memref_squeeze %dma_start3A_290 : memref<1x1x1x25x80xi32, #tpu.memory_space<hbm>> -> memref<25x80xi32, #tpu.memory_space<hbm>>
    %dma_start3A_292 = arith.constant 0 : i32
    %dma_start3A_293 = arith.constant 0 : i32
    %dma_start3A_294 = tpu.memref_slice %arg5[%dma_start3A_283, %dma_start3A_292, %dma_start3A_293] : memref<2x25x80xi32, #tpu.memory_space<vmem>> -> memref<1x25x80xi32, #tpu.memory_space<vmem>>
    %dma_start3A_295 = tpu.memref_squeeze %dma_start3A_294 : memref<1x25x80xi32, #tpu.memory_space<vmem>> -> memref<25x80xi32, #tpu.memory_space<vmem>>
    %dma_start3A_296 = arith.constant 0 : i32
    %dma_start3A_297 = arith.constant 0 : i32
    %dma_start3A_298 = tpu.memref_slice %arg3[%dma_start3A_281, %add3A, %dma_start3A_282, %dma_start3A_296, %dma_start3A_297] : memref<2x32x5x25x80xi32, #tpu.memory_space<hbm>> -> memref<1x1x1x25x80xi32, #tpu.memory_space<hbm>>
    %dma_start3A_299 = tpu.memref_squeeze %dma_start3A_298 : memref<1x1x1x25x80xi32, #tpu.memory_space<hbm>> -> memref<25x80xi32, #tpu.memory_space<hbm>>
    tpu.enqueue_dma source(%dma_start3A_299 : memref<25x80xi32, #tpu.memory_space<hbm>>) target(%dma_start3A_295 : memref<25x80xi32, #tpu.memory_space<vmem>>) target_semaphore(%arg11 : memref<!tpu.dma_semaphore, #tpu.memory_space<semaphore_mem>>)
    %dma_start3A_300 = arith.constant 1 : i32
    %dma_start3A_301 = arith.constant 1 : i32
    %dma_start3A_302 = arith.constant 1 : i32
    %dma_start3A_303 = arith.constant 0 : i32
    %dma_start3A_304 = arith.constant 0 : i32
    %dma_start3A_305 = tpu.memref_slice %arg6[%dma_start3A_302, %dma_start3A_303, %dma_start3A_304] : memref<2x25x80xi32, #tpu.memory_space<vmem>> -> memref<1x25x80xi32, #tpu.memory_space<vmem>>
    %dma_start3A_306 = tpu.memref_squeeze %dma_start3A_305 : memref<1x25x80xi32, #tpu.memory_space<vmem>> -> memref<25x80xi32, #tpu.memory_space<vmem>>
    %dma_start3A_307 = arith.constant 0 : i32
    %dma_start3A_308 = arith.constant 0 : i32
    %dma_start3A_309 = tpu.memref_slice %arg3[%dma_start3A_300, %add3A, %dma_start3A_301, %dma_start3A_307, %dma_start3A_308] : memref<2x32x5x25x80xi32, #tpu.memory_space<hbm>> -> memref<1x1x1x25x80xi32, #tpu.memory_space<hbm>>
    %dma_start3A_310 = tpu.memref_squeeze %dma_start3A_309 : memref<1x1x1x25x80xi32, #tpu.memory_space<hbm>> -> memref<25x80xi32, #tpu.memory_space<hbm>>
    %dma_start3A_311 = arith.constant 0 : i32
    %dma_start3A_312 = arith.constant 0 : i32
    %dma_start3A_313 = tpu.memref_slice %arg6[%dma_start3A_302, %dma_start3A_311, %dma_start3A_312] : memref<2x25x80xi32, #tpu.memory_space<vmem>> -> memref<1x25x80xi32, #tpu.memory_space<vmem>>
    %dma_start3A_314 = tpu.memref_squeeze %dma_start3A_313 : memref<1x25x80xi32, #tpu.memory_space<vmem>> -> memref<25x80xi32, #tpu.memory_space<vmem>>
    %dma_start3A_315 = arith.constant 0 : i32
    %dma_start3A_316 = arith.constant 0 : i32
    %dma_start3A_317 = tpu.memref_slice %arg3[%dma_start3A_300, %add3A, %dma_start3A_301, %dma_start3A_315, %dma_start3A_316] : memref<2x32x5x25x80xi32, #tpu.memory_space<hbm>> -> memref<1x1x1x25x80xi32, #tpu.memory_space<hbm>>
    %dma_start3A_318 = tpu.memref_squeeze %dma_start3A_317 : memref<1x1x1x25x80xi32, #tpu.memory_space<hbm>> -> memref<25x80xi32, #tpu.memory_space<hbm>>
    tpu.enqueue_dma source(%dma_start3A_318 : memref<25x80xi32, #tpu.memory_space<hbm>>) target(%dma_start3A_314 : memref<25x80xi32, #tpu.memory_space<vmem>>) target_semaphore(%arg11 : memref<!tpu.dma_semaphore, #tpu.memory_space<semaphore_mem>>)
    %dma_start3A_319 = arith.constant 0 : i32
    %dma_start3A_320 = arith.constant 0 : i32
    %dma_start3A_321 = arith.constant 0 : i32
    %dma_start3A_322 = arith.constant 0 : i32
    %dma_start3A_323 = arith.constant 0 : i32
    %dma_start3A_324 = tpu.memref_slice %arg7[%dma_start3A_321, %dma_start3A_322, %dma_start3A_323] : memref<2x80x128xf32, #tpu.memory_space<vmem>> -> memref<1x80x128xf32, #tpu.memory_space<vmem>>
    %dma_start3A_325 = tpu.memref_squeeze %dma_start3A_324 : memref<1x80x128xf32, #tpu.memory_space<vmem>> -> memref<80x128xf32, #tpu.memory_space<vmem>>
    %dma_start3A_326 = arith.constant 0 : i32
    %dma_start3A_327 = tpu.memref_slice %arg5[%dma_start3A_319, %dma_start3A_320, %dma_start3A_326] : memref<2x25x80xi32, #tpu.memory_space<vmem>> -> memref<1x1x80xi32, #tpu.memory_space<vmem>>
    %dma_start3A_328 = tpu.memref_squeeze %dma_start3A_327 : memref<1x1x80xi32, #tpu.memory_space<vmem>> -> memref<80xi32, #tpu.memory_space<vmem>>
    %dma_start3A_329 = arith.constant 0 : i32
    %dma_start3A_330 = arith.constant 0 : i32
    %dma_start3A_331 = tpu.memref_slice %arg2[%dma_start3A_329, %dma_start3A_330] : memref<10000x128xf32, #tpu.memory_space<hbm>> -> memref<10000x128xf32, #tpu.memory_space<hbm>>
    tpu.enqueue_indirect_dma source(%dma_start3A_331 : memref<10000x128xf32, #tpu.memory_space<hbm>>) target(%dma_start3A_325 : memref<80x128xf32, #tpu.memory_space<vmem>>) offsets(%dma_start3A_328 : memref<80xi32, #tpu.memory_space<vmem>>) semaphore(%arg9 : memref<!tpu.dma_semaphore, #tpu.memory_space<semaphore_mem>>)
    %scan3A_332 = arith.constant 0 : i32
    %scan3A_333 = arith.constant 0 : i32
    %scan3A_334 = arith.constant 12 : i32
    %scan3A_335 = arith.addi %scan3A_333, %scan3A_334 : i32
    %scan3A_336 = arith.constant 1 : i32
    scf.for %scan3A_765 = %scan3A_333 to %scan3A_335 step %scan3A_336  : i32 {
      %mul3A_766 = arith.constant 2 : i32
      %mul3A_767 = arith.muli %mul3A_766, %scan3A_765 : i32
      %dma_wait3A_768 = arith.constant 0 : i32
      %dma_wait3A_769 = arith.constant 0 : i32
      %dma_wait3A_770 = arith.constant 0 : i32
      %dma_wait3A_771 = arith.constant 0 : i32
      %dma_wait3A_772 = tpu.memref_slice %arg7[%dma_wait3A_769, %dma_wait3A_770, %dma_wait3A_771] : memref<2x80x128xf32, #tpu.memory_space<vmem>> -> memref<1x80x128xf32, #tpu.memory_space<vmem>>
      %dma_wait3A_773 = tpu.memref_squeeze %dma_wait3A_772 : memref<1x80x128xf32, #tpu.memory_space<vmem>> -> memref<80x128xf32, #tpu.memory_space<vmem>>
      %dma_wait3A_774 = arith.constant 0 : i32
      %dma_wait3A_775 = tpu.memref_slice %arg5[%dma_wait3A_768, %mul3A_767, %dma_wait3A_774] : memref<2x25x80xi32, #tpu.memory_space<vmem>> -> memref<1x1x80xi32, #tpu.memory_space<vmem>>
      %dma_wait3A_776 = tpu.memref_squeeze %dma_wait3A_775 : memref<1x1x80xi32, #tpu.memory_space<vmem>> -> memref<80xi32, #tpu.memory_space<vmem>>
      %dma_wait3A_777 = arith.constant 0 : i32
      %dma_wait3A_778 = arith.constant 0 : i32
      %dma_wait3A_779 = tpu.memref_slice %arg2[%dma_wait3A_777, %dma_wait3A_778] : memref<10000x128xf32, #tpu.memory_space<hbm>> -> memref<10000x128xf32, #tpu.memory_space<hbm>>
      tpu.wait_indirect_dma semaphore(%arg9 : memref<!tpu.dma_semaphore, #tpu.memory_space<semaphore_mem>>) src(%dma_wait3A_779 : memref<10000x128xf32, #tpu.memory_space<hbm>>) dst(%dma_wait3A_773 : memref<80x128xf32, #tpu.memory_space<vmem>>)
      %add3A_780 = arith.constant 1 : i32
      %add3A_781 = arith.addi %mul3A_767, %add3A_780 : i32
      %dma_start3A_782 = arith.constant 0 : i32
      %dma_start3A_783 = arith.constant 1 : i32
      %dma_start3A_784 = arith.constant 0 : i32
      %dma_start3A_785 = arith.constant 0 : i32
      %dma_start3A_786 = tpu.memref_slice %arg7[%dma_start3A_783, %dma_start3A_784, %dma_start3A_785] : memref<2x80x128xf32, #tpu.memory_space<vmem>> -> memref<1x80x128xf32, #tpu.memory_space<vmem>>
      %dma_start3A_787 = tpu.memref_squeeze %dma_start3A_786 : memref<1x80x128xf32, #tpu.memory_space<vmem>> -> memref<80x128xf32, #tpu.memory_space<vmem>>
      %dma_start3A_788 = arith.constant 0 : i32
      %dma_start3A_789 = tpu.memref_slice %arg5[%dma_start3A_782, %add3A_781, %dma_start3A_788] : memref<2x25x80xi32, #tpu.memory_space<vmem>> -> memref<1x1x80xi32, #tpu.memory_space<vmem>>
      %dma_start3A_790 = tpu.memref_squeeze %dma_start3A_789 : memref<1x1x80xi32, #tpu.memory_space<vmem>> -> memref<80xi32, #tpu.memory_space<vmem>>
      %dma_start3A_791 = arith.constant 0 : i32
      %dma_start3A_792 = arith.constant 0 : i32
      %dma_start3A_793 = tpu.memref_slice %arg2[%dma_start3A_791, %dma_start3A_792] : memref<10000x128xf32, #tpu.memory_space<hbm>> -> memref<10000x128xf32, #tpu.memory_space<hbm>>
      tpu.enqueue_indirect_dma source(%dma_start3A_793 : memref<10000x128xf32, #tpu.memory_space<hbm>>) target(%dma_start3A_787 : memref<80x128xf32, #tpu.memory_space<vmem>>) offsets(%dma_start3A_790 : memref<80xi32, #tpu.memory_space<vmem>>) semaphore(%arg10 : memref<!tpu.dma_semaphore, #tpu.memory_space<semaphore_mem>>)
      %run_scoped3A_794 = arith.constant 0 : i32
      %run_scoped3A_795 = arith.constant 0 : i32
      "tpu.region"() ({
        %run_scoped3A_828 = tpu.sem_alloc : memref<!tpu.dma_semaphore, #tpu.memory_space<semaphore_mem>>
        %dma_start3A_829 = arith.constant 0 : i32
        %dma_start3A_830 = arith.constant 0 : i32
        %dma_start3A_831 = tpu.memref_slice %arg7[%run_scoped3A_794, %dma_start3A_829, %dma_start3A_830] : memref<2x80x128xf32, #tpu.memory_space<vmem>> -> memref<1x80x128xf32, #tpu.memory_space<vmem>>
        %dma_start3A_832 = tpu.memref_squeeze %dma_start3A_831 : memref<1x80x128xf32, #tpu.memory_space<vmem>> -> memref<80x128xf32, #tpu.memory_space<vmem>>
        %dma_start3A_833 = arith.constant 0 : i32
        %dma_start3A_834 = tpu.memref_slice %arg6[%run_scoped3A_795, %mul3A_767, %dma_start3A_833] : memref<2x25x80xi32, #tpu.memory_space<vmem>> -> memref<1x1x80xi32, #tpu.memory_space<vmem>>
        %dma_start3A_835 = tpu.memref_squeeze %dma_start3A_834 : memref<1x1x80xi32, #tpu.memory_space<vmem>> -> memref<80xi32, #tpu.memory_space<vmem>>
        %dma_start3A_836 = arith.constant 0 : i32
        %dma_start3A_837 = arith.constant 0 : i32
        %dma_start3A_838 = tpu.memref_slice %arg8[%dma_start3A_836, %dma_start3A_837] : memref<10112x128xf32, #tpu.memory_space<vmem_shared>> -> memref<10112x128xf32, #tpu.memory_space<vmem_shared>>
        tpu.enqueue_indirect_dma source(%dma_start3A_832 : memref<80x128xf32, #tpu.memory_space<vmem>>) target(%dma_start3A_838 : memref<10112x128xf32, #tpu.memory_space<vmem_shared>>) offsets(%dma_start3A_835 : memref<80xi32, #tpu.memory_space<vmem>>) semaphore(%run_scoped3A_828 : memref<!tpu.dma_semaphore, #tpu.memory_space<semaphore_mem>>) {add = true}
        %dma_wait3A_839 = arith.constant 0 : i32
        %dma_wait3A_840 = arith.constant 0 : i32
        %dma_wait3A_841 = tpu.memref_slice %arg7[%run_scoped3A_794, %dma_wait3A_839, %dma_wait3A_840] : memref<2x80x128xf32, #tpu.memory_space<vmem>> -> memref<1x80x128xf32, #tpu.memory_space<vmem>>
        %dma_wait3A_842 = tpu.memref_squeeze %dma_wait3A_841 : memref<1x80x128xf32, #tpu.memory_space<vmem>> -> memref<80x128xf32, #tpu.memory_space<vmem>>
        %dma_wait3A_843 = arith.constant 0 : i32
        %dma_wait3A_844 = tpu.memref_slice %arg6[%run_scoped3A_795, %mul3A_767, %dma_wait3A_843] : memref<2x25x80xi32, #tpu.memory_space<vmem>> -> memref<1x1x80xi32, #tpu.memory_space<vmem>>
        %dma_wait3A_845 = tpu.memref_squeeze %dma_wait3A_844 : memref<1x1x80xi32, #tpu.memory_space<vmem>> -> memref<80xi32, #tpu.memory_space<vmem>>
        %dma_wait3A_846 = arith.constant 0 : i32
        %dma_wait3A_847 = arith.constant 0 : i32
        %dma_wait3A_848 = tpu.memref_slice %arg8[%dma_wait3A_846, %dma_wait3A_847] : memref<10112x128xf32, #tpu.memory_space<vmem_shared>> -> memref<10112x128xf32, #tpu.memory_space<vmem_shared>>
        tpu.wait_indirect_dma semaphore(%run_scoped3A_828 : memref<!tpu.dma_semaphore, #tpu.memory_space<semaphore_mem>>) src(%dma_wait3A_842 : memref<80x128xf32, #tpu.memory_space<vmem>>) dst(%dma_wait3A_848 : memref<10112x128xf32, #tpu.memory_space<vmem_shared>>)
        tpu.yield
      }) : () -> ()
      %add3A_796 = arith.constant 1 : i32
      %add3A_797 = arith.addi %mul3A_767, %add3A_796 : i32
      %dma_wait3A_798 = arith.constant 0 : i32
      %dma_wait3A_799 = arith.constant 1 : i32
      %dma_wait3A_800 = arith.constant 0 : i32
      %dma_wait3A_801 = arith.constant 0 : i32
      %dma_wait3A_802 = tpu.memref_slice %arg7[%dma_wait3A_799, %dma_wait3A_800, %dma_wait3A_801] : memref<2x80x128xf32, #tpu.memory_space<vmem>> -> memref<1x80x128xf32, #tpu.memory_space<vmem>>
      %dma_wait3A_803 = tpu.memref_squeeze %dma_wait3A_802 : memref<1x80x128xf32, #tpu.memory_space<vmem>> -> memref<80x128xf32, #tpu.memory_space<vmem>>
      %dma_wait3A_804 = arith.constant 0 : i32
      %dma_wait3A_805 = tpu.memref_slice %arg5[%dma_wait3A_798, %add3A_797, %dma_wait3A_804] : memref<2x25x80xi32, #tpu.memory_space<vmem>> -> memref<1x1x80xi32, #tpu.memory_space<vmem>>
      %dma_wait3A_806 = tpu.memref_squeeze %dma_wait3A_805 : memref<1x1x80xi32, #tpu.memory_space<vmem>> -> memref<80xi32, #tpu.memory_space<vmem>>
      %dma_wait3A_807 = arith.constant 0 : i32
      %dma_wait3A_808 = arith.constant 0 : i32
      %dma_wait3A_809 = tpu.memref_slice %arg2[%dma_wait3A_807, %dma_wait3A_808] : memref<10000x128xf32, #tpu.memory_space<hbm>> -> memref<10000x128xf32, #tpu.memory_space<hbm>>
      tpu.wait_indirect_dma semaphore(%arg10 : memref<!tpu.dma_semaphore, #tpu.memory_space<semaphore_mem>>) src(%dma_wait3A_809 : memref<10000x128xf32, #tpu.memory_space<hbm>>) dst(%dma_wait3A_803 : memref<80x128xf32, #tpu.memory_space<vmem>>)
      %add3A_810 = arith.constant 2 : i32
      %add3A_811 = arith.addi %mul3A_767, %add3A_810 : i32
      %dma_start3A_812 = arith.constant 0 : i32
      %dma_start3A_813 = arith.constant 0 : i32
      %dma_start3A_814 = arith.constant 0 : i32
      %dma_start3A_815 = arith.constant 0 : i32
      %dma_start3A_816 = tpu.memref_slice %arg7[%dma_start3A_813, %dma_start3A_814, %dma_start3A_815] : memref<2x80x128xf32, #tpu.memory_space<vmem>> -> memref<1x80x128xf32, #tpu.memory_space<vmem>>
      %dma_start3A_817 = tpu.memref_squeeze %dma_start3A_816 : memref<1x80x128xf32, #tpu.memory_space<vmem>> -> memref<80x128xf32, #tpu.memory_space<vmem>>
      %dma_start3A_818 = arith.constant 0 : i32
      %dma_start3A_819 = tpu.memref_slice %arg5[%dma_start3A_812, %add3A_811, %dma_start3A_818] : memref<2x25x80xi32, #tpu.memory_space<vmem>> -> memref<1x1x80xi32, #tpu.memory_space<vmem>>
      %dma_start3A_820 = tpu.memref_squeeze %dma_start3A_819 : memref<1x1x80xi32, #tpu.memory_space<vmem>> -> memref<80xi32, #tpu.memory_space<vmem>>
      %dma_start3A_821 = arith.constant 0 : i32
      %dma_start3A_822 = arith.constant 0 : i32
      %dma_start3A_823 = tpu.memref_slice %arg2[%dma_start3A_821, %dma_start3A_822] : memref<10000x128xf32, #tpu.memory_space<hbm>> -> memref<10000x128xf32, #tpu.memory_space<hbm>>
      tpu.enqueue_indirect_dma source(%dma_start3A_823 : memref<10000x128xf32, #tpu.memory_space<hbm>>) target(%dma_start3A_817 : memref<80x128xf32, #tpu.memory_space<vmem>>) offsets(%dma_start3A_820 : memref<80xi32, #tpu.memory_space<vmem>>) semaphore(%arg9 : memref<!tpu.dma_semaphore, #tpu.memory_space<semaphore_mem>>)
      %add3A_824 = arith.constant 1 : i32
      %add3A_825 = arith.addi %mul3A_767, %add3A_824 : i32
      %run_scoped3A_826 = arith.constant 1 : i32
      %run_scoped3A_827 = arith.constant 0 : i32
      "tpu.region"() ({
        %run_scoped3A_828 = tpu.sem_alloc : memref<!tpu.dma_semaphore, #tpu.memory_space<semaphore_mem>>
        %dma_start3A_829 = arith.constant 0 : i32
        %dma_start3A_830 = arith.constant 0 : i32
        %dma_start3A_831 = tpu.memref_slice %arg7[%run_scoped3A_826, %dma_start3A_829, %dma_start3A_830] : memref<2x80x128xf32, #tpu.memory_space<vmem>> -> memref<1x80x128xf32, #tpu.memory_space<vmem>>
        %dma_start3A_832 = tpu.memref_squeeze %dma_start3A_831 : memref<1x80x128xf32, #tpu.memory_space<vmem>> -> memref<80x128xf32, #tpu.memory_space<vmem>>
        %dma_start3A_833 = arith.constant 0 : i32
        %dma_start3A_834 = tpu.memref_slice %arg6[%run_scoped3A_827, %add3A_825, %dma_start3A_833] : memref<2x25x80xi32, #tpu.memory_space<vmem>> -> memref<1x1x80xi32, #tpu.memory_space<vmem>>
        %dma_start3A_835 = tpu.memref_squeeze %dma_start3A_834 : memref<1x1x80xi32, #tpu.memory_space<vmem>> -> memref<80xi32, #tpu.memory_space<vmem>>
        %dma_start3A_836 = arith.constant 0 : i32
        %dma_start3A_837 = arith.constant 0 : i32
        %dma_start3A_838 = tpu.memref_slice %arg8[%dma_start3A_836, %dma_start3A_837] : memref<10112x128xf32, #tpu.memory_space<vmem_shared>> -> memref<10112x128xf32, #tpu.memory_space<vmem_shared>>
        tpu.enqueue_indirect_dma source(%dma_start3A_832 : memref<80x128xf32, #tpu.memory_space<vmem>>) target(%dma_start3A_838 : memref<10112x128xf32, #tpu.memory_space<vmem_shared>>) offsets(%dma_start3A_835 : memref<80xi32, #tpu.memory_space<vmem>>) semaphore(%run_scoped3A_828 : memref<!tpu.dma_semaphore, #tpu.memory_space<semaphore_mem>>) {add = true}
        %dma_wait3A_839 = arith.constant 0 : i32
        %dma_wait3A_840 = arith.constant 0 : i32
        %dma_wait3A_841 = tpu.memref_slice %arg7[%run_scoped3A_826, %dma_wait3A_839, %dma_wait3A_840] : memref<2x80x128xf32, #tpu.memory_space<vmem>> -> memref<1x80x128xf32, #tpu.memory_space<vmem>>
        %dma_wait3A_842 = tpu.memref_squeeze %dma_wait3A_841 : memref<1x80x128xf32, #tpu.memory_space<vmem>> -> memref<80x128xf32, #tpu.memory_space<vmem>>
        %dma_wait3A_843 = arith.constant 0 : i32
        %dma_wait3A_844 = tpu.memref_slice %arg6[%run_scoped3A_827, %add3A_825, %dma_wait3A_843] : memref<2x25x80xi32, #tpu.memory_space<vmem>> -> memref<1x1x80xi32, #tpu.memory_space<vmem>>
        %dma_wait3A_845 = tpu.memref_squeeze %dma_wait3A_844 : memref<1x1x80xi32, #tpu.memory_space<vmem>> -> memref<80xi32, #tpu.memory_space<vmem>>
        %dma_wait3A_846 = arith.constant 0 : i32
        %dma_wait3A_847 = arith.constant 0 : i32
        %dma_wait3A_848 = tpu.memref_slice %arg8[%dma_wait3A_846, %dma_wait3A_847] : memref<10112x128xf32, #tpu.memory_space<vmem_shared>> -> memref<10112x128xf32, #tpu.memory_space<vmem_shared>>
        tpu.wait_indirect_dma semaphore(%run_scoped3A_828 : memref<!tpu.dma_semaphore, #tpu.memory_space<semaphore_mem>>) src(%dma_wait3A_842 : memref<80x128xf32, #tpu.memory_space<vmem>>) dst(%dma_wait3A_848 : memref<10112x128xf32, #tpu.memory_space<vmem_shared>>)
        tpu.yield
      }) : () -> ()
    }
    %scan3A_337 = arith.constant 12 : i32
    %dma_wait3A_338 = arith.constant 0 : i32
    %dma_wait3A_339 = arith.constant 24 : i32
    %dma_wait3A_340 = arith.constant 0 : i32
    %dma_wait3A_341 = arith.constant 0 : i32
    %dma_wait3A_342 = arith.constant 0 : i32
    %dma_wait3A_343 = tpu.memref_slice %arg7[%dma_wait3A_340, %dma_wait3A_341, %dma_wait3A_342] : memref<2x80x128xf32, #tpu.memory_space<vmem>> -> memref<1x80x128xf32, #tpu.memory_space<vmem>>
    %dma_wait3A_344 = tpu.memref_squeeze %dma_wait3A_343 : memref<1x80x128xf32, #tpu.memory_space<vmem>> -> memref<80x128xf32, #tpu.memory_space<vmem>>
    %dma_wait3A_345 = arith.constant 0 : i32
    %dma_wait3A_346 = tpu.memref_slice %arg5[%dma_wait3A_338, %dma_wait3A_339, %dma_wait3A_345] : memref<2x25x80xi32, #tpu.memory_space<vmem>> -> memref<1x1x80xi32, #tpu.memory_space<vmem>>
    %dma_wait3A_347 = tpu.memref_squeeze %dma_wait3A_346 : memref<1x1x80xi32, #tpu.memory_space<vmem>> -> memref<80xi32, #tpu.memory_space<vmem>>
    %dma_wait3A_348 = arith.constant 0 : i32
    %dma_wait3A_349 = arith.constant 0 : i32
    %dma_wait3A_350 = tpu.memref_slice %arg2[%dma_wait3A_348, %dma_wait3A_349] : memref<10000x128xf32, #tpu.memory_space<hbm>> -> memref<10000x128xf32, #tpu.memory_space<hbm>>
    tpu.wait_indirect_dma semaphore(%arg9 : memref<!tpu.dma_semaphore, #tpu.memory_space<semaphore_mem>>) src(%dma_wait3A_350 : memref<10000x128xf32, #tpu.memory_space<hbm>>) dst(%dma_wait3A_344 : memref<80x128xf32, #tpu.memory_space<vmem>>)
    %run_scoped3A_351 = arith.constant 0 : i32
    %run_scoped3A_352 = arith.constant 0 : i32
    %run_scoped3A_353 = arith.constant 24 : i32
    "tpu.region"() ({
      %run_scoped3A_765 = tpu.sem_alloc : memref<!tpu.dma_semaphore, #tpu.memory_space<semaphore_mem>>
      %dma_start3A_766 = arith.constant 0 : i32
      %dma_start3A_767 = arith.constant 0 : i32
      %dma_start3A_768 = tpu.memref_slice %arg7[%run_scoped3A_351, %dma_start3A_766, %dma_start3A_767] : memref<2x80x128xf32, #tpu.memory_space<vmem>> -> memref<1x80x128xf32, #tpu.memory_space<vmem>>
      %dma_start3A_769 = tpu.memref_squeeze %dma_start3A_768 : memref<1x80x128xf32, #tpu.memory_space<vmem>> -> memref<80x128xf32, #tpu.memory_space<vmem>>
      %dma_start3A_770 = arith.constant 0 : i32
      %dma_start3A_771 = tpu.memref_slice %arg6[%run_scoped3A_352, %run_scoped3A_353, %dma_start3A_770] : memref<2x25x80xi32, #tpu.memory_space<vmem>> -> memref<1x1x80xi32, #tpu.memory_space<vmem>>
      %dma_start3A_772 = tpu.memref_squeeze %dma_start3A_771 : memref<1x1x80xi32, #tpu.memory_space<vmem>> -> memref<80xi32, #tpu.memory_space<vmem>>
      %dma_start3A_773 = arith.constant 0 : i32
      %dma_start3A_774 = arith.constant 0 : i32
      %dma_start3A_775 = tpu.memref_slice %arg8[%dma_start3A_773, %dma_start3A_774] : memref<10112x128xf32, #tpu.memory_space<vmem_shared>> -> memref<10112x128xf32, #tpu.memory_space<vmem_shared>>
      tpu.enqueue_indirect_dma source(%dma_start3A_769 : memref<80x128xf32, #tpu.memory_space<vmem>>) target(%dma_start3A_775 : memref<10112x128xf32, #tpu.memory_space<vmem_shared>>) offsets(%dma_start3A_772 : memref<80xi32, #tpu.memory_space<vmem>>) semaphore(%run_scoped3A_765 : memref<!tpu.dma_semaphore, #tpu.memory_space<semaphore_mem>>) {add = true}
      %dma_wait3A_776 = arith.constant 0 : i32
      %dma_wait3A_777 = arith.constant 0 : i32
      %dma_wait3A_778 = tpu.memref_slice %arg7[%run_scoped3A_351, %dma_wait3A_776, %dma_wait3A_777] : memref<2x80x128xf32, #tpu.memory_space<vmem>> -> memref<1x80x128xf32, #tpu.memory_space<vmem>>
      %dma_wait3A_779 = tpu.memref_squeeze %dma_wait3A_778 : memref<1x80x128xf32, #tpu.memory_space<vmem>> -> memref<80x128xf32, #tpu.memory_space<vmem>>
      %dma_wait3A_780 = arith.constant 0 : i32
      %dma_wait3A_781 = tpu.memref_slice %arg6[%run_scoped3A_352, %run_scoped3A_353, %dma_wait3A_780] : memref<2x25x80xi32, #tpu.memory_space<vmem>> -> memref<1x1x80xi32, #tpu.memory_space<vmem>>
      %dma_wait3A_782 = tpu.memref_squeeze %dma_wait3A_781 : memref<1x1x80xi32, #tpu.memory_space<vmem>> -> memref<80xi32, #tpu.memory_space<vmem>>
      %dma_wait3A_783 = arith.constant 0 : i32
      %dma_wait3A_784 = arith.constant 0 : i32
      %dma_wait3A_785 = tpu.memref_slice %arg8[%dma_wait3A_783, %dma_wait3A_784] : memref<10112x128xf32, #tpu.memory_space<vmem_shared>> -> memref<10112x128xf32, #tpu.memory_space<vmem_shared>>
      tpu.wait_indirect_dma semaphore(%run_scoped3A_765 : memref<!tpu.dma_semaphore, #tpu.memory_space<semaphore_mem>>) src(%dma_wait3A_779 : memref<80x128xf32, #tpu.memory_space<vmem>>) dst(%dma_wait3A_785 : memref<10112x128xf32, #tpu.memory_space<vmem_shared>>)
      tpu.yield
    }) : () -> ()
    %dma_wait3A_354 = arith.constant 0 : i32
    %dma_wait3A_355 = arith.constant 1 : i32
    %dma_wait3A_356 = arith.constant 1 : i32
    %dma_wait3A_357 = arith.constant 0 : i32
    %dma_wait3A_358 = arith.constant 0 : i32
    %dma_wait3A_359 = tpu.memref_slice %arg5[%dma_wait3A_356, %dma_wait3A_357, %dma_wait3A_358] : memref<2x25x80xi32, #tpu.memory_space<vmem>> -> memref<1x25x80xi32, #tpu.memory_space<vmem>>
    %dma_wait3A_360 = tpu.memref_squeeze %dma_wait3A_359 : memref<1x25x80xi32, #tpu.memory_space<vmem>> -> memref<25x80xi32, #tpu.memory_space<vmem>>
    %dma_wait3A_361 = arith.constant 0 : i32
    %dma_wait3A_362 = arith.constant 0 : i32
    %dma_wait3A_363 = tpu.memref_slice %arg3[%dma_wait3A_354, %add3A, %dma_wait3A_355, %dma_wait3A_361, %dma_wait3A_362] : memref<2x32x5x25x80xi32, #tpu.memory_space<hbm>> -> memref<1x1x1x25x80xi32, #tpu.memory_space<hbm>>
    %dma_wait3A_364 = tpu.memref_squeeze %dma_wait3A_363 : memref<1x1x1x25x80xi32, #tpu.memory_space<hbm>> -> memref<25x80xi32, #tpu.memory_space<hbm>>
    %dma_wait3A_365 = arith.constant 0 : i32
    %dma_wait3A_366 = arith.constant 0 : i32
    %dma_wait3A_367 = tpu.memref_slice %arg5[%dma_wait3A_356, %dma_wait3A_365, %dma_wait3A_366] : memref<2x25x80xi32, #tpu.memory_space<vmem>> -> memref<1x25x80xi32, #tpu.memory_space<vmem>>
    %dma_wait3A_368 = tpu.memref_squeeze %dma_wait3A_367 : memref<1x25x80xi32, #tpu.memory_space<vmem>> -> memref<25x80xi32, #tpu.memory_space<vmem>>
    %dma_wait3A_369 = arith.constant 0 : i32
    %dma_wait3A_370 = arith.constant 0 : i32
    %dma_wait3A_371 = tpu.memref_slice %arg3[%dma_wait3A_354, %add3A, %dma_wait3A_355, %dma_wait3A_369, %dma_wait3A_370] : memref<2x32x5x25x80xi32, #tpu.memory_space<hbm>> -> memref<1x1x1x25x80xi32, #tpu.memory_space<hbm>>
    %dma_wait3A_372 = tpu.memref_squeeze %dma_wait3A_371 : memref<1x1x1x25x80xi32, #tpu.memory_space<hbm>> -> memref<25x80xi32, #tpu.memory_space<hbm>>
    tpu.wait_dma2 semaphore(%arg11 : memref<!tpu.dma_semaphore, #tpu.memory_space<semaphore_mem>>) src(%dma_wait3A_372 : memref<25x80xi32, #tpu.memory_space<hbm>>) dst(%dma_wait3A_368 : memref<25x80xi32, #tpu.memory_space<vmem>>)
    %dma_wait3A_373 = arith.constant 1 : i32
    %dma_wait3A_374 = arith.constant 1 : i32
    %dma_wait3A_375 = arith.constant 1 : i32
    %dma_wait3A_376 = arith.constant 0 : i32
    %dma_wait3A_377 = arith.constant 0 : i32
    %dma_wait3A_378 = tpu.memref_slice %arg6[%dma_wait3A_375, %dma_wait3A_376, %dma_wait3A_377] : memref<2x25x80xi32, #tpu.memory_space<vmem>> -> memref<1x25x80xi32, #tpu.memory_space<vmem>>
    %dma_wait3A_379 = tpu.memref_squeeze %dma_wait3A_378 : memref<1x25x80xi32, #tpu.memory_space<vmem>> -> memref<25x80xi32, #tpu.memory_space<vmem>>
    %dma_wait3A_380 = arith.constant 0 : i32
    %dma_wait3A_381 = arith.constant 0 : i32
    %dma_wait3A_382 = tpu.memref_slice %arg3[%dma_wait3A_373, %add3A, %dma_wait3A_374, %dma_wait3A_380, %dma_wait3A_381] : memref<2x32x5x25x80xi32, #tpu.memory_space<hbm>> -> memref<1x1x1x25x80xi32, #tpu.memory_space<hbm>>
    %dma_wait3A_383 = tpu.memref_squeeze %dma_wait3A_382 : memref<1x1x1x25x80xi32, #tpu.memory_space<hbm>> -> memref<25x80xi32, #tpu.memory_space<hbm>>
    %dma_wait3A_384 = arith.constant 0 : i32
    %dma_wait3A_385 = arith.constant 0 : i32
    %dma_wait3A_386 = tpu.memref_slice %arg6[%dma_wait3A_375, %dma_wait3A_384, %dma_wait3A_385] : memref<2x25x80xi32, #tpu.memory_space<vmem>> -> memref<1x25x80xi32, #tpu.memory_space<vmem>>
    %dma_wait3A_387 = tpu.memref_squeeze %dma_wait3A_386 : memref<1x25x80xi32, #tpu.memory_space<vmem>> -> memref<25x80xi32, #tpu.memory_space<vmem>>
    %dma_wait3A_388 = arith.constant 0 : i32
    %dma_wait3A_389 = arith.constant 0 : i32
    %dma_wait3A_390 = tpu.memref_slice %arg3[%dma_wait3A_373, %add3A, %dma_wait3A_374, %dma_wait3A_388, %dma_wait3A_389] : memref<2x32x5x25x80xi32, #tpu.memory_space<hbm>> -> memref<1x1x1x25x80xi32, #tpu.memory_space<hbm>>
    %dma_wait3A_391 = tpu.memref_squeeze %dma_wait3A_390 : memref<1x1x1x25x80xi32, #tpu.memory_space<hbm>> -> memref<25x80xi32, #tpu.memory_space<hbm>>
    tpu.wait_dma2 semaphore(%arg11 : memref<!tpu.dma_semaphore, #tpu.memory_space<semaphore_mem>>) src(%dma_wait3A_391 : memref<25x80xi32, #tpu.memory_space<hbm>>) dst(%dma_wait3A_387 : memref<25x80xi32, #tpu.memory_space<vmem>>)
    %dma_start3A_392 = arith.constant 0 : i32
    %dma_start3A_393 = arith.constant 2 : i32
    %dma_start3A_394 = arith.constant 0 : i32
    %dma_start3A_395 = arith.constant 0 : i32
    %dma_start3A_396 = arith.constant 0 : i32
    %dma_start3A_397 = tpu.memref_slice %arg5[%dma_start3A_394, %dma_start3A_395, %dma_start3A_396] : memref<2x25x80xi32, #tpu.memory_space<vmem>> -> memref<1x25x80xi32, #tpu.memory_space<vmem>>
    %dma_start3A_398 = tpu.memref_squeeze %dma_start3A_397 : memref<1x25x80xi32, #tpu.memory_space<vmem>> -> memref<25x80xi32, #tpu.memory_space<vmem>>
    %dma_start3A_399 = arith.constant 0 : i32
    %dma_start3A_400 = arith.constant 0 : i32
    %dma_start3A_401 = tpu.memref_slice %arg3[%dma_start3A_392, %add3A, %dma_start3A_393, %dma_start3A_399, %dma_start3A_400] : memref<2x32x5x25x80xi32, #tpu.memory_space<hbm>> -> memref<1x1x1x25x80xi32, #tpu.memory_space<hbm>>
    %dma_start3A_402 = tpu.memref_squeeze %dma_start3A_401 : memref<1x1x1x25x80xi32, #tpu.memory_space<hbm>> -> memref<25x80xi32, #tpu.memory_space<hbm>>
    %dma_start3A_403 = arith.constant 0 : i32
    %dma_start3A_404 = arith.constant 0 : i32
    %dma_start3A_405 = tpu.memref_slice %arg5[%dma_start3A_394, %dma_start3A_403, %dma_start3A_404] : memref<2x25x80xi32, #tpu.memory_space<vmem>> -> memref<1x25x80xi32, #tpu.memory_space<vmem>>
    %dma_start3A_406 = tpu.memref_squeeze %dma_start3A_405 : memref<1x25x80xi32, #tpu.memory_space<vmem>> -> memref<25x80xi32, #tpu.memory_space<vmem>>
    %dma_start3A_407 = arith.constant 0 : i32
    %dma_start3A_408 = arith.constant 0 : i32
    %dma_start3A_409 = tpu.memref_slice %arg3[%dma_start3A_392, %add3A, %dma_start3A_393, %dma_start3A_407, %dma_start3A_408] : memref<2x32x5x25x80xi32, #tpu.memory_space<hbm>> -> memref<1x1x1x25x80xi32, #tpu.memory_space<hbm>>
    %dma_start3A_410 = tpu.memref_squeeze %dma_start3A_409 : memref<1x1x1x25x80xi32, #tpu.memory_space<hbm>> -> memref<25x80xi32, #tpu.memory_space<hbm>>
    tpu.enqueue_dma source(%dma_start3A_410 : memref<25x80xi32, #tpu.memory_space<hbm>>) target(%dma_start3A_406 : memref<25x80xi32, #tpu.memory_space<vmem>>) target_semaphore(%arg11 : memref<!tpu.dma_semaphore, #tpu.memory_space<semaphore_mem>>)
    %dma_start3A_411 = arith.constant 1 : i32
    %dma_start3A_412 = arith.constant 2 : i32
    %dma_start3A_413 = arith.constant 0 : i32
    %dma_start3A_414 = arith.constant 0 : i32
    %dma_start3A_415 = arith.constant 0 : i32
    %dma_start3A_416 = tpu.memref_slice %arg6[%dma_start3A_413, %dma_start3A_414, %dma_start3A_415] : memref<2x25x80xi32, #tpu.memory_space<vmem>> -> memref<1x25x80xi32, #tpu.memory_space<vmem>>
    %dma_start3A_417 = tpu.memref_squeeze %dma_start3A_416 : memref<1x25x80xi32, #tpu.memory_space<vmem>> -> memref<25x80xi32, #tpu.memory_space<vmem>>
    %dma_start3A_418 = arith.constant 0 : i32
    %dma_start3A_419 = arith.constant 0 : i32
    %dma_start3A_420 = tpu.memref_slice %arg3[%dma_start3A_411, %add3A, %dma_start3A_412, %dma_start3A_418, %dma_start3A_419] : memref<2x32x5x25x80xi32, #tpu.memory_space<hbm>> -> memref<1x1x1x25x80xi32, #tpu.memory_space<hbm>>
    %dma_start3A_421 = tpu.memref_squeeze %dma_start3A_420 : memref<1x1x1x25x80xi32, #tpu.memory_space<hbm>> -> memref<25x80xi32, #tpu.memory_space<hbm>>
    %dma_start3A_422 = arith.constant 0 : i32
    %dma_start3A_423 = arith.constant 0 : i32
    %dma_start3A_424 = tpu.memref_slice %arg6[%dma_start3A_413, %dma_start3A_422, %dma_start3A_423] : memref<2x25x80xi32, #tpu.memory_space<vmem>> -> memref<1x25x80xi32, #tpu.memory_space<vmem>>
    %dma_start3A_425 = tpu.memref_squeeze %dma_start3A_424 : memref<1x25x80xi32, #tpu.memory_space<vmem>> -> memref<25x80xi32, #tpu.memory_space<vmem>>
    %dma_start3A_426 = arith.constant 0 : i32
    %dma_start3A_427 = arith.constant 0 : i32
    %dma_start3A_428 = tpu.memref_slice %arg3[%dma_start3A_411, %add3A, %dma_start3A_412, %dma_start3A_426, %dma_start3A_427] : memref<2x32x5x25x80xi32, #tpu.memory_space<hbm>> -> memref<1x1x1x25x80xi32, #tpu.memory_space<hbm>>
    %dma_start3A_429 = tpu.memref_squeeze %dma_start3A_428 : memref<1x1x1x25x80xi32, #tpu.memory_space<hbm>> -> memref<25x80xi32, #tpu.memory_space<hbm>>
    tpu.enqueue_dma source(%dma_start3A_429 : memref<25x80xi32, #tpu.memory_space<hbm>>) target(%dma_start3A_425 : memref<25x80xi32, #tpu.memory_space<vmem>>) target_semaphore(%arg11 : memref<!tpu.dma_semaphore, #tpu.memory_space<semaphore_mem>>)
    %dma_start3A_430 = arith.constant 1 : i32
    %dma_start3A_431 = arith.constant 0 : i32
    %dma_start3A_432 = arith.constant 0 : i32
    %dma_start3A_433 = arith.constant 0 : i32
    %dma_start3A_434 = arith.constant 0 : i32
    %dma_start3A_435 = tpu.memref_slice %arg7[%dma_start3A_432, %dma_start3A_433, %dma_start3A_434] : memref<2x80x128xf32, #tpu.memory_space<vmem>> -> memref<1x80x128xf32, #tpu.memory_space<vmem>>
    %dma_start3A_436 = tpu.memref_squeeze %dma_start3A_435 : memref<1x80x128xf32, #tpu.memory_space<vmem>> -> memref<80x128xf32, #tpu.memory_space<vmem>>
    %dma_start3A_437 = arith.constant 0 : i32
    %dma_start3A_438 = tpu.memref_slice %arg5[%dma_start3A_430, %dma_start3A_431, %dma_start3A_437] : memref<2x25x80xi32, #tpu.memory_space<vmem>> -> memref<1x1x80xi32, #tpu.memory_space<vmem>>
    %dma_start3A_439 = tpu.memref_squeeze %dma_start3A_438 : memref<1x1x80xi32, #tpu.memory_space<vmem>> -> memref<80xi32, #tpu.memory_space<vmem>>
    %dma_start3A_440 = arith.constant 0 : i32
    %dma_start3A_441 = arith.constant 0 : i32
    %dma_start3A_442 = tpu.memref_slice %arg2[%dma_start3A_440, %dma_start3A_441] : memref<10000x128xf32, #tpu.memory_space<hbm>> -> memref<10000x128xf32, #tpu.memory_space<hbm>>
    tpu.enqueue_indirect_dma source(%dma_start3A_442 : memref<10000x128xf32, #tpu.memory_space<hbm>>) target(%dma_start3A_436 : memref<80x128xf32, #tpu.memory_space<vmem>>) offsets(%dma_start3A_439 : memref<80xi32, #tpu.memory_space<vmem>>) semaphore(%arg9 : memref<!tpu.dma_semaphore, #tpu.memory_space<semaphore_mem>>)
    %scan3A_443 = arith.constant 0 : i32
    %scan3A_444 = arith.constant 0 : i32
    %scan3A_445 = arith.constant 12 : i32
    %scan3A_446 = arith.addi %scan3A_444, %scan3A_445 : i32
    %scan3A_447 = arith.constant 1 : i32
    scf.for %scan3A_765 = %scan3A_444 to %scan3A_446 step %scan3A_447  : i32 {
      %mul3A_766 = arith.constant 2 : i32
      %mul3A_767 = arith.muli %mul3A_766, %scan3A_765 : i32
      %dma_wait3A_768 = arith.constant 1 : i32
      %dma_wait3A_769 = arith.constant 0 : i32
      %dma_wait3A_770 = arith.constant 0 : i32
      %dma_wait3A_771 = arith.constant 0 : i32
      %dma_wait3A_772 = tpu.memref_slice %arg7[%dma_wait3A_769, %dma_wait3A_770, %dma_wait3A_771] : memref<2x80x128xf32, #tpu.memory_space<vmem>> -> memref<1x80x128xf32, #tpu.memory_space<vmem>>
      %dma_wait3A_773 = tpu.memref_squeeze %dma_wait3A_772 : memref<1x80x128xf32, #tpu.memory_space<vmem>> -> memref<80x128xf32, #tpu.memory_space<vmem>>
      %dma_wait3A_774 = arith.constant 0 : i32
      %dma_wait3A_775 = tpu.memref_slice %arg5[%dma_wait3A_768, %mul3A_767, %dma_wait3A_774] : memref<2x25x80xi32, #tpu.memory_space<vmem>> -> memref<1x1x80xi32, #tpu.memory_space<vmem>>
      %dma_wait3A_776 = tpu.memref_squeeze %dma_wait3A_775 : memref<1x1x80xi32, #tpu.memory_space<vmem>> -> memref<80xi32, #tpu.memory_space<vmem>>
      %dma_wait3A_777 = arith.constant 0 : i32
      %dma_wait3A_778 = arith.constant 0 : i32
      %dma_wait3A_779 = tpu.memref_slice %arg2[%dma_wait3A_777, %dma_wait3A_778] : memref<10000x128xf32, #tpu.memory_space<hbm>> -> memref<10000x128xf32, #tpu.memory_space<hbm>>
      tpu.wait_indirect_dma semaphore(%arg9 : memref<!tpu.dma_semaphore, #tpu.memory_space<semaphore_mem>>) src(%dma_wait3A_779 : memref<10000x128xf32, #tpu.memory_space<hbm>>) dst(%dma_wait3A_773 : memref<80x128xf32, #tpu.memory_space<vmem>>)
      %add3A_780 = arith.constant 1 : i32
      %add3A_781 = arith.addi %mul3A_767, %add3A_780 : i32
      %dma_start3A_782 = arith.constant 1 : i32
      %dma_start3A_783 = arith.constant 1 : i32
      %dma_start3A_784 = arith.constant 0 : i32
      %dma_start3A_785 = arith.constant 0 : i32
      %dma_start3A_786 = tpu.memref_slice %arg7[%dma_start3A_783, %dma_start3A_784, %dma_start3A_785] : memref<2x80x128xf32, #tpu.memory_space<vmem>> -> memref<1x80x128xf32, #tpu.memory_space<vmem>>
      %dma_start3A_787 = tpu.memref_squeeze %dma_start3A_786 : memref<1x80x128xf32, #tpu.memory_space<vmem>> -> memref<80x128xf32, #tpu.memory_space<vmem>>
      %dma_start3A_788 = arith.constant 0 : i32
      %dma_start3A_789 = tpu.memref_slice %arg5[%dma_start3A_782, %add3A_781, %dma_start3A_788] : memref<2x25x80xi32, #tpu.memory_space<vmem>> -> memref<1x1x80xi32, #tpu.memory_space<vmem>>
      %dma_start3A_790 = tpu.memref_squeeze %dma_start3A_789 : memref<1x1x80xi32, #tpu.memory_space<vmem>> -> memref<80xi32, #tpu.memory_space<vmem>>
      %dma_start3A_791 = arith.constant 0 : i32
      %dma_start3A_792 = arith.constant 0 : i32
      %dma_start3A_793 = tpu.memref_slice %arg2[%dma_start3A_791, %dma_start3A_792] : memref<10000x128xf32, #tpu.memory_space<hbm>> -> memref<10000x128xf32, #tpu.memory_space<hbm>>
      tpu.enqueue_indirect_dma source(%dma_start3A_793 : memref<10000x128xf32, #tpu.memory_space<hbm>>) target(%dma_start3A_787 : memref<80x128xf32, #tpu.memory_space<vmem>>) offsets(%dma_start3A_790 : memref<80xi32, #tpu.memory_space<vmem>>) semaphore(%arg10 : memref<!tpu.dma_semaphore, #tpu.memory_space<semaphore_mem>>)
      %run_scoped3A_794 = arith.constant 0 : i32
      %run_scoped3A_795 = arith.constant 1 : i32
      "tpu.region"() ({
        %run_scoped3A_828 = tpu.sem_alloc : memref<!tpu.dma_semaphore, #tpu.memory_space<semaphore_mem>>
        %dma_start3A_829 = arith.constant 0 : i32
        %dma_start3A_830 = arith.constant 0 : i32
        %dma_start3A_831 = tpu.memref_slice %arg7[%run_scoped3A_794, %dma_start3A_829, %dma_start3A_830] : memref<2x80x128xf32, #tpu.memory_space<vmem>> -> memref<1x80x128xf32, #tpu.memory_space<vmem>>
        %dma_start3A_832 = tpu.memref_squeeze %dma_start3A_831 : memref<1x80x128xf32, #tpu.memory_space<vmem>> -> memref<80x128xf32, #tpu.memory_space<vmem>>
        %dma_start3A_833 = arith.constant 0 : i32
        %dma_start3A_834 = tpu.memref_slice %arg6[%run_scoped3A_795, %mul3A_767, %dma_start3A_833] : memref<2x25x80xi32, #tpu.memory_space<vmem>> -> memref<1x1x80xi32, #tpu.memory_space<vmem>>
        %dma_start3A_835 = tpu.memref_squeeze %dma_start3A_834 : memref<1x1x80xi32, #tpu.memory_space<vmem>> -> memref<80xi32, #tpu.memory_space<vmem>>
        %dma_start3A_836 = arith.constant 0 : i32
        %dma_start3A_837 = arith.constant 0 : i32
        %dma_start3A_838 = tpu.memref_slice %arg8[%dma_start3A_836, %dma_start3A_837] : memref<10112x128xf32, #tpu.memory_space<vmem_shared>> -> memref<10112x128xf32, #tpu.memory_space<vmem_shared>>
        tpu.enqueue_indirect_dma source(%dma_start3A_832 : memref<80x128xf32, #tpu.memory_space<vmem>>) target(%dma_start3A_838 : memref<10112x128xf32, #tpu.memory_space<vmem_shared>>) offsets(%dma_start3A_835 : memref<80xi32, #tpu.memory_space<vmem>>) semaphore(%run_scoped3A_828 : memref<!tpu.dma_semaphore, #tpu.memory_space<semaphore_mem>>) {add = true}
        %dma_wait3A_839 = arith.constant 0 : i32
        %dma_wait3A_840 = arith.constant 0 : i32
        %dma_wait3A_841 = tpu.memref_slice %arg7[%run_scoped3A_794, %dma_wait3A_839, %dma_wait3A_840] : memref<2x80x128xf32, #tpu.memory_space<vmem>> -> memref<1x80x128xf32, #tpu.memory_space<vmem>>
        %dma_wait3A_842 = tpu.memref_squeeze %dma_wait3A_841 : memref<1x80x128xf32, #tpu.memory_space<vmem>> -> memref<80x128xf32, #tpu.memory_space<vmem>>
        %dma_wait3A_843 = arith.constant 0 : i32
        %dma_wait3A_844 = tpu.memref_slice %arg6[%run_scoped3A_795, %mul3A_767, %dma_wait3A_843] : memref<2x25x80xi32, #tpu.memory_space<vmem>> -> memref<1x1x80xi32, #tpu.memory_space<vmem>>
        %dma_wait3A_845 = tpu.memref_squeeze %dma_wait3A_844 : memref<1x1x80xi32, #tpu.memory_space<vmem>> -> memref<80xi32, #tpu.memory_space<vmem>>
        %dma_wait3A_846 = arith.constant 0 : i32
        %dma_wait3A_847 = arith.constant 0 : i32
        %dma_wait3A_848 = tpu.memref_slice %arg8[%dma_wait3A_846, %dma_wait3A_847] : memref<10112x128xf32, #tpu.memory_space<vmem_shared>> -> memref<10112x128xf32, #tpu.memory_space<vmem_shared>>
        tpu.wait_indirect_dma semaphore(%run_scoped3A_828 : memref<!tpu.dma_semaphore, #tpu.memory_space<semaphore_mem>>) src(%dma_wait3A_842 : memref<80x128xf32, #tpu.memory_space<vmem>>) dst(%dma_wait3A_848 : memref<10112x128xf32, #tpu.memory_space<vmem_shared>>)
        tpu.yield
      }) : () -> ()
      %add3A_796 = arith.constant 1 : i32
      %add3A_797 = arith.addi %mul3A_767, %add3A_796 : i32
      %dma_wait3A_798 = arith.constant 1 : i32
      %dma_wait3A_799 = arith.constant 1 : i32
      %dma_wait3A_800 = arith.constant 0 : i32
      %dma_wait3A_801 = arith.constant 0 : i32
      %dma_wait3A_802 = tpu.memref_slice %arg7[%dma_wait3A_799, %dma_wait3A_800, %dma_wait3A_801] : memref<2x80x128xf32, #tpu.memory_space<vmem>> -> memref<1x80x128xf32, #tpu.memory_space<vmem>>
      %dma_wait3A_803 = tpu.memref_squeeze %dma_wait3A_802 : memref<1x80x128xf32, #tpu.memory_space<vmem>> -> memref<80x128xf32, #tpu.memory_space<vmem>>
      %dma_wait3A_804 = arith.constant 0 : i32
      %dma_wait3A_805 = tpu.memref_slice %arg5[%dma_wait3A_798, %add3A_797, %dma_wait3A_804] : memref<2x25x80xi32, #tpu.memory_space<vmem>> -> memref<1x1x80xi32, #tpu.memory_space<vmem>>
      %dma_wait3A_806 = tpu.memref_squeeze %dma_wait3A_805 : memref<1x1x80xi32, #tpu.memory_space<vmem>> -> memref<80xi32, #tpu.memory_space<vmem>>
      %dma_wait3A_807 = arith.constant 0 : i32
      %dma_wait3A_808 = arith.constant 0 : i32
      %dma_wait3A_809 = tpu.memref_slice %arg2[%dma_wait3A_807, %dma_wait3A_808] : memref<10000x128xf32, #tpu.memory_space<hbm>> -> memref<10000x128xf32, #tpu.memory_space<hbm>>
      tpu.wait_indirect_dma semaphore(%arg10 : memref<!tpu.dma_semaphore, #tpu.memory_space<semaphore_mem>>) src(%dma_wait3A_809 : memref<10000x128xf32, #tpu.memory_space<hbm>>) dst(%dma_wait3A_803 : memref<80x128xf32, #tpu.memory_space<vmem>>)
      %add3A_810 = arith.constant 2 : i32
      %add3A_811 = arith.addi %mul3A_767, %add3A_810 : i32
      %dma_start3A_812 = arith.constant 1 : i32
      %dma_start3A_813 = arith.constant 0 : i32
      %dma_start3A_814 = arith.constant 0 : i32
      %dma_start3A_815 = arith.constant 0 : i32
      %dma_start3A_816 = tpu.memref_slice %arg7[%dma_start3A_813, %dma_start3A_814, %dma_start3A_815] : memref<2x80x128xf32, #tpu.memory_space<vmem>> -> memref<1x80x128xf32, #tpu.memory_space<vmem>>
      %dma_start3A_817 = tpu.memref_squeeze %dma_start3A_816 : memref<1x80x128xf32, #tpu.memory_space<vmem>> -> memref<80x128xf32, #tpu.memory_space<vmem>>
      %dma_start3A_818 = arith.constant 0 : i32
      %dma_start3A_819 = tpu.memref_slice %arg5[%dma_start3A_812, %add3A_811, %dma_start3A_818] : memref<2x25x80xi32, #tpu.memory_space<vmem>> -> memref<1x1x80xi32, #tpu.memory_space<vmem>>
      %dma_start3A_820 = tpu.memref_squeeze %dma_start3A_819 : memref<1x1x80xi32, #tpu.memory_space<vmem>> -> memref<80xi32, #tpu.memory_space<vmem>>
      %dma_start3A_821 = arith.constant 0 : i32
      %dma_start3A_822 = arith.constant 0 : i32
      %dma_start3A_823 = tpu.memref_slice %arg2[%dma_start3A_821, %dma_start3A_822] : memref<10000x128xf32, #tpu.memory_space<hbm>> -> memref<10000x128xf32, #tpu.memory_space<hbm>>
      tpu.enqueue_indirect_dma source(%dma_start3A_823 : memref<10000x128xf32, #tpu.memory_space<hbm>>) target(%dma_start3A_817 : memref<80x128xf32, #tpu.memory_space<vmem>>) offsets(%dma_start3A_820 : memref<80xi32, #tpu.memory_space<vmem>>) semaphore(%arg9 : memref<!tpu.dma_semaphore, #tpu.memory_space<semaphore_mem>>)
      %add3A_824 = arith.constant 1 : i32
      %add3A_825 = arith.addi %mul3A_767, %add3A_824 : i32
      %run_scoped3A_826 = arith.constant 1 : i32
      %run_scoped3A_827 = arith.constant 1 : i32
      "tpu.region"() ({
        %run_scoped3A_828 = tpu.sem_alloc : memref<!tpu.dma_semaphore, #tpu.memory_space<semaphore_mem>>
        %dma_start3A_829 = arith.constant 0 : i32
        %dma_start3A_830 = arith.constant 0 : i32
        %dma_start3A_831 = tpu.memref_slice %arg7[%run_scoped3A_826, %dma_start3A_829, %dma_start3A_830] : memref<2x80x128xf32, #tpu.memory_space<vmem>> -> memref<1x80x128xf32, #tpu.memory_space<vmem>>
        %dma_start3A_832 = tpu.memref_squeeze %dma_start3A_831 : memref<1x80x128xf32, #tpu.memory_space<vmem>> -> memref<80x128xf32, #tpu.memory_space<vmem>>
        %dma_start3A_833 = arith.constant 0 : i32
        %dma_start3A_834 = tpu.memref_slice %arg6[%run_scoped3A_827, %add3A_825, %dma_start3A_833] : memref<2x25x80xi32, #tpu.memory_space<vmem>> -> memref<1x1x80xi32, #tpu.memory_space<vmem>>
        %dma_start3A_835 = tpu.memref_squeeze %dma_start3A_834 : memref<1x1x80xi32, #tpu.memory_space<vmem>> -> memref<80xi32, #tpu.memory_space<vmem>>
        %dma_start3A_836 = arith.constant 0 : i32
        %dma_start3A_837 = arith.constant 0 : i32
        %dma_start3A_838 = tpu.memref_slice %arg8[%dma_start3A_836, %dma_start3A_837] : memref<10112x128xf32, #tpu.memory_space<vmem_shared>> -> memref<10112x128xf32, #tpu.memory_space<vmem_shared>>
        tpu.enqueue_indirect_dma source(%dma_start3A_832 : memref<80x128xf32, #tpu.memory_space<vmem>>) target(%dma_start3A_838 : memref<10112x128xf32, #tpu.memory_space<vmem_shared>>) offsets(%dma_start3A_835 : memref<80xi32, #tpu.memory_space<vmem>>) semaphore(%run_scoped3A_828 : memref<!tpu.dma_semaphore, #tpu.memory_space<semaphore_mem>>) {add = true}
        %dma_wait3A_839 = arith.constant 0 : i32
        %dma_wait3A_840 = arith.constant 0 : i32
        %dma_wait3A_841 = tpu.memref_slice %arg7[%run_scoped3A_826, %dma_wait3A_839, %dma_wait3A_840] : memref<2x80x128xf32, #tpu.memory_space<vmem>> -> memref<1x80x128xf32, #tpu.memory_space<vmem>>
        %dma_wait3A_842 = tpu.memref_squeeze %dma_wait3A_841 : memref<1x80x128xf32, #tpu.memory_space<vmem>> -> memref<80x128xf32, #tpu.memory_space<vmem>>
        %dma_wait3A_843 = arith.constant 0 : i32
        %dma_wait3A_844 = tpu.memref_slice %arg6[%run_scoped3A_827, %add3A_825, %dma_wait3A_843] : memref<2x25x80xi32, #tpu.memory_space<vmem>> -> memref<1x1x80xi32, #tpu.memory_space<vmem>>
        %dma_wait3A_845 = tpu.memref_squeeze %dma_wait3A_844 : memref<1x1x80xi32, #tpu.memory_space<vmem>> -> memref<80xi32, #tpu.memory_space<vmem>>
        %dma_wait3A_846 = arith.constant 0 : i32
        %dma_wait3A_847 = arith.constant 0 : i32
        %dma_wait3A_848 = tpu.memref_slice %arg8[%dma_wait3A_846, %dma_wait3A_847] : memref<10112x128xf32, #tpu.memory_space<vmem_shared>> -> memref<10112x128xf32, #tpu.memory_space<vmem_shared>>
        tpu.wait_indirect_dma semaphore(%run_scoped3A_828 : memref<!tpu.dma_semaphore, #tpu.memory_space<semaphore_mem>>) src(%dma_wait3A_842 : memref<80x128xf32, #tpu.memory_space<vmem>>) dst(%dma_wait3A_848 : memref<10112x128xf32, #tpu.memory_space<vmem_shared>>)
        tpu.yield
      }) : () -> ()
    }
    %scan3A_448 = arith.constant 12 : i32
    %dma_wait3A_449 = arith.constant 1 : i32
    %dma_wait3A_450 = arith.constant 24 : i32
    %dma_wait3A_451 = arith.constant 0 : i32
    %dma_wait3A_452 = arith.constant 0 : i32
    %dma_wait3A_453 = arith.constant 0 : i32
    %dma_wait3A_454 = tpu.memref_slice %arg7[%dma_wait3A_451, %dma_wait3A_452, %dma_wait3A_453] : memref<2x80x128xf32, #tpu.memory_space<vmem>> -> memref<1x80x128xf32, #tpu.memory_space<vmem>>
    %dma_wait3A_455 = tpu.memref_squeeze %dma_wait3A_454 : memref<1x80x128xf32, #tpu.memory_space<vmem>> -> memref<80x128xf32, #tpu.memory_space<vmem>>
    %dma_wait3A_456 = arith.constant 0 : i32
    %dma_wait3A_457 = tpu.memref_slice %arg5[%dma_wait3A_449, %dma_wait3A_450, %dma_wait3A_456] : memref<2x25x80xi32, #tpu.memory_space<vmem>> -> memref<1x1x80xi32, #tpu.memory_space<vmem>>
    %dma_wait3A_458 = tpu.memref_squeeze %dma_wait3A_457 : memref<1x1x80xi32, #tpu.memory_space<vmem>> -> memref<80xi32, #tpu.memory_space<vmem>>
    %dma_wait3A_459 = arith.constant 0 : i32
    %dma_wait3A_460 = arith.constant 0 : i32
    %dma_wait3A_461 = tpu.memref_slice %arg2[%dma_wait3A_459, %dma_wait3A_460] : memref<10000x128xf32, #tpu.memory_space<hbm>> -> memref<10000x128xf32, #tpu.memory_space<hbm>>
    tpu.wait_indirect_dma semaphore(%arg9 : memref<!tpu.dma_semaphore, #tpu.memory_space<semaphore_mem>>) src(%dma_wait3A_461 : memref<10000x128xf32, #tpu.memory_space<hbm>>) dst(%dma_wait3A_455 : memref<80x128xf32, #tpu.memory_space<vmem>>)
    %run_scoped3A_462 = arith.constant 0 : i32
    %run_scoped3A_463 = arith.constant 1 : i32
    %run_scoped3A_464 = arith.constant 24 : i32
    "tpu.region"() ({
      %run_scoped3A_765 = tpu.sem_alloc : memref<!tpu.dma_semaphore, #tpu.memory_space<semaphore_mem>>
      %dma_start3A_766 = arith.constant 0 : i32
      %dma_start3A_767 = arith.constant 0 : i32
      %dma_start3A_768 = tpu.memref_slice %arg7[%run_scoped3A_462, %dma_start3A_766, %dma_start3A_767] : memref<2x80x128xf32, #tpu.memory_space<vmem>> -> memref<1x80x128xf32, #tpu.memory_space<vmem>>
      %dma_start3A_769 = tpu.memref_squeeze %dma_start3A_768 : memref<1x80x128xf32, #tpu.memory_space<vmem>> -> memref<80x128xf32, #tpu.memory_space<vmem>>
      %dma_start3A_770 = arith.constant 0 : i32
      %dma_start3A_771 = tpu.memref_slice %arg6[%run_scoped3A_463, %run_scoped3A_464, %dma_start3A_770] : memref<2x25x80xi32, #tpu.memory_space<vmem>> -> memref<1x1x80xi32, #tpu.memory_space<vmem>>
      %dma_start3A_772 = tpu.memref_squeeze %dma_start3A_771 : memref<1x1x80xi32, #tpu.memory_space<vmem>> -> memref<80xi32, #tpu.memory_space<vmem>>
      %dma_start3A_773 = arith.constant 0 : i32
      %dma_start3A_774 = arith.constant 0 : i32
      %dma_start3A_775 = tpu.memref_slice %arg8[%dma_start3A_773, %dma_start3A_774] : memref<10112x128xf32, #tpu.memory_space<vmem_shared>> -> memref<10112x128xf32, #tpu.memory_space<vmem_shared>>
      tpu.enqueue_indirect_dma source(%dma_start3A_769 : memref<80x128xf32, #tpu.memory_space<vmem>>) target(%dma_start3A_775 : memref<10112x128xf32, #tpu.memory_space<vmem_shared>>) offsets(%dma_start3A_772 : memref<80xi32, #tpu.memory_space<vmem>>) semaphore(%run_scoped3A_765 : memref<!tpu.dma_semaphore, #tpu.memory_space<semaphore_mem>>) {add = true}
      %dma_wait3A_776 = arith.constant 0 : i32
      %dma_wait3A_777 = arith.constant 0 : i32
      %dma_wait3A_778 = tpu.memref_slice %arg7[%run_scoped3A_462, %dma_wait3A_776, %dma_wait3A_777] : memref<2x80x128xf32, #tpu.memory_space<vmem>> -> memref<1x80x128xf32, #tpu.memory_space<vmem>>
      %dma_wait3A_779 = tpu.memref_squeeze %dma_wait3A_778 : memref<1x80x128xf32, #tpu.memory_space<vmem>> -> memref<80x128xf32, #tpu.memory_space<vmem>>
      %dma_wait3A_780 = arith.constant 0 : i32
      %dma_wait3A_781 = tpu.memref_slice %arg6[%run_scoped3A_463, %run_scoped3A_464, %dma_wait3A_780] : memref<2x25x80xi32, #tpu.memory_space<vmem>> -> memref<1x1x80xi32, #tpu.memory_space<vmem>>
      %dma_wait3A_782 = tpu.memref_squeeze %dma_wait3A_781 : memref<1x1x80xi32, #tpu.memory_space<vmem>> -> memref<80xi32, #tpu.memory_space<vmem>>
      %dma_wait3A_783 = arith.constant 0 : i32
      %dma_wait3A_784 = arith.constant 0 : i32
      %dma_wait3A_785 = tpu.memref_slice %arg8[%dma_wait3A_783, %dma_wait3A_784] : memref<10112x128xf32, #tpu.memory_space<vmem_shared>> -> memref<10112x128xf32, #tpu.memory_space<vmem_shared>>
      tpu.wait_indirect_dma semaphore(%run_scoped3A_765 : memref<!tpu.dma_semaphore, #tpu.memory_space<semaphore_mem>>) src(%dma_wait3A_779 : memref<80x128xf32, #tpu.memory_space<vmem>>) dst(%dma_wait3A_785 : memref<10112x128xf32, #tpu.memory_space<vmem_shared>>)
      tpu.yield
    }) : () -> ()
    %dma_wait3A_465 = arith.constant 0 : i32
    %dma_wait3A_466 = arith.constant 2 : i32
    %dma_wait3A_467 = arith.constant 0 : i32
    %dma_wait3A_468 = arith.constant 0 : i32
    %dma_wait3A_469 = arith.constant 0 : i32
    %dma_wait3A_470 = tpu.memref_slice %arg5[%dma_wait3A_467, %dma_wait3A_468, %dma_wait3A_469] : memref<2x25x80xi32, #tpu.memory_space<vmem>> -> memref<1x25x80xi32, #tpu.memory_space<vmem>>
    %dma_wait3A_471 = tpu.memref_squeeze %dma_wait3A_470 : memref<1x25x80xi32, #tpu.memory_space<vmem>> -> memref<25x80xi32, #tpu.memory_space<vmem>>
    %dma_wait3A_472 = arith.constant 0 : i32
    %dma_wait3A_473 = arith.constant 0 : i32
    %dma_wait3A_474 = tpu.memref_slice %arg3[%dma_wait3A_465, %add3A, %dma_wait3A_466, %dma_wait3A_472, %dma_wait3A_473] : memref<2x32x5x25x80xi32, #tpu.memory_space<hbm>> -> memref<1x1x1x25x80xi32, #tpu.memory_space<hbm>>
    %dma_wait3A_475 = tpu.memref_squeeze %dma_wait3A_474 : memref<1x1x1x25x80xi32, #tpu.memory_space<hbm>> -> memref<25x80xi32, #tpu.memory_space<hbm>>
    %dma_wait3A_476 = arith.constant 0 : i32
    %dma_wait3A_477 = arith.constant 0 : i32
    %dma_wait3A_478 = tpu.memref_slice %arg5[%dma_wait3A_467, %dma_wait3A_476, %dma_wait3A_477] : memref<2x25x80xi32, #tpu.memory_space<vmem>> -> memref<1x25x80xi32, #tpu.memory_space<vmem>>
    %dma_wait3A_479 = tpu.memref_squeeze %dma_wait3A_478 : memref<1x25x80xi32, #tpu.memory_space<vmem>> -> memref<25x80xi32, #tpu.memory_space<vmem>>
    %dma_wait3A_480 = arith.constant 0 : i32
    %dma_wait3A_481 = arith.constant 0 : i32
    %dma_wait3A_482 = tpu.memref_slice %arg3[%dma_wait3A_465, %add3A, %dma_wait3A_466, %dma_wait3A_480, %dma_wait3A_481] : memref<2x32x5x25x80xi32, #tpu.memory_space<hbm>> -> memref<1x1x1x25x80xi32, #tpu.memory_space<hbm>>
    %dma_wait3A_483 = tpu.memref_squeeze %dma_wait3A_482 : memref<1x1x1x25x80xi32, #tpu.memory_space<hbm>> -> memref<25x80xi32, #tpu.memory_space<hbm>>
    tpu.wait_dma2 semaphore(%arg11 : memref<!tpu.dma_semaphore, #tpu.memory_space<semaphore_mem>>) src(%dma_wait3A_483 : memref<25x80xi32, #tpu.memory_space<hbm>>) dst(%dma_wait3A_479 : memref<25x80xi32, #tpu.memory_space<vmem>>)
    %dma_wait3A_484 = arith.constant 1 : i32
    %dma_wait3A_485 = arith.constant 2 : i32
    %dma_wait3A_486 = arith.constant 0 : i32
    %dma_wait3A_487 = arith.constant 0 : i32
    %dma_wait3A_488 = arith.constant 0 : i32
    %dma_wait3A_489 = tpu.memref_slice %arg6[%dma_wait3A_486, %dma_wait3A_487, %dma_wait3A_488] : memref<2x25x80xi32, #tpu.memory_space<vmem>> -> memref<1x25x80xi32, #tpu.memory_space<vmem>>
    %dma_wait3A_490 = tpu.memref_squeeze %dma_wait3A_489 : memref<1x25x80xi32, #tpu.memory_space<vmem>> -> memref<25x80xi32, #tpu.memory_space<vmem>>
    %dma_wait3A_491 = arith.constant 0 : i32
    %dma_wait3A_492 = arith.constant 0 : i32
    %dma_wait3A_493 = tpu.memref_slice %arg3[%dma_wait3A_484, %add3A, %dma_wait3A_485, %dma_wait3A_491, %dma_wait3A_492] : memref<2x32x5x25x80xi32, #tpu.memory_space<hbm>> -> memref<1x1x1x25x80xi32, #tpu.memory_space<hbm>>
    %dma_wait3A_494 = tpu.memref_squeeze %dma_wait3A_493 : memref<1x1x1x25x80xi32, #tpu.memory_space<hbm>> -> memref<25x80xi32, #tpu.memory_space<hbm>>
    %dma_wait3A_495 = arith.constant 0 : i32
    %dma_wait3A_496 = arith.constant 0 : i32
    %dma_wait3A_497 = tpu.memref_slice %arg6[%dma_wait3A_486, %dma_wait3A_495, %dma_wait3A_496] : memref<2x25x80xi32, #tpu.memory_space<vmem>> -> memref<1x25x80xi32, #tpu.memory_space<vmem>>
    %dma_wait3A_498 = tpu.memref_squeeze %dma_wait3A_497 : memref<1x25x80xi32, #tpu.memory_space<vmem>> -> memref<25x80xi32, #tpu.memory_space<vmem>>
    %dma_wait3A_499 = arith.constant 0 : i32
    %dma_wait3A_500 = arith.constant 0 : i32
    %dma_wait3A_501 = tpu.memref_slice %arg3[%dma_wait3A_484, %add3A, %dma_wait3A_485, %dma_wait3A_499, %dma_wait3A_500] : memref<2x32x5x25x80xi32, #tpu.memory_space<hbm>> -> memref<1x1x1x25x80xi32, #tpu.memory_space<hbm>>
    %dma_wait3A_502 = tpu.memref_squeeze %dma_wait3A_501 : memref<1x1x1x25x80xi32, #tpu.memory_space<hbm>> -> memref<25x80xi32, #tpu.memory_space<hbm>>
    tpu.wait_dma2 semaphore(%arg11 : memref<!tpu.dma_semaphore, #tpu.memory_space<semaphore_mem>>) src(%dma_wait3A_502 : memref<25x80xi32, #tpu.memory_space<hbm>>) dst(%dma_wait3A_498 : memref<25x80xi32, #tpu.memory_space<vmem>>)
    %dma_start3A_503 = arith.constant 0 : i32
    %dma_start3A_504 = arith.constant 3 : i32
    %dma_start3A_505 = arith.constant 1 : i32
    %dma_start3A_506 = arith.constant 0 : i32
    %dma_start3A_507 = arith.constant 0 : i32
    %dma_start3A_508 = tpu.memref_slice %arg5[%dma_start3A_505, %dma_start3A_506, %dma_start3A_507] : memref<2x25x80xi32, #tpu.memory_space<vmem>> -> memref<1x25x80xi32, #tpu.memory_space<vmem>>
    %dma_start3A_509 = tpu.memref_squeeze %dma_start3A_508 : memref<1x25x80xi32, #tpu.memory_space<vmem>> -> memref<25x80xi32, #tpu.memory_space<vmem>>
    %dma_start3A_510 = arith.constant 0 : i32
    %dma_start3A_511 = arith.constant 0 : i32
    %dma_start3A_512 = tpu.memref_slice %arg3[%dma_start3A_503, %add3A, %dma_start3A_504, %dma_start3A_510, %dma_start3A_511] : memref<2x32x5x25x80xi32, #tpu.memory_space<hbm>> -> memref<1x1x1x25x80xi32, #tpu.memory_space<hbm>>
    %dma_start3A_513 = tpu.memref_squeeze %dma_start3A_512 : memref<1x1x1x25x80xi32, #tpu.memory_space<hbm>> -> memref<25x80xi32, #tpu.memory_space<hbm>>
    %dma_start3A_514 = arith.constant 0 : i32
    %dma_start3A_515 = arith.constant 0 : i32
    %dma_start3A_516 = tpu.memref_slice %arg5[%dma_start3A_505, %dma_start3A_514, %dma_start3A_515] : memref<2x25x80xi32, #tpu.memory_space<vmem>> -> memref<1x25x80xi32, #tpu.memory_space<vmem>>
    %dma_start3A_517 = tpu.memref_squeeze %dma_start3A_516 : memref<1x25x80xi32, #tpu.memory_space<vmem>> -> memref<25x80xi32, #tpu.memory_space<vmem>>
    %dma_start3A_518 = arith.constant 0 : i32
    %dma_start3A_519 = arith.constant 0 : i32
    %dma_start3A_520 = tpu.memref_slice %arg3[%dma_start3A_503, %add3A, %dma_start3A_504, %dma_start3A_518, %dma_start3A_519] : memref<2x32x5x25x80xi32, #tpu.memory_space<hbm>> -> memref<1x1x1x25x80xi32, #tpu.memory_space<hbm>>
    %dma_start3A_521 = tpu.memref_squeeze %dma_start3A_520 : memref<1x1x1x25x80xi32, #tpu.memory_space<hbm>> -> memref<25x80xi32, #tpu.memory_space<hbm>>
    tpu.enqueue_dma source(%dma_start3A_521 : memref<25x80xi32, #tpu.memory_space<hbm>>) target(%dma_start3A_517 : memref<25x80xi32, #tpu.memory_space<vmem>>) target_semaphore(%arg11 : memref<!tpu.dma_semaphore, #tpu.memory_space<semaphore_mem>>)
    %dma_start3A_522 = arith.constant 1 : i32
    %dma_start3A_523 = arith.constant 3 : i32
    %dma_start3A_524 = arith.constant 1 : i32
    %dma_start3A_525 = arith.constant 0 : i32
    %dma_start3A_526 = arith.constant 0 : i32
    %dma_start3A_527 = tpu.memref_slice %arg6[%dma_start3A_524, %dma_start3A_525, %dma_start3A_526] : memref<2x25x80xi32, #tpu.memory_space<vmem>> -> memref<1x25x80xi32, #tpu.memory_space<vmem>>
    %dma_start3A_528 = tpu.memref_squeeze %dma_start3A_527 : memref<1x25x80xi32, #tpu.memory_space<vmem>> -> memref<25x80xi32, #tpu.memory_space<vmem>>
    %dma_start3A_529 = arith.constant 0 : i32
    %dma_start3A_530 = arith.constant 0 : i32
    %dma_start3A_531 = tpu.memref_slice %arg3[%dma_start3A_522, %add3A, %dma_start3A_523, %dma_start3A_529, %dma_start3A_530] : memref<2x32x5x25x80xi32, #tpu.memory_space<hbm>> -> memref<1x1x1x25x80xi32, #tpu.memory_space<hbm>>
    %dma_start3A_532 = tpu.memref_squeeze %dma_start3A_531 : memref<1x1x1x25x80xi32, #tpu.memory_space<hbm>> -> memref<25x80xi32, #tpu.memory_space<hbm>>
    %dma_start3A_533 = arith.constant 0 : i32
    %dma_start3A_534 = arith.constant 0 : i32
    %dma_start3A_535 = tpu.memref_slice %arg6[%dma_start3A_524, %dma_start3A_533, %dma_start3A_534] : memref<2x25x80xi32, #tpu.memory_space<vmem>> -> memref<1x25x80xi32, #tpu.memory_space<vmem>>
    %dma_start3A_536 = tpu.memref_squeeze %dma_start3A_535 : memref<1x25x80xi32, #tpu.memory_space<vmem>> -> memref<25x80xi32, #tpu.memory_space<vmem>>
    %dma_start3A_537 = arith.constant 0 : i32
    %dma_start3A_538 = arith.constant 0 : i32
    %dma_start3A_539 = tpu.memref_slice %arg3[%dma_start3A_522, %add3A, %dma_start3A_523, %dma_start3A_537, %dma_start3A_538] : memref<2x32x5x25x80xi32, #tpu.memory_space<hbm>> -> memref<1x1x1x25x80xi32, #tpu.memory_space<hbm>>
    %dma_start3A_540 = tpu.memref_squeeze %dma_start3A_539 : memref<1x1x1x25x80xi32, #tpu.memory_space<hbm>> -> memref<25x80xi32, #tpu.memory_space<hbm>>
    tpu.enqueue_dma source(%dma_start3A_540 : memref<25x80xi32, #tpu.memory_space<hbm>>) target(%dma_start3A_536 : memref<25x80xi32, #tpu.memory_space<vmem>>) target_semaphore(%arg11 : memref<!tpu.dma_semaphore, #tpu.memory_space<semaphore_mem>>)
    %dma_start3A_541 = arith.constant 0 : i32
    %dma_start3A_542 = arith.constant 0 : i32
    %dma_start3A_543 = arith.constant 0 : i32
    %dma_start3A_544 = arith.constant 0 : i32
    %dma_start3A_545 = arith.constant 0 : i32
    %dma_start3A_546 = tpu.memref_slice %arg7[%dma_start3A_543, %dma_start3A_544, %dma_start3A_545] : memref<2x80x128xf32, #tpu.memory_space<vmem>> -> memref<1x80x128xf32, #tpu.memory_space<vmem>>
    %dma_start3A_547 = tpu.memref_squeeze %dma_start3A_546 : memref<1x80x128xf32, #tpu.memory_space<vmem>> -> memref<80x128xf32, #tpu.memory_space<vmem>>
    %dma_start3A_548 = arith.constant 0 : i32
    %dma_start3A_549 = tpu.memref_slice %arg5[%dma_start3A_541, %dma_start3A_542, %dma_start3A_548] : memref<2x25x80xi32, #tpu.memory_space<vmem>> -> memref<1x1x80xi32, #tpu.memory_space<vmem>>
    %dma_start3A_550 = tpu.memref_squeeze %dma_start3A_549 : memref<1x1x80xi32, #tpu.memory_space<vmem>> -> memref<80xi32, #tpu.memory_space<vmem>>
    %dma_start3A_551 = arith.constant 0 : i32
    %dma_start3A_552 = arith.constant 0 : i32
    %dma_start3A_553 = tpu.memref_slice %arg2[%dma_start3A_551, %dma_start3A_552] : memref<10000x128xf32, #tpu.memory_space<hbm>> -> memref<10000x128xf32, #tpu.memory_space<hbm>>
    tpu.enqueue_indirect_dma source(%dma_start3A_553 : memref<10000x128xf32, #tpu.memory_space<hbm>>) target(%dma_start3A_547 : memref<80x128xf32, #tpu.memory_space<vmem>>) offsets(%dma_start3A_550 : memref<80xi32, #tpu.memory_space<vmem>>) semaphore(%arg9 : memref<!tpu.dma_semaphore, #tpu.memory_space<semaphore_mem>>)
    %scan3A_554 = arith.constant 0 : i32
    %scan3A_555 = arith.constant 0 : i32
    %scan3A_556 = arith.constant 12 : i32
    %scan3A_557 = arith.addi %scan3A_555, %scan3A_556 : i32
    %scan3A_558 = arith.constant 1 : i32
    scf.for %scan3A_765 = %scan3A_555 to %scan3A_557 step %scan3A_558  : i32 {
      %mul3A_766 = arith.constant 2 : i32
      %mul3A_767 = arith.muli %mul3A_766, %scan3A_765 : i32
      %dma_wait3A_768 = arith.constant 0 : i32
      %dma_wait3A_769 = arith.constant 0 : i32
      %dma_wait3A_770 = arith.constant 0 : i32
      %dma_wait3A_771 = arith.constant 0 : i32
      %dma_wait3A_772 = tpu.memref_slice %arg7[%dma_wait3A_769, %dma_wait3A_770, %dma_wait3A_771] : memref<2x80x128xf32, #tpu.memory_space<vmem>> -> memref<1x80x128xf32, #tpu.memory_space<vmem>>
      %dma_wait3A_773 = tpu.memref_squeeze %dma_wait3A_772 : memref<1x80x128xf32, #tpu.memory_space<vmem>> -> memref<80x128xf32, #tpu.memory_space<vmem>>
      %dma_wait3A_774 = arith.constant 0 : i32
      %dma_wait3A_775 = tpu.memref_slice %arg5[%dma_wait3A_768, %mul3A_767, %dma_wait3A_774] : memref<2x25x80xi32, #tpu.memory_space<vmem>> -> memref<1x1x80xi32, #tpu.memory_space<vmem>>
      %dma_wait3A_776 = tpu.memref_squeeze %dma_wait3A_775 : memref<1x1x80xi32, #tpu.memory_space<vmem>> -> memref<80xi32, #tpu.memory_space<vmem>>
      %dma_wait3A_777 = arith.constant 0 : i32
      %dma_wait3A_778 = arith.constant 0 : i32
      %dma_wait3A_779 = tpu.memref_slice %arg2[%dma_wait3A_777, %dma_wait3A_778] : memref<10000x128xf32, #tpu.memory_space<hbm>> -> memref<10000x128xf32, #tpu.memory_space<hbm>>
      tpu.wait_indirect_dma semaphore(%arg9 : memref<!tpu.dma_semaphore, #tpu.memory_space<semaphore_mem>>) src(%dma_wait3A_779 : memref<10000x128xf32, #tpu.memory_space<hbm>>) dst(%dma_wait3A_773 : memref<80x128xf32, #tpu.memory_space<vmem>>)
      %add3A_780 = arith.constant 1 : i32
      %add3A_781 = arith.addi %mul3A_767, %add3A_780 : i32
      %dma_start3A_782 = arith.constant 0 : i32
      %dma_start3A_783 = arith.constant 1 : i32
      %dma_start3A_784 = arith.constant 0 : i32
      %dma_start3A_785 = arith.constant 0 : i32
      %dma_start3A_786 = tpu.memref_slice %arg7[%dma_start3A_783, %dma_start3A_784, %dma_start3A_785] : memref<2x80x128xf32, #tpu.memory_space<vmem>> -> memref<1x80x128xf32, #tpu.memory_space<vmem>>
      %dma_start3A_787 = tpu.memref_squeeze %dma_start3A_786 : memref<1x80x128xf32, #tpu.memory_space<vmem>> -> memref<80x128xf32, #tpu.memory_space<vmem>>
      %dma_start3A_788 = arith.constant 0 : i32
      %dma_start3A_789 = tpu.memref_slice %arg5[%dma_start3A_782, %add3A_781, %dma_start3A_788] : memref<2x25x80xi32, #tpu.memory_space<vmem>> -> memref<1x1x80xi32, #tpu.memory_space<vmem>>
      %dma_start3A_790 = tpu.memref_squeeze %dma_start3A_789 : memref<1x1x80xi32, #tpu.memory_space<vmem>> -> memref<80xi32, #tpu.memory_space<vmem>>
      %dma_start3A_791 = arith.constant 0 : i32
      %dma_start3A_792 = arith.constant 0 : i32
      %dma_start3A_793 = tpu.memref_slice %arg2[%dma_start3A_791, %dma_start3A_792] : memref<10000x128xf32, #tpu.memory_space<hbm>> -> memref<10000x128xf32, #tpu.memory_space<hbm>>
      tpu.enqueue_indirect_dma source(%dma_start3A_793 : memref<10000x128xf32, #tpu.memory_space<hbm>>) target(%dma_start3A_787 : memref<80x128xf32, #tpu.memory_space<vmem>>) offsets(%dma_start3A_790 : memref<80xi32, #tpu.memory_space<vmem>>) semaphore(%arg10 : memref<!tpu.dma_semaphore, #tpu.memory_space<semaphore_mem>>)
      %run_scoped3A_794 = arith.constant 0 : i32
      %run_scoped3A_795 = arith.constant 0 : i32
      "tpu.region"() ({
        %run_scoped3A_828 = tpu.sem_alloc : memref<!tpu.dma_semaphore, #tpu.memory_space<semaphore_mem>>
        %dma_start3A_829 = arith.constant 0 : i32
        %dma_start3A_830 = arith.constant 0 : i32
        %dma_start3A_831 = tpu.memref_slice %arg7[%run_scoped3A_794, %dma_start3A_829, %dma_start3A_830] : memref<2x80x128xf32, #tpu.memory_space<vmem>> -> memref<1x80x128xf32, #tpu.memory_space<vmem>>
        %dma_start3A_832 = tpu.memref_squeeze %dma_start3A_831 : memref<1x80x128xf32, #tpu.memory_space<vmem>> -> memref<80x128xf32, #tpu.memory_space<vmem>>
        %dma_start3A_833 = arith.constant 0 : i32
        %dma_start3A_834 = tpu.memref_slice %arg6[%run_scoped3A_795, %mul3A_767, %dma_start3A_833] : memref<2x25x80xi32, #tpu.memory_space<vmem>> -> memref<1x1x80xi32, #tpu.memory_space<vmem>>
        %dma_start3A_835 = tpu.memref_squeeze %dma_start3A_834 : memref<1x1x80xi32, #tpu.memory_space<vmem>> -> memref<80xi32, #tpu.memory_space<vmem>>
        %dma_start3A_836 = arith.constant 0 : i32
        %dma_start3A_837 = arith.constant 0 : i32
        %dma_start3A_838 = tpu.memref_slice %arg8[%dma_start3A_836, %dma_start3A_837] : memref<10112x128xf32, #tpu.memory_space<vmem_shared>> -> memref<10112x128xf32, #tpu.memory_space<vmem_shared>>
        tpu.enqueue_indirect_dma source(%dma_start3A_832 : memref<80x128xf32, #tpu.memory_space<vmem>>) target(%dma_start3A_838 : memref<10112x128xf32, #tpu.memory_space<vmem_shared>>) offsets(%dma_start3A_835 : memref<80xi32, #tpu.memory_space<vmem>>) semaphore(%run_scoped3A_828 : memref<!tpu.dma_semaphore, #tpu.memory_space<semaphore_mem>>) {add = true}
        %dma_wait3A_839 = arith.constant 0 : i32
        %dma_wait3A_840 = arith.constant 0 : i32
        %dma_wait3A_841 = tpu.memref_slice %arg7[%run_scoped3A_794, %dma_wait3A_839, %dma_wait3A_840] : memref<2x80x128xf32, #tpu.memory_space<vmem>> -> memref<1x80x128xf32, #tpu.memory_space<vmem>>
        %dma_wait3A_842 = tpu.memref_squeeze %dma_wait3A_841 : memref<1x80x128xf32, #tpu.memory_space<vmem>> -> memref<80x128xf32, #tpu.memory_space<vmem>>
        %dma_wait3A_843 = arith.constant 0 : i32
        %dma_wait3A_844 = tpu.memref_slice %arg6[%run_scoped3A_795, %mul3A_767, %dma_wait3A_843] : memref<2x25x80xi32, #tpu.memory_space<vmem>> -> memref<1x1x80xi32, #tpu.memory_space<vmem>>
        %dma_wait3A_845 = tpu.memref_squeeze %dma_wait3A_844 : memref<1x1x80xi32, #tpu.memory_space<vmem>> -> memref<80xi32, #tpu.memory_space<vmem>>
        %dma_wait3A_846 = arith.constant 0 : i32
        %dma_wait3A_847 = arith.constant 0 : i32
        %dma_wait3A_848 = tpu.memref_slice %arg8[%dma_wait3A_846, %dma_wait3A_847] : memref<10112x128xf32, #tpu.memory_space<vmem_shared>> -> memref<10112x128xf32, #tpu.memory_space<vmem_shared>>
        tpu.wait_indirect_dma semaphore(%run_scoped3A_828 : memref<!tpu.dma_semaphore, #tpu.memory_space<semaphore_mem>>) src(%dma_wait3A_842 : memref<80x128xf32, #tpu.memory_space<vmem>>) dst(%dma_wait3A_848 : memref<10112x128xf32, #tpu.memory_space<vmem_shared>>)
        tpu.yield
      }) : () -> ()
      %add3A_796 = arith.constant 1 : i32
      %add3A_797 = arith.addi %mul3A_767, %add3A_796 : i32
      %dma_wait3A_798 = arith.constant 0 : i32
      %dma_wait3A_799 = arith.constant 1 : i32
      %dma_wait3A_800 = arith.constant 0 : i32
      %dma_wait3A_801 = arith.constant 0 : i32
      %dma_wait3A_802 = tpu.memref_slice %arg7[%dma_wait3A_799, %dma_wait3A_800, %dma_wait3A_801] : memref<2x80x128xf32, #tpu.memory_space<vmem>> -> memref<1x80x128xf32, #tpu.memory_space<vmem>>
      %dma_wait3A_803 = tpu.memref_squeeze %dma_wait3A_802 : memref<1x80x128xf32, #tpu.memory_space<vmem>> -> memref<80x128xf32, #tpu.memory_space<vmem>>
      %dma_wait3A_804 = arith.constant 0 : i32
      %dma_wait3A_805 = tpu.memref_slice %arg5[%dma_wait3A_798, %add3A_797, %dma_wait3A_804] : memref<2x25x80xi32, #tpu.memory_space<vmem>> -> memref<1x1x80xi32, #tpu.memory_space<vmem>>
      %dma_wait3A_806 = tpu.memref_squeeze %dma_wait3A_805 : memref<1x1x80xi32, #tpu.memory_space<vmem>> -> memref<80xi32, #tpu.memory_space<vmem>>
      %dma_wait3A_807 = arith.constant 0 : i32
      %dma_wait3A_808 = arith.constant 0 : i32
      %dma_wait3A_809 = tpu.memref_slice %arg2[%dma_wait3A_807, %dma_wait3A_808] : memref<10000x128xf32, #tpu.memory_space<hbm>> -> memref<10000x128xf32, #tpu.memory_space<hbm>>
      tpu.wait_indirect_dma semaphore(%arg10 : memref<!tpu.dma_semaphore, #tpu.memory_space<semaphore_mem>>) src(%dma_wait3A_809 : memref<10000x128xf32, #tpu.memory_space<hbm>>) dst(%dma_wait3A_803 : memref<80x128xf32, #tpu.memory_space<vmem>>)
      %add3A_810 = arith.constant 2 : i32
      %add3A_811 = arith.addi %mul3A_767, %add3A_810 : i32
      %dma_start3A_812 = arith.constant 0 : i32
      %dma_start3A_813 = arith.constant 0 : i32
      %dma_start3A_814 = arith.constant 0 : i32
      %dma_start3A_815 = arith.constant 0 : i32
      %dma_start3A_816 = tpu.memref_slice %arg7[%dma_start3A_813, %dma_start3A_814, %dma_start3A_815] : memref<2x80x128xf32, #tpu.memory_space<vmem>> -> memref<1x80x128xf32, #tpu.memory_space<vmem>>
      %dma_start3A_817 = tpu.memref_squeeze %dma_start3A_816 : memref<1x80x128xf32, #tpu.memory_space<vmem>> -> memref<80x128xf32, #tpu.memory_space<vmem>>
      %dma_start3A_818 = arith.constant 0 : i32
      %dma_start3A_819 = tpu.memref_slice %arg5[%dma_start3A_812, %add3A_811, %dma_start3A_818] : memref<2x25x80xi32, #tpu.memory_space<vmem>> -> memref<1x1x80xi32, #tpu.memory_space<vmem>>
      %dma_start3A_820 = tpu.memref_squeeze %dma_start3A_819 : memref<1x1x80xi32, #tpu.memory_space<vmem>> -> memref<80xi32, #tpu.memory_space<vmem>>
      %dma_start3A_821 = arith.constant 0 : i32
      %dma_start3A_822 = arith.constant 0 : i32
      %dma_start3A_823 = tpu.memref_slice %arg2[%dma_start3A_821, %dma_start3A_822] : memref<10000x128xf32, #tpu.memory_space<hbm>> -> memref<10000x128xf32, #tpu.memory_space<hbm>>
      tpu.enqueue_indirect_dma source(%dma_start3A_823 : memref<10000x128xf32, #tpu.memory_space<hbm>>) target(%dma_start3A_817 : memref<80x128xf32, #tpu.memory_space<vmem>>) offsets(%dma_start3A_820 : memref<80xi32, #tpu.memory_space<vmem>>) semaphore(%arg9 : memref<!tpu.dma_semaphore, #tpu.memory_space<semaphore_mem>>)
      %add3A_824 = arith.constant 1 : i32
      %add3A_825 = arith.addi %mul3A_767, %add3A_824 : i32
      %run_scoped3A_826 = arith.constant 1 : i32
      %run_scoped3A_827 = arith.constant 0 : i32
      "tpu.region"() ({
        %run_scoped3A_828 = tpu.sem_alloc : memref<!tpu.dma_semaphore, #tpu.memory_space<semaphore_mem>>
        %dma_start3A_829 = arith.constant 0 : i32
        %dma_start3A_830 = arith.constant 0 : i32
        %dma_start3A_831 = tpu.memref_slice %arg7[%run_scoped3A_826, %dma_start3A_829, %dma_start3A_830] : memref<2x80x128xf32, #tpu.memory_space<vmem>> -> memref<1x80x128xf32, #tpu.memory_space<vmem>>
        %dma_start3A_832 = tpu.memref_squeeze %dma_start3A_831 : memref<1x80x128xf32, #tpu.memory_space<vmem>> -> memref<80x128xf32, #tpu.memory_space<vmem>>
        %dma_start3A_833 = arith.constant 0 : i32
        %dma_start3A_834 = tpu.memref_slice %arg6[%run_scoped3A_827, %add3A_825, %dma_start3A_833] : memref<2x25x80xi32, #tpu.memory_space<vmem>> -> memref<1x1x80xi32, #tpu.memory_space<vmem>>
        %dma_start3A_835 = tpu.memref_squeeze %dma_start3A_834 : memref<1x1x80xi32, #tpu.memory_space<vmem>> -> memref<80xi32, #tpu.memory_space<vmem>>
        %dma_start3A_836 = arith.constant 0 : i32
        %dma_start3A_837 = arith.constant 0 : i32
        %dma_start3A_838 = tpu.memref_slice %arg8[%dma_start3A_836, %dma_start3A_837] : memref<10112x128xf32, #tpu.memory_space<vmem_shared>> -> memref<10112x128xf32, #tpu.memory_space<vmem_shared>>
        tpu.enqueue_indirect_dma source(%dma_start3A_832 : memref<80x128xf32, #tpu.memory_space<vmem>>) target(%dma_start3A_838 : memref<10112x128xf32, #tpu.memory_space<vmem_shared>>) offsets(%dma_start3A_835 : memref<80xi32, #tpu.memory_space<vmem>>) semaphore(%run_scoped3A_828 : memref<!tpu.dma_semaphore, #tpu.memory_space<semaphore_mem>>) {add = true}
        %dma_wait3A_839 = arith.constant 0 : i32
        %dma_wait3A_840 = arith.constant 0 : i32
        %dma_wait3A_841 = tpu.memref_slice %arg7[%run_scoped3A_826, %dma_wait3A_839, %dma_wait3A_840] : memref<2x80x128xf32, #tpu.memory_space<vmem>> -> memref<1x80x128xf32, #tpu.memory_space<vmem>>
        %dma_wait3A_842 = tpu.memref_squeeze %dma_wait3A_841 : memref<1x80x128xf32, #tpu.memory_space<vmem>> -> memref<80x128xf32, #tpu.memory_space<vmem>>
        %dma_wait3A_843 = arith.constant 0 : i32
        %dma_wait3A_844 = tpu.memref_slice %arg6[%run_scoped3A_827, %add3A_825, %dma_wait3A_843] : memref<2x25x80xi32, #tpu.memory_space<vmem>> -> memref<1x1x80xi32, #tpu.memory_space<vmem>>
        %dma_wait3A_845 = tpu.memref_squeeze %dma_wait3A_844 : memref<1x1x80xi32, #tpu.memory_space<vmem>> -> memref<80xi32, #tpu.memory_space<vmem>>
        %dma_wait3A_846 = arith.constant 0 : i32
        %dma_wait3A_847 = arith.constant 0 : i32
        %dma_wait3A_848 = tpu.memref_slice %arg8[%dma_wait3A_846, %dma_wait3A_847] : memref<10112x128xf32, #tpu.memory_space<vmem_shared>> -> memref<10112x128xf32, #tpu.memory_space<vmem_shared>>
        tpu.wait_indirect_dma semaphore(%run_scoped3A_828 : memref<!tpu.dma_semaphore, #tpu.memory_space<semaphore_mem>>) src(%dma_wait3A_842 : memref<80x128xf32, #tpu.memory_space<vmem>>) dst(%dma_wait3A_848 : memref<10112x128xf32, #tpu.memory_space<vmem_shared>>)
        tpu.yield
      }) : () -> ()
    }
    %scan3A_559 = arith.constant 12 : i32
    %dma_wait3A_560 = arith.constant 0 : i32
    %dma_wait3A_561 = arith.constant 24 : i32
    %dma_wait3A_562 = arith.constant 0 : i32
    %dma_wait3A_563 = arith.constant 0 : i32
    %dma_wait3A_564 = arith.constant 0 : i32
    %dma_wait3A_565 = tpu.memref_slice %arg7[%dma_wait3A_562, %dma_wait3A_563, %dma_wait3A_564] : memref<2x80x128xf32, #tpu.memory_space<vmem>> -> memref<1x80x128xf32, #tpu.memory_space<vmem>>
    %dma_wait3A_566 = tpu.memref_squeeze %dma_wait3A_565 : memref<1x80x128xf32, #tpu.memory_space<vmem>> -> memref<80x128xf32, #tpu.memory_space<vmem>>
    %dma_wait3A_567 = arith.constant 0 : i32
    %dma_wait3A_568 = tpu.memref_slice %arg5[%dma_wait3A_560, %dma_wait3A_561, %dma_wait3A_567] : memref<2x25x80xi32, #tpu.memory_space<vmem>> -> memref<1x1x80xi32, #tpu.memory_space<vmem>>
    %dma_wait3A_569 = tpu.memref_squeeze %dma_wait3A_568 : memref<1x1x80xi32, #tpu.memory_space<vmem>> -> memref<80xi32, #tpu.memory_space<vmem>>
    %dma_wait3A_570 = arith.constant 0 : i32
    %dma_wait3A_571 = arith.constant 0 : i32
    %dma_wait3A_572 = tpu.memref_slice %arg2[%dma_wait3A_570, %dma_wait3A_571] : memref<10000x128xf32, #tpu.memory_space<hbm>> -> memref<10000x128xf32, #tpu.memory_space<hbm>>
    tpu.wait_indirect_dma semaphore(%arg9 : memref<!tpu.dma_semaphore, #tpu.memory_space<semaphore_mem>>) src(%dma_wait3A_572 : memref<10000x128xf32, #tpu.memory_space<hbm>>) dst(%dma_wait3A_566 : memref<80x128xf32, #tpu.memory_space<vmem>>)
    %run_scoped3A_573 = arith.constant 0 : i32
    %run_scoped3A_574 = arith.constant 0 : i32
    %run_scoped3A_575 = arith.constant 24 : i32
    "tpu.region"() ({
      %run_scoped3A_765 = tpu.sem_alloc : memref<!tpu.dma_semaphore, #tpu.memory_space<semaphore_mem>>
      %dma_start3A_766 = arith.constant 0 : i32
      %dma_start3A_767 = arith.constant 0 : i32
      %dma_start3A_768 = tpu.memref_slice %arg7[%run_scoped3A_573, %dma_start3A_766, %dma_start3A_767] : memref<2x80x128xf32, #tpu.memory_space<vmem>> -> memref<1x80x128xf32, #tpu.memory_space<vmem>>
      %dma_start3A_769 = tpu.memref_squeeze %dma_start3A_768 : memref<1x80x128xf32, #tpu.memory_space<vmem>> -> memref<80x128xf32, #tpu.memory_space<vmem>>
      %dma_start3A_770 = arith.constant 0 : i32
      %dma_start3A_771 = tpu.memref_slice %arg6[%run_scoped3A_574, %run_scoped3A_575, %dma_start3A_770] : memref<2x25x80xi32, #tpu.memory_space<vmem>> -> memref<1x1x80xi32, #tpu.memory_space<vmem>>
      %dma_start3A_772 = tpu.memref_squeeze %dma_start3A_771 : memref<1x1x80xi32, #tpu.memory_space<vmem>> -> memref<80xi32, #tpu.memory_space<vmem>>
      %dma_start3A_773 = arith.constant 0 : i32
      %dma_start3A_774 = arith.constant 0 : i32
      %dma_start3A_775 = tpu.memref_slice %arg8[%dma_start3A_773, %dma_start3A_774] : memref<10112x128xf32, #tpu.memory_space<vmem_shared>> -> memref<10112x128xf32, #tpu.memory_space<vmem_shared>>
      tpu.enqueue_indirect_dma source(%dma_start3A_769 : memref<80x128xf32, #tpu.memory_space<vmem>>) target(%dma_start3A_775 : memref<10112x128xf32, #tpu.memory_space<vmem_shared>>) offsets(%dma_start3A_772 : memref<80xi32, #tpu.memory_space<vmem>>) semaphore(%run_scoped3A_765 : memref<!tpu.dma_semaphore, #tpu.memory_space<semaphore_mem>>) {add = true}
      %dma_wait3A_776 = arith.constant 0 : i32
      %dma_wait3A_777 = arith.constant 0 : i32
      %dma_wait3A_778 = tpu.memref_slice %arg7[%run_scoped3A_573, %dma_wait3A_776, %dma_wait3A_777] : memref<2x80x128xf32, #tpu.memory_space<vmem>> -> memref<1x80x128xf32, #tpu.memory_space<vmem>>
      %dma_wait3A_779 = tpu.memref_squeeze %dma_wait3A_778 : memref<1x80x128xf32, #tpu.memory_space<vmem>> -> memref<80x128xf32, #tpu.memory_space<vmem>>
      %dma_wait3A_780 = arith.constant 0 : i32
      %dma_wait3A_781 = tpu.memref_slice %arg6[%run_scoped3A_574, %run_scoped3A_575, %dma_wait3A_780] : memref<2x25x80xi32, #tpu.memory_space<vmem>> -> memref<1x1x80xi32, #tpu.memory_space<vmem>>
      %dma_wait3A_782 = tpu.memref_squeeze %dma_wait3A_781 : memref<1x1x80xi32, #tpu.memory_space<vmem>> -> memref<80xi32, #tpu.memory_space<vmem>>
      %dma_wait3A_783 = arith.constant 0 : i32
      %dma_wait3A_784 = arith.constant 0 : i32
      %dma_wait3A_785 = tpu.memref_slice %arg8[%dma_wait3A_783, %dma_wait3A_784] : memref<10112x128xf32, #tpu.memory_space<vmem_shared>> -> memref<10112x128xf32, #tpu.memory_space<vmem_shared>>
      tpu.wait_indirect_dma semaphore(%run_scoped3A_765 : memref<!tpu.dma_semaphore, #tpu.memory_space<semaphore_mem>>) src(%dma_wait3A_779 : memref<80x128xf32, #tpu.memory_space<vmem>>) dst(%dma_wait3A_785 : memref<10112x128xf32, #tpu.memory_space<vmem_shared>>)
      tpu.yield
    }) : () -> ()
    %dma_wait3A_576 = arith.constant 0 : i32
    %dma_wait3A_577 = arith.constant 3 : i32
    %dma_wait3A_578 = arith.constant 1 : i32
    %dma_wait3A_579 = arith.constant 0 : i32
    %dma_wait3A_580 = arith.constant 0 : i32
    %dma_wait3A_581 = tpu.memref_slice %arg5[%dma_wait3A_578, %dma_wait3A_579, %dma_wait3A_580] : memref<2x25x80xi32, #tpu.memory_space<vmem>> -> memref<1x25x80xi32, #tpu.memory_space<vmem>>
    %dma_wait3A_582 = tpu.memref_squeeze %dma_wait3A_581 : memref<1x25x80xi32, #tpu.memory_space<vmem>> -> memref<25x80xi32, #tpu.memory_space<vmem>>
    %dma_wait3A_583 = arith.constant 0 : i32
    %dma_wait3A_584 = arith.constant 0 : i32
    %dma_wait3A_585 = tpu.memref_slice %arg3[%dma_wait3A_576, %add3A, %dma_wait3A_577, %dma_wait3A_583, %dma_wait3A_584] : memref<2x32x5x25x80xi32, #tpu.memory_space<hbm>> -> memref<1x1x1x25x80xi32, #tpu.memory_space<hbm>>
    %dma_wait3A_586 = tpu.memref_squeeze %dma_wait3A_585 : memref<1x1x1x25x80xi32, #tpu.memory_space<hbm>> -> memref<25x80xi32, #tpu.memory_space<hbm>>
    %dma_wait3A_587 = arith.constant 0 : i32
    %dma_wait3A_588 = arith.constant 0 : i32
    %dma_wait3A_589 = tpu.memref_slice %arg5[%dma_wait3A_578, %dma_wait3A_587, %dma_wait3A_588] : memref<2x25x80xi32, #tpu.memory_space<vmem>> -> memref<1x25x80xi32, #tpu.memory_space<vmem>>
    %dma_wait3A_590 = tpu.memref_squeeze %dma_wait3A_589 : memref<1x25x80xi32, #tpu.memory_space<vmem>> -> memref<25x80xi32, #tpu.memory_space<vmem>>
    %dma_wait3A_591 = arith.constant 0 : i32
    %dma_wait3A_592 = arith.constant 0 : i32
    %dma_wait3A_593 = tpu.memref_slice %arg3[%dma_wait3A_576, %add3A, %dma_wait3A_577, %dma_wait3A_591, %dma_wait3A_592] : memref<2x32x5x25x80xi32, #tpu.memory_space<hbm>> -> memref<1x1x1x25x80xi32, #tpu.memory_space<hbm>>
    %dma_wait3A_594 = tpu.memref_squeeze %dma_wait3A_593 : memref<1x1x1x25x80xi32, #tpu.memory_space<hbm>> -> memref<25x80xi32, #tpu.memory_space<hbm>>
    tpu.wait_dma2 semaphore(%arg11 : memref<!tpu.dma_semaphore, #tpu.memory_space<semaphore_mem>>) src(%dma_wait3A_594 : memref<25x80xi32, #tpu.memory_space<hbm>>) dst(%dma_wait3A_590 : memref<25x80xi32, #tpu.memory_space<vmem>>)
    %dma_wait3A_595 = arith.constant 1 : i32
    %dma_wait3A_596 = arith.constant 3 : i32
    %dma_wait3A_597 = arith.constant 1 : i32
    %dma_wait3A_598 = arith.constant 0 : i32
    %dma_wait3A_599 = arith.constant 0 : i32
    %dma_wait3A_600 = tpu.memref_slice %arg6[%dma_wait3A_597, %dma_wait3A_598, %dma_wait3A_599] : memref<2x25x80xi32, #tpu.memory_space<vmem>> -> memref<1x25x80xi32, #tpu.memory_space<vmem>>
    %dma_wait3A_601 = tpu.memref_squeeze %dma_wait3A_600 : memref<1x25x80xi32, #tpu.memory_space<vmem>> -> memref<25x80xi32, #tpu.memory_space<vmem>>
    %dma_wait3A_602 = arith.constant 0 : i32
    %dma_wait3A_603 = arith.constant 0 : i32
    %dma_wait3A_604 = tpu.memref_slice %arg3[%dma_wait3A_595, %add3A, %dma_wait3A_596, %dma_wait3A_602, %dma_wait3A_603] : memref<2x32x5x25x80xi32, #tpu.memory_space<hbm>> -> memref<1x1x1x25x80xi32, #tpu.memory_space<hbm>>
    %dma_wait3A_605 = tpu.memref_squeeze %dma_wait3A_604 : memref<1x1x1x25x80xi32, #tpu.memory_space<hbm>> -> memref<25x80xi32, #tpu.memory_space<hbm>>
    %dma_wait3A_606 = arith.constant 0 : i32
    %dma_wait3A_607 = arith.constant 0 : i32
    %dma_wait3A_608 = tpu.memref_slice %arg6[%dma_wait3A_597, %dma_wait3A_606, %dma_wait3A_607] : memref<2x25x80xi32, #tpu.memory_space<vmem>> -> memref<1x25x80xi32, #tpu.memory_space<vmem>>
    %dma_wait3A_609 = tpu.memref_squeeze %dma_wait3A_608 : memref<1x25x80xi32, #tpu.memory_space<vmem>> -> memref<25x80xi32, #tpu.memory_space<vmem>>
    %dma_wait3A_610 = arith.constant 0 : i32
    %dma_wait3A_611 = arith.constant 0 : i32
    %dma_wait3A_612 = tpu.memref_slice %arg3[%dma_wait3A_595, %add3A, %dma_wait3A_596, %dma_wait3A_610, %dma_wait3A_611] : memref<2x32x5x25x80xi32, #tpu.memory_space<hbm>> -> memref<1x1x1x25x80xi32, #tpu.memory_space<hbm>>
    %dma_wait3A_613 = tpu.memref_squeeze %dma_wait3A_612 : memref<1x1x1x25x80xi32, #tpu.memory_space<hbm>> -> memref<25x80xi32, #tpu.memory_space<hbm>>
    tpu.wait_dma2 semaphore(%arg11 : memref<!tpu.dma_semaphore, #tpu.memory_space<semaphore_mem>>) src(%dma_wait3A_613 : memref<25x80xi32, #tpu.memory_space<hbm>>) dst(%dma_wait3A_609 : memref<25x80xi32, #tpu.memory_space<vmem>>)
    %dma_start3A_614 = arith.constant 0 : i32
    %dma_start3A_615 = arith.constant 4 : i32
    %dma_start3A_616 = arith.constant 0 : i32
    %dma_start3A_617 = arith.constant 0 : i32
    %dma_start3A_618 = arith.constant 0 : i32
    %dma_start3A_619 = tpu.memref_slice %arg5[%dma_start3A_616, %dma_start3A_617, %dma_start3A_618] : memref<2x25x80xi32, #tpu.memory_space<vmem>> -> memref<1x25x80xi32, #tpu.memory_space<vmem>>
    %dma_start3A_620 = tpu.memref_squeeze %dma_start3A_619 : memref<1x25x80xi32, #tpu.memory_space<vmem>> -> memref<25x80xi32, #tpu.memory_space<vmem>>
    %dma_start3A_621 = arith.constant 0 : i32
    %dma_start3A_622 = arith.constant 0 : i32
    %dma_start3A_623 = tpu.memref_slice %arg3[%dma_start3A_614, %add3A, %dma_start3A_615, %dma_start3A_621, %dma_start3A_622] : memref<2x32x5x25x80xi32, #tpu.memory_space<hbm>> -> memref<1x1x1x25x80xi32, #tpu.memory_space<hbm>>
    %dma_start3A_624 = tpu.memref_squeeze %dma_start3A_623 : memref<1x1x1x25x80xi32, #tpu.memory_space<hbm>> -> memref<25x80xi32, #tpu.memory_space<hbm>>
    %dma_start3A_625 = arith.constant 0 : i32
    %dma_start3A_626 = arith.constant 0 : i32
    %dma_start3A_627 = tpu.memref_slice %arg5[%dma_start3A_616, %dma_start3A_625, %dma_start3A_626] : memref<2x25x80xi32, #tpu.memory_space<vmem>> -> memref<1x25x80xi32, #tpu.memory_space<vmem>>
    %dma_start3A_628 = tpu.memref_squeeze %dma_start3A_627 : memref<1x25x80xi32, #tpu.memory_space<vmem>> -> memref<25x80xi32, #tpu.memory_space<vmem>>
    %dma_start3A_629 = arith.constant 0 : i32
    %dma_start3A_630 = arith.constant 0 : i32
    %dma_start3A_631 = tpu.memref_slice %arg3[%dma_start3A_614, %add3A, %dma_start3A_615, %dma_start3A_629, %dma_start3A_630] : memref<2x32x5x25x80xi32, #tpu.memory_space<hbm>> -> memref<1x1x1x25x80xi32, #tpu.memory_space<hbm>>
    %dma_start3A_632 = tpu.memref_squeeze %dma_start3A_631 : memref<1x1x1x25x80xi32, #tpu.memory_space<hbm>> -> memref<25x80xi32, #tpu.memory_space<hbm>>
    tpu.enqueue_dma source(%dma_start3A_632 : memref<25x80xi32, #tpu.memory_space<hbm>>) target(%dma_start3A_628 : memref<25x80xi32, #tpu.memory_space<vmem>>) target_semaphore(%arg11 : memref<!tpu.dma_semaphore, #tpu.memory_space<semaphore_mem>>)
    %dma_start3A_633 = arith.constant 1 : i32
    %dma_start3A_634 = arith.constant 4 : i32
    %dma_start3A_635 = arith.constant 0 : i32
    %dma_start3A_636 = arith.constant 0 : i32
    %dma_start3A_637 = arith.constant 0 : i32
    %dma_start3A_638 = tpu.memref_slice %arg6[%dma_start3A_635, %dma_start3A_636, %dma_start3A_637] : memref<2x25x80xi32, #tpu.memory_space<vmem>> -> memref<1x25x80xi32, #tpu.memory_space<vmem>>
    %dma_start3A_639 = tpu.memref_squeeze %dma_start3A_638 : memref<1x25x80xi32, #tpu.memory_space<vmem>> -> memref<25x80xi32, #tpu.memory_space<vmem>>
    %dma_start3A_640 = arith.constant 0 : i32
    %dma_start3A_641 = arith.constant 0 : i32
    %dma_start3A_642 = tpu.memref_slice %arg3[%dma_start3A_633, %add3A, %dma_start3A_634, %dma_start3A_640, %dma_start3A_641] : memref<2x32x5x25x80xi32, #tpu.memory_space<hbm>> -> memref<1x1x1x25x80xi32, #tpu.memory_space<hbm>>
    %dma_start3A_643 = tpu.memref_squeeze %dma_start3A_642 : memref<1x1x1x25x80xi32, #tpu.memory_space<hbm>> -> memref<25x80xi32, #tpu.memory_space<hbm>>
    %dma_start3A_644 = arith.constant 0 : i32
    %dma_start3A_645 = arith.constant 0 : i32
    %dma_start3A_646 = tpu.memref_slice %arg6[%dma_start3A_635, %dma_start3A_644, %dma_start3A_645] : memref<2x25x80xi32, #tpu.memory_space<vmem>> -> memref<1x25x80xi32, #tpu.memory_space<vmem>>
    %dma_start3A_647 = tpu.memref_squeeze %dma_start3A_646 : memref<1x25x80xi32, #tpu.memory_space<vmem>> -> memref<25x80xi32, #tpu.memory_space<vmem>>
    %dma_start3A_648 = arith.constant 0 : i32
    %dma_start3A_649 = arith.constant 0 : i32
    %dma_start3A_650 = tpu.memref_slice %arg3[%dma_start3A_633, %add3A, %dma_start3A_634, %dma_start3A_648, %dma_start3A_649] : memref<2x32x5x25x80xi32, #tpu.memory_space<hbm>> -> memref<1x1x1x25x80xi32, #tpu.memory_space<hbm>>
    %dma_start3A_651 = tpu.memref_squeeze %dma_start3A_650 : memref<1x1x1x25x80xi32, #tpu.memory_space<hbm>> -> memref<25x80xi32, #tpu.memory_space<hbm>>
    tpu.enqueue_dma source(%dma_start3A_651 : memref<25x80xi32, #tpu.memory_space<hbm>>) target(%dma_start3A_647 : memref<25x80xi32, #tpu.memory_space<vmem>>) target_semaphore(%arg11 : memref<!tpu.dma_semaphore, #tpu.memory_space<semaphore_mem>>)
    %dma_start3A_652 = arith.constant 1 : i32
    %dma_start3A_653 = arith.constant 0 : i32
    %dma_start3A_654 = arith.constant 0 : i32
    %dma_start3A_655 = arith.constant 0 : i32
    %dma_start3A_656 = arith.constant 0 : i32
    %dma_start3A_657 = tpu.memref_slice %arg7[%dma_start3A_654, %dma_start3A_655, %dma_start3A_656] : memref<2x80x128xf32, #tpu.memory_space<vmem>> -> memref<1x80x128xf32, #tpu.memory_space<vmem>>
    %dma_start3A_658 = tpu.memref_squeeze %dma_start3A_657 : memref<1x80x128xf32, #tpu.memory_space<vmem>> -> memref<80x128xf32, #tpu.memory_space<vmem>>
    %dma_start3A_659 = arith.constant 0 : i32
    %dma_start3A_660 = tpu.memref_slice %arg5[%dma_start3A_652, %dma_start3A_653, %dma_start3A_659] : memref<2x25x80xi32, #tpu.memory_space<vmem>> -> memref<1x1x80xi32, #tpu.memory_space<vmem>>
    %dma_start3A_661 = tpu.memref_squeeze %dma_start3A_660 : memref<1x1x80xi32, #tpu.memory_space<vmem>> -> memref<80xi32, #tpu.memory_space<vmem>>
    %dma_start3A_662 = arith.constant 0 : i32
    %dma_start3A_663 = arith.constant 0 : i32
    %dma_start3A_664 = tpu.memref_slice %arg2[%dma_start3A_662, %dma_start3A_663] : memref<10000x128xf32, #tpu.memory_space<hbm>> -> memref<10000x128xf32, #tpu.memory_space<hbm>>
    tpu.enqueue_indirect_dma source(%dma_start3A_664 : memref<10000x128xf32, #tpu.memory_space<hbm>>) target(%dma_start3A_658 : memref<80x128xf32, #tpu.memory_space<vmem>>) offsets(%dma_start3A_661 : memref<80xi32, #tpu.memory_space<vmem>>) semaphore(%arg9 : memref<!tpu.dma_semaphore, #tpu.memory_space<semaphore_mem>>)
    %scan3A_665 = arith.constant 0 : i32
    %scan3A_666 = arith.constant 0 : i32
    %scan3A_667 = arith.constant 12 : i32
    %scan3A_668 = arith.addi %scan3A_666, %scan3A_667 : i32
    %scan3A_669 = arith.constant 1 : i32
    scf.for %scan3A_765 = %scan3A_666 to %scan3A_668 step %scan3A_669  : i32 {
      %mul3A_766 = arith.constant 2 : i32
      %mul3A_767 = arith.muli %mul3A_766, %scan3A_765 : i32
      %dma_wait3A_768 = arith.constant 1 : i32
      %dma_wait3A_769 = arith.constant 0 : i32
      %dma_wait3A_770 = arith.constant 0 : i32
      %dma_wait3A_771 = arith.constant 0 : i32
      %dma_wait3A_772 = tpu.memref_slice %arg7[%dma_wait3A_769, %dma_wait3A_770, %dma_wait3A_771] : memref<2x80x128xf32, #tpu.memory_space<vmem>> -> memref<1x80x128xf32, #tpu.memory_space<vmem>>
      %dma_wait3A_773 = tpu.memref_squeeze %dma_wait3A_772 : memref<1x80x128xf32, #tpu.memory_space<vmem>> -> memref<80x128xf32, #tpu.memory_space<vmem>>
      %dma_wait3A_774 = arith.constant 0 : i32
      %dma_wait3A_775 = tpu.memref_slice %arg5[%dma_wait3A_768, %mul3A_767, %dma_wait3A_774] : memref<2x25x80xi32, #tpu.memory_space<vmem>> -> memref<1x1x80xi32, #tpu.memory_space<vmem>>
      %dma_wait3A_776 = tpu.memref_squeeze %dma_wait3A_775 : memref<1x1x80xi32, #tpu.memory_space<vmem>> -> memref<80xi32, #tpu.memory_space<vmem>>
      %dma_wait3A_777 = arith.constant 0 : i32
      %dma_wait3A_778 = arith.constant 0 : i32
      %dma_wait3A_779 = tpu.memref_slice %arg2[%dma_wait3A_777, %dma_wait3A_778] : memref<10000x128xf32, #tpu.memory_space<hbm>> -> memref<10000x128xf32, #tpu.memory_space<hbm>>
      tpu.wait_indirect_dma semaphore(%arg9 : memref<!tpu.dma_semaphore, #tpu.memory_space<semaphore_mem>>) src(%dma_wait3A_779 : memref<10000x128xf32, #tpu.memory_space<hbm>>) dst(%dma_wait3A_773 : memref<80x128xf32, #tpu.memory_space<vmem>>)
      %add3A_780 = arith.constant 1 : i32
      %add3A_781 = arith.addi %mul3A_767, %add3A_780 : i32
      %dma_start3A_782 = arith.constant 1 : i32
      %dma_start3A_783 = arith.constant 1 : i32
      %dma_start3A_784 = arith.constant 0 : i32
      %dma_start3A_785 = arith.constant 0 : i32
      %dma_start3A_786 = tpu.memref_slice %arg7[%dma_start3A_783, %dma_start3A_784, %dma_start3A_785] : memref<2x80x128xf32, #tpu.memory_space<vmem>> -> memref<1x80x128xf32, #tpu.memory_space<vmem>>
      %dma_start3A_787 = tpu.memref_squeeze %dma_start3A_786 : memref<1x80x128xf32, #tpu.memory_space<vmem>> -> memref<80x128xf32, #tpu.memory_space<vmem>>
      %dma_start3A_788 = arith.constant 0 : i32
      %dma_start3A_789 = tpu.memref_slice %arg5[%dma_start3A_782, %add3A_781, %dma_start3A_788] : memref<2x25x80xi32, #tpu.memory_space<vmem>> -> memref<1x1x80xi32, #tpu.memory_space<vmem>>
      %dma_start3A_790 = tpu.memref_squeeze %dma_start3A_789 : memref<1x1x80xi32, #tpu.memory_space<vmem>> -> memref<80xi32, #tpu.memory_space<vmem>>
      %dma_start3A_791 = arith.constant 0 : i32
      %dma_start3A_792 = arith.constant 0 : i32
      %dma_start3A_793 = tpu.memref_slice %arg2[%dma_start3A_791, %dma_start3A_792] : memref<10000x128xf32, #tpu.memory_space<hbm>> -> memref<10000x128xf32, #tpu.memory_space<hbm>>
      tpu.enqueue_indirect_dma source(%dma_start3A_793 : memref<10000x128xf32, #tpu.memory_space<hbm>>) target(%dma_start3A_787 : memref<80x128xf32, #tpu.memory_space<vmem>>) offsets(%dma_start3A_790 : memref<80xi32, #tpu.memory_space<vmem>>) semaphore(%arg10 : memref<!tpu.dma_semaphore, #tpu.memory_space<semaphore_mem>>)
      %run_scoped3A_794 = arith.constant 0 : i32
      %run_scoped3A_795 = arith.constant 1 : i32
      "tpu.region"() ({
        %run_scoped3A_828 = tpu.sem_alloc : memref<!tpu.dma_semaphore, #tpu.memory_space<semaphore_mem>>
        %dma_start3A_829 = arith.constant 0 : i32
        %dma_start3A_830 = arith.constant 0 : i32
        %dma_start3A_831 = tpu.memref_slice %arg7[%run_scoped3A_794, %dma_start3A_829, %dma_start3A_830] : memref<2x80x128xf32, #tpu.memory_space<vmem>> -> memref<1x80x128xf32, #tpu.memory_space<vmem>>
        %dma_start3A_832 = tpu.memref_squeeze %dma_start3A_831 : memref<1x80x128xf32, #tpu.memory_space<vmem>> -> memref<80x128xf32, #tpu.memory_space<vmem>>
        %dma_start3A_833 = arith.constant 0 : i32
        %dma_start3A_834 = tpu.memref_slice %arg6[%run_scoped3A_795, %mul3A_767, %dma_start3A_833] : memref<2x25x80xi32, #tpu.memory_space<vmem>> -> memref<1x1x80xi32, #tpu.memory_space<vmem>>
        %dma_start3A_835 = tpu.memref_squeeze %dma_start3A_834 : memref<1x1x80xi32, #tpu.memory_space<vmem>> -> memref<80xi32, #tpu.memory_space<vmem>>
        %dma_start3A_836 = arith.constant 0 : i32
        %dma_start3A_837 = arith.constant 0 : i32
        %dma_start3A_838 = tpu.memref_slice %arg8[%dma_start3A_836, %dma_start3A_837] : memref<10112x128xf32, #tpu.memory_space<vmem_shared>> -> memref<10112x128xf32, #tpu.memory_space<vmem_shared>>
        tpu.enqueue_indirect_dma source(%dma_start3A_832 : memref<80x128xf32, #tpu.memory_space<vmem>>) target(%dma_start3A_838 : memref<10112x128xf32, #tpu.memory_space<vmem_shared>>) offsets(%dma_start3A_835 : memref<80xi32, #tpu.memory_space<vmem>>) semaphore(%run_scoped3A_828 : memref<!tpu.dma_semaphore, #tpu.memory_space<semaphore_mem>>) {add = true}
        %dma_wait3A_839 = arith.constant 0 : i32
        %dma_wait3A_840 = arith.constant 0 : i32
        %dma_wait3A_841 = tpu.memref_slice %arg7[%run_scoped3A_794, %dma_wait3A_839, %dma_wait3A_840] : memref<2x80x128xf32, #tpu.memory_space<vmem>> -> memref<1x80x128xf32, #tpu.memory_space<vmem>>
        %dma_wait3A_842 = tpu.memref_squeeze %dma_wait3A_841 : memref<1x80x128xf32, #tpu.memory_space<vmem>> -> memref<80x128xf32, #tpu.memory_space<vmem>>
        %dma_wait3A_843 = arith.constant 0 : i32
        %dma_wait3A_844 = tpu.memref_slice %arg6[%run_scoped3A_795, %mul3A_767, %dma_wait3A_843] : memref<2x25x80xi32, #tpu.memory_space<vmem>> -> memref<1x1x80xi32, #tpu.memory_space<vmem>>
        %dma_wait3A_845 = tpu.memref_squeeze %dma_wait3A_844 : memref<1x1x80xi32, #tpu.memory_space<vmem>> -> memref<80xi32, #tpu.memory_space<vmem>>
        %dma_wait3A_846 = arith.constant 0 : i32
        %dma_wait3A_847 = arith.constant 0 : i32
        %dma_wait3A_848 = tpu.memref_slice %arg8[%dma_wait3A_846, %dma_wait3A_847] : memref<10112x128xf32, #tpu.memory_space<vmem_shared>> -> memref<10112x128xf32, #tpu.memory_space<vmem_shared>>
        tpu.wait_indirect_dma semaphore(%run_scoped3A_828 : memref<!tpu.dma_semaphore, #tpu.memory_space<semaphore_mem>>) src(%dma_wait3A_842 : memref<80x128xf32, #tpu.memory_space<vmem>>) dst(%dma_wait3A_848 : memref<10112x128xf32, #tpu.memory_space<vmem_shared>>)
        tpu.yield
      }) : () -> ()
      %add3A_796 = arith.constant 1 : i32
      %add3A_797 = arith.addi %mul3A_767, %add3A_796 : i32
      %dma_wait3A_798 = arith.constant 1 : i32
      %dma_wait3A_799 = arith.constant 1 : i32
      %dma_wait3A_800 = arith.constant 0 : i32
      %dma_wait3A_801 = arith.constant 0 : i32
      %dma_wait3A_802 = tpu.memref_slice %arg7[%dma_wait3A_799, %dma_wait3A_800, %dma_wait3A_801] : memref<2x80x128xf32, #tpu.memory_space<vmem>> -> memref<1x80x128xf32, #tpu.memory_space<vmem>>
      %dma_wait3A_803 = tpu.memref_squeeze %dma_wait3A_802 : memref<1x80x128xf32, #tpu.memory_space<vmem>> -> memref<80x128xf32, #tpu.memory_space<vmem>>
      %dma_wait3A_804 = arith.constant 0 : i32
      %dma_wait3A_805 = tpu.memref_slice %arg5[%dma_wait3A_798, %add3A_797, %dma_wait3A_804] : memref<2x25x80xi32, #tpu.memory_space<vmem>> -> memref<1x1x80xi32, #tpu.memory_space<vmem>>
      %dma_wait3A_806 = tpu.memref_squeeze %dma_wait3A_805 : memref<1x1x80xi32, #tpu.memory_space<vmem>> -> memref<80xi32, #tpu.memory_space<vmem>>
      %dma_wait3A_807 = arith.constant 0 : i32
      %dma_wait3A_808 = arith.constant 0 : i32
      %dma_wait3A_809 = tpu.memref_slice %arg2[%dma_wait3A_807, %dma_wait3A_808] : memref<10000x128xf32, #tpu.memory_space<hbm>> -> memref<10000x128xf32, #tpu.memory_space<hbm>>
      tpu.wait_indirect_dma semaphore(%arg10 : memref<!tpu.dma_semaphore, #tpu.memory_space<semaphore_mem>>) src(%dma_wait3A_809 : memref<10000x128xf32, #tpu.memory_space<hbm>>) dst(%dma_wait3A_803 : memref<80x128xf32, #tpu.memory_space<vmem>>)
      %add3A_810 = arith.constant 2 : i32
      %add3A_811 = arith.addi %mul3A_767, %add3A_810 : i32
      %dma_start3A_812 = arith.constant 1 : i32
      %dma_start3A_813 = arith.constant 0 : i32
      %dma_start3A_814 = arith.constant 0 : i32
      %dma_start3A_815 = arith.constant 0 : i32
      %dma_start3A_816 = tpu.memref_slice %arg7[%dma_start3A_813, %dma_start3A_814, %dma_start3A_815] : memref<2x80x128xf32, #tpu.memory_space<vmem>> -> memref<1x80x128xf32, #tpu.memory_space<vmem>>
      %dma_start3A_817 = tpu.memref_squeeze %dma_start3A_816 : memref<1x80x128xf32, #tpu.memory_space<vmem>> -> memref<80x128xf32, #tpu.memory_space<vmem>>
      %dma_start3A_818 = arith.constant 0 : i32
      %dma_start3A_819 = tpu.memref_slice %arg5[%dma_start3A_812, %add3A_811, %dma_start3A_818] : memref<2x25x80xi32, #tpu.memory_space<vmem>> -> memref<1x1x80xi32, #tpu.memory_space<vmem>>
      %dma_start3A_820 = tpu.memref_squeeze %dma_start3A_819 : memref<1x1x80xi32, #tpu.memory_space<vmem>> -> memref<80xi32, #tpu.memory_space<vmem>>
      %dma_start3A_821 = arith.constant 0 : i32
      %dma_start3A_822 = arith.constant 0 : i32
      %dma_start3A_823 = tpu.memref_slice %arg2[%dma_start3A_821, %dma_start3A_822] : memref<10000x128xf32, #tpu.memory_space<hbm>> -> memref<10000x128xf32, #tpu.memory_space<hbm>>
      tpu.enqueue_indirect_dma source(%dma_start3A_823 : memref<10000x128xf32, #tpu.memory_space<hbm>>) target(%dma_start3A_817 : memref<80x128xf32, #tpu.memory_space<vmem>>) offsets(%dma_start3A_820 : memref<80xi32, #tpu.memory_space<vmem>>) semaphore(%arg9 : memref<!tpu.dma_semaphore, #tpu.memory_space<semaphore_mem>>)
      %add3A_824 = arith.constant 1 : i32
      %add3A_825 = arith.addi %mul3A_767, %add3A_824 : i32
      %run_scoped3A_826 = arith.constant 1 : i32
      %run_scoped3A_827 = arith.constant 1 : i32
      "tpu.region"() ({
        %run_scoped3A_828 = tpu.sem_alloc : memref<!tpu.dma_semaphore, #tpu.memory_space<semaphore_mem>>
        %dma_start3A_829 = arith.constant 0 : i32
        %dma_start3A_830 = arith.constant 0 : i32
        %dma_start3A_831 = tpu.memref_slice %arg7[%run_scoped3A_826, %dma_start3A_829, %dma_start3A_830] : memref<2x80x128xf32, #tpu.memory_space<vmem>> -> memref<1x80x128xf32, #tpu.memory_space<vmem>>
        %dma_start3A_832 = tpu.memref_squeeze %dma_start3A_831 : memref<1x80x128xf32, #tpu.memory_space<vmem>> -> memref<80x128xf32, #tpu.memory_space<vmem>>
        %dma_start3A_833 = arith.constant 0 : i32
        %dma_start3A_834 = tpu.memref_slice %arg6[%run_scoped3A_827, %add3A_825, %dma_start3A_833] : memref<2x25x80xi32, #tpu.memory_space<vmem>> -> memref<1x1x80xi32, #tpu.memory_space<vmem>>
        %dma_start3A_835 = tpu.memref_squeeze %dma_start3A_834 : memref<1x1x80xi32, #tpu.memory_space<vmem>> -> memref<80xi32, #tpu.memory_space<vmem>>
        %dma_start3A_836 = arith.constant 0 : i32
        %dma_start3A_837 = arith.constant 0 : i32
        %dma_start3A_838 = tpu.memref_slice %arg8[%dma_start3A_836, %dma_start3A_837] : memref<10112x128xf32, #tpu.memory_space<vmem_shared>> -> memref<10112x128xf32, #tpu.memory_space<vmem_shared>>
        tpu.enqueue_indirect_dma source(%dma_start3A_832 : memref<80x128xf32, #tpu.memory_space<vmem>>) target(%dma_start3A_838 : memref<10112x128xf32, #tpu.memory_space<vmem_shared>>) offsets(%dma_start3A_835 : memref<80xi32, #tpu.memory_space<vmem>>) semaphore(%run_scoped3A_828 : memref<!tpu.dma_semaphore, #tpu.memory_space<semaphore_mem>>) {add = true}
        %dma_wait3A_839 = arith.constant 0 : i32
        %dma_wait3A_840 = arith.constant 0 : i32
        %dma_wait3A_841 = tpu.memref_slice %arg7[%run_scoped3A_826, %dma_wait3A_839, %dma_wait3A_840] : memref<2x80x128xf32, #tpu.memory_space<vmem>> -> memref<1x80x128xf32, #tpu.memory_space<vmem>>
        %dma_wait3A_842 = tpu.memref_squeeze %dma_wait3A_841 : memref<1x80x128xf32, #tpu.memory_space<vmem>> -> memref<80x128xf32, #tpu.memory_space<vmem>>
        %dma_wait3A_843 = arith.constant 0 : i32
        %dma_wait3A_844 = tpu.memref_slice %arg6[%run_scoped3A_827, %add3A_825, %dma_wait3A_843] : memref<2x25x80xi32, #tpu.memory_space<vmem>> -> memref<1x1x80xi32, #tpu.memory_space<vmem>>
        %dma_wait3A_845 = tpu.memref_squeeze %dma_wait3A_844 : memref<1x1x80xi32, #tpu.memory_space<vmem>> -> memref<80xi32, #tpu.memory_space<vmem>>
        %dma_wait3A_846 = arith.constant 0 : i32
        %dma_wait3A_847 = arith.constant 0 : i32
        %dma_wait3A_848 = tpu.memref_slice %arg8[%dma_wait3A_846, %dma_wait3A_847] : memref<10112x128xf32, #tpu.memory_space<vmem_shared>> -> memref<10112x128xf32, #tpu.memory_space<vmem_shared>>
        tpu.wait_indirect_dma semaphore(%run_scoped3A_828 : memref<!tpu.dma_semaphore, #tpu.memory_space<semaphore_mem>>) src(%dma_wait3A_842 : memref<80x128xf32, #tpu.memory_space<vmem>>) dst(%dma_wait3A_848 : memref<10112x128xf32, #tpu.memory_space<vmem_shared>>)
        tpu.yield
      }) : () -> ()
    }
    %scan3A_670 = arith.constant 12 : i32
    %dma_wait3A_671 = arith.constant 1 : i32
    %dma_wait3A_672 = arith.constant 24 : i32
    %dma_wait3A_673 = arith.constant 0 : i32
    %dma_wait3A_674 = arith.constant 0 : i32
    %dma_wait3A_675 = arith.constant 0 : i32
    %dma_wait3A_676 = tpu.memref_slice %arg7[%dma_wait3A_673, %dma_wait3A_674, %dma_wait3A_675] : memref<2x80x128xf32, #tpu.memory_space<vmem>> -> memref<1x80x128xf32, #tpu.memory_space<vmem>>
    %dma_wait3A_677 = tpu.memref_squeeze %dma_wait3A_676 : memref<1x80x128xf32, #tpu.memory_space<vmem>> -> memref<80x128xf32, #tpu.memory_space<vmem>>
    %dma_wait3A_678 = arith.constant 0 : i32
    %dma_wait3A_679 = tpu.memref_slice %arg5[%dma_wait3A_671, %dma_wait3A_672, %dma_wait3A_678] : memref<2x25x80xi32, #tpu.memory_space<vmem>> -> memref<1x1x80xi32, #tpu.memory_space<vmem>>
    %dma_wait3A_680 = tpu.memref_squeeze %dma_wait3A_679 : memref<1x1x80xi32, #tpu.memory_space<vmem>> -> memref<80xi32, #tpu.memory_space<vmem>>
    %dma_wait3A_681 = arith.constant 0 : i32
    %dma_wait3A_682 = arith.constant 0 : i32
    %dma_wait3A_683 = tpu.memref_slice %arg2[%dma_wait3A_681, %dma_wait3A_682] : memref<10000x128xf32, #tpu.memory_space<hbm>> -> memref<10000x128xf32, #tpu.memory_space<hbm>>
    tpu.wait_indirect_dma semaphore(%arg9 : memref<!tpu.dma_semaphore, #tpu.memory_space<semaphore_mem>>) src(%dma_wait3A_683 : memref<10000x128xf32, #tpu.memory_space<hbm>>) dst(%dma_wait3A_677 : memref<80x128xf32, #tpu.memory_space<vmem>>)
    %run_scoped3A_684 = arith.constant 0 : i32
    %run_scoped3A_685 = arith.constant 1 : i32
    %run_scoped3A_686 = arith.constant 24 : i32
    "tpu.region"() ({
      %run_scoped3A_765 = tpu.sem_alloc : memref<!tpu.dma_semaphore, #tpu.memory_space<semaphore_mem>>
      %dma_start3A_766 = arith.constant 0 : i32
      %dma_start3A_767 = arith.constant 0 : i32
      %dma_start3A_768 = tpu.memref_slice %arg7[%run_scoped3A_684, %dma_start3A_766, %dma_start3A_767] : memref<2x80x128xf32, #tpu.memory_space<vmem>> -> memref<1x80x128xf32, #tpu.memory_space<vmem>>
      %dma_start3A_769 = tpu.memref_squeeze %dma_start3A_768 : memref<1x80x128xf32, #tpu.memory_space<vmem>> -> memref<80x128xf32, #tpu.memory_space<vmem>>
      %dma_start3A_770 = arith.constant 0 : i32
      %dma_start3A_771 = tpu.memref_slice %arg6[%run_scoped3A_685, %run_scoped3A_686, %dma_start3A_770] : memref<2x25x80xi32, #tpu.memory_space<vmem>> -> memref<1x1x80xi32, #tpu.memory_space<vmem>>
      %dma_start3A_772 = tpu.memref_squeeze %dma_start3A_771 : memref<1x1x80xi32, #tpu.memory_space<vmem>> -> memref<80xi32, #tpu.memory_space<vmem>>
      %dma_start3A_773 = arith.constant 0 : i32
      %dma_start3A_774 = arith.constant 0 : i32
      %dma_start3A_775 = tpu.memref_slice %arg8[%dma_start3A_773, %dma_start3A_774] : memref<10112x128xf32, #tpu.memory_space<vmem_shared>> -> memref<10112x128xf32, #tpu.memory_space<vmem_shared>>
      tpu.enqueue_indirect_dma source(%dma_start3A_769 : memref<80x128xf32, #tpu.memory_space<vmem>>) target(%dma_start3A_775 : memref<10112x128xf32, #tpu.memory_space<vmem_shared>>) offsets(%dma_start3A_772 : memref<80xi32, #tpu.memory_space<vmem>>) semaphore(%run_scoped3A_765 : memref<!tpu.dma_semaphore, #tpu.memory_space<semaphore_mem>>) {add = true}
      %dma_wait3A_776 = arith.constant 0 : i32
      %dma_wait3A_777 = arith.constant 0 : i32
      %dma_wait3A_778 = tpu.memref_slice %arg7[%run_scoped3A_684, %dma_wait3A_776, %dma_wait3A_777] : memref<2x80x128xf32, #tpu.memory_space<vmem>> -> memref<1x80x128xf32, #tpu.memory_space<vmem>>
      %dma_wait3A_779 = tpu.memref_squeeze %dma_wait3A_778 : memref<1x80x128xf32, #tpu.memory_space<vmem>> -> memref<80x128xf32, #tpu.memory_space<vmem>>
      %dma_wait3A_780 = arith.constant 0 : i32
      %dma_wait3A_781 = tpu.memref_slice %arg6[%run_scoped3A_685, %run_scoped3A_686, %dma_wait3A_780] : memref<2x25x80xi32, #tpu.memory_space<vmem>> -> memref<1x1x80xi32, #tpu.memory_space<vmem>>
      %dma_wait3A_782 = tpu.memref_squeeze %dma_wait3A_781 : memref<1x1x80xi32, #tpu.memory_space<vmem>> -> memref<80xi32, #tpu.memory_space<vmem>>
      %dma_wait3A_783 = arith.constant 0 : i32
      %dma_wait3A_784 = arith.constant 0 : i32
      %dma_wait3A_785 = tpu.memref_slice %arg8[%dma_wait3A_783, %dma_wait3A_784] : memref<10112x128xf32, #tpu.memory_space<vmem_shared>> -> memref<10112x128xf32, #tpu.memory_space<vmem_shared>>
      tpu.wait_indirect_dma semaphore(%run_scoped3A_765 : memref<!tpu.dma_semaphore, #tpu.memory_space<semaphore_mem>>) src(%dma_wait3A_779 : memref<80x128xf32, #tpu.memory_space<vmem>>) dst(%dma_wait3A_785 : memref<10112x128xf32, #tpu.memory_space<vmem_shared>>)
      tpu.yield
    }) : () -> ()
    %dma_wait3A_687 = arith.constant 0 : i32
    %dma_wait3A_688 = arith.constant 4 : i32
    %dma_wait3A_689 = arith.constant 0 : i32
    %dma_wait3A_690 = arith.constant 0 : i32
    %dma_wait3A_691 = arith.constant 0 : i32
    %dma_wait3A_692 = tpu.memref_slice %arg5[%dma_wait3A_689, %dma_wait3A_690, %dma_wait3A_691] : memref<2x25x80xi32, #tpu.memory_space<vmem>> -> memref<1x25x80xi32, #tpu.memory_space<vmem>>
    %dma_wait3A_693 = tpu.memref_squeeze %dma_wait3A_692 : memref<1x25x80xi32, #tpu.memory_space<vmem>> -> memref<25x80xi32, #tpu.memory_space<vmem>>
    %dma_wait3A_694 = arith.constant 0 : i32
    %dma_wait3A_695 = arith.constant 0 : i32
    %dma_wait3A_696 = tpu.memref_slice %arg3[%dma_wait3A_687, %add3A, %dma_wait3A_688, %dma_wait3A_694, %dma_wait3A_695] : memref<2x32x5x25x80xi32, #tpu.memory_space<hbm>> -> memref<1x1x1x25x80xi32, #tpu.memory_space<hbm>>
    %dma_wait3A_697 = tpu.memref_squeeze %dma_wait3A_696 : memref<1x1x1x25x80xi32, #tpu.memory_space<hbm>> -> memref<25x80xi32, #tpu.memory_space<hbm>>
    %dma_wait3A_698 = arith.constant 0 : i32
    %dma_wait3A_699 = arith.constant 0 : i32
    %dma_wait3A_700 = tpu.memref_slice %arg5[%dma_wait3A_689, %dma_wait3A_698, %dma_wait3A_699] : memref<2x25x80xi32, #tpu.memory_space<vmem>> -> memref<1x25x80xi32, #tpu.memory_space<vmem>>
    %dma_wait3A_701 = tpu.memref_squeeze %dma_wait3A_700 : memref<1x25x80xi32, #tpu.memory_space<vmem>> -> memref<25x80xi32, #tpu.memory_space<vmem>>
    %dma_wait3A_702 = arith.constant 0 : i32
    %dma_wait3A_703 = arith.constant 0 : i32
    %dma_wait3A_704 = tpu.memref_slice %arg3[%dma_wait3A_687, %add3A, %dma_wait3A_688, %dma_wait3A_702, %dma_wait3A_703] : memref<2x32x5x25x80xi32, #tpu.memory_space<hbm>> -> memref<1x1x1x25x80xi32, #tpu.memory_space<hbm>>
    %dma_wait3A_705 = tpu.memref_squeeze %dma_wait3A_704 : memref<1x1x1x25x80xi32, #tpu.memory_space<hbm>> -> memref<25x80xi32, #tpu.memory_space<hbm>>
    tpu.wait_dma2 semaphore(%arg11 : memref<!tpu.dma_semaphore, #tpu.memory_space<semaphore_mem>>) src(%dma_wait3A_705 : memref<25x80xi32, #tpu.memory_space<hbm>>) dst(%dma_wait3A_701 : memref<25x80xi32, #tpu.memory_space<vmem>>)
    %dma_wait3A_706 = arith.constant 1 : i32
    %dma_wait3A_707 = arith.constant 4 : i32
    %dma_wait3A_708 = arith.constant 0 : i32
    %dma_wait3A_709 = arith.constant 0 : i32
    %dma_wait3A_710 = arith.constant 0 : i32
    %dma_wait3A_711 = tpu.memref_slice %arg6[%dma_wait3A_708, %dma_wait3A_709, %dma_wait3A_710] : memref<2x25x80xi32, #tpu.memory_space<vmem>> -> memref<1x25x80xi32, #tpu.memory_space<vmem>>
    %dma_wait3A_712 = tpu.memref_squeeze %dma_wait3A_711 : memref<1x25x80xi32, #tpu.memory_space<vmem>> -> memref<25x80xi32, #tpu.memory_space<vmem>>
    %dma_wait3A_713 = arith.constant 0 : i32
    %dma_wait3A_714 = arith.constant 0 : i32
    %dma_wait3A_715 = tpu.memref_slice %arg3[%dma_wait3A_706, %add3A, %dma_wait3A_707, %dma_wait3A_713, %dma_wait3A_714] : memref<2x32x5x25x80xi32, #tpu.memory_space<hbm>> -> memref<1x1x1x25x80xi32, #tpu.memory_space<hbm>>
    %dma_wait3A_716 = tpu.memref_squeeze %dma_wait3A_715 : memref<1x1x1x25x80xi32, #tpu.memory_space<hbm>> -> memref<25x80xi32, #tpu.memory_space<hbm>>
    %dma_wait3A_717 = arith.constant 0 : i32
    %dma_wait3A_718 = arith.constant 0 : i32
    %dma_wait3A_719 = tpu.memref_slice %arg6[%dma_wait3A_708, %dma_wait3A_717, %dma_wait3A_718] : memref<2x25x80xi32, #tpu.memory_space<vmem>> -> memref<1x25x80xi32, #tpu.memory_space<vmem>>
    %dma_wait3A_720 = tpu.memref_squeeze %dma_wait3A_719 : memref<1x25x80xi32, #tpu.memory_space<vmem>> -> memref<25x80xi32, #tpu.memory_space<vmem>>
    %dma_wait3A_721 = arith.constant 0 : i32
    %dma_wait3A_722 = arith.constant 0 : i32
    %dma_wait3A_723 = tpu.memref_slice %arg3[%dma_wait3A_706, %add3A, %dma_wait3A_707, %dma_wait3A_721, %dma_wait3A_722] : memref<2x32x5x25x80xi32, #tpu.memory_space<hbm>> -> memref<1x1x1x25x80xi32, #tpu.memory_space<hbm>>
    %dma_wait3A_724 = tpu.memref_squeeze %dma_wait3A_723 : memref<1x1x1x25x80xi32, #tpu.memory_space<hbm>> -> memref<25x80xi32, #tpu.memory_space<hbm>>
    tpu.wait_dma2 semaphore(%arg11 : memref<!tpu.dma_semaphore, #tpu.memory_space<semaphore_mem>>) src(%dma_wait3A_724 : memref<25x80xi32, #tpu.memory_space<hbm>>) dst(%dma_wait3A_720 : memref<25x80xi32, #tpu.memory_space<vmem>>)
    %dma_start3A_725 = arith.constant 0 : i32
    %dma_start3A_726 = arith.constant 0 : i32
    %dma_start3A_727 = arith.constant 0 : i32
    %dma_start3A_728 = arith.constant 0 : i32
    %dma_start3A_729 = arith.constant 0 : i32
    %dma_start3A_730 = tpu.memref_slice %arg7[%dma_start3A_727, %dma_start3A_728, %dma_start3A_729] : memref<2x80x128xf32, #tpu.memory_space<vmem>> -> memref<1x80x128xf32, #tpu.memory_space<vmem>>
    %dma_start3A_731 = tpu.memref_squeeze %dma_start3A_730 : memref<1x80x128xf32, #tpu.memory_space<vmem>> -> memref<80x128xf32, #tpu.memory_space<vmem>>
    %dma_start3A_732 = arith.constant 0 : i32
    %dma_start3A_733 = tpu.memref_slice %arg5[%dma_start3A_725, %dma_start3A_726, %dma_start3A_732] : memref<2x25x80xi32, #tpu.memory_space<vmem>> -> memref<1x1x80xi32, #tpu.memory_space<vmem>>
    %dma_start3A_734 = tpu.memref_squeeze %dma_start3A_733 : memref<1x1x80xi32, #tpu.memory_space<vmem>> -> memref<80xi32, #tpu.memory_space<vmem>>
    %dma_start3A_735 = arith.constant 0 : i32
    %dma_start3A_736 = arith.constant 0 : i32
    %dma_start3A_737 = tpu.memref_slice %arg2[%dma_start3A_735, %dma_start3A_736] : memref<10000x128xf32, #tpu.memory_space<hbm>> -> memref<10000x128xf32, #tpu.memory_space<hbm>>
    tpu.enqueue_indirect_dma source(%dma_start3A_737 : memref<10000x128xf32, #tpu.memory_space<hbm>>) target(%dma_start3A_731 : memref<80x128xf32, #tpu.memory_space<vmem>>) offsets(%dma_start3A_734 : memref<80xi32, #tpu.memory_space<vmem>>) semaphore(%arg9 : memref<!tpu.dma_semaphore, #tpu.memory_space<semaphore_mem>>)
    %scan3A_738 = arith.constant 0 : i32
    %scan3A_739 = arith.constant 0 : i32
    %scan3A_740 = arith.constant 12 : i32
    %scan3A_741 = arith.addi %scan3A_739, %scan3A_740 : i32
    %scan3A_742 = arith.constant 1 : i32
    scf.for %scan3A_765 = %scan3A_739 to %scan3A_741 step %scan3A_742  : i32 {
      %mul3A_766 = arith.constant 2 : i32
      %mul3A_767 = arith.muli %mul3A_766, %scan3A_765 : i32
      %dma_wait3A_768 = arith.constant 0 : i32
      %dma_wait3A_769 = arith.constant 0 : i32
      %dma_wait3A_770 = arith.constant 0 : i32
      %dma_wait3A_771 = arith.constant 0 : i32
      %dma_wait3A_772 = tpu.memref_slice %arg7[%dma_wait3A_769, %dma_wait3A_770, %dma_wait3A_771] : memref<2x80x128xf32, #tpu.memory_space<vmem>> -> memref<1x80x128xf32, #tpu.memory_space<vmem>>
      %dma_wait3A_773 = tpu.memref_squeeze %dma_wait3A_772 : memref<1x80x128xf32, #tpu.memory_space<vmem>> -> memref<80x128xf32, #tpu.memory_space<vmem>>
      %dma_wait3A_774 = arith.constant 0 : i32
      %dma_wait3A_775 = tpu.memref_slice %arg5[%dma_wait3A_768, %mul3A_767, %dma_wait3A_774] : memref<2x25x80xi32, #tpu.memory_space<vmem>> -> memref<1x1x80xi32, #tpu.memory_space<vmem>>
      %dma_wait3A_776 = tpu.memref_squeeze %dma_wait3A_775 : memref<1x1x80xi32, #tpu.memory_space<vmem>> -> memref<80xi32, #tpu.memory_space<vmem>>
      %dma_wait3A_777 = arith.constant 0 : i32
      %dma_wait3A_778 = arith.constant 0 : i32
      %dma_wait3A_779 = tpu.memref_slice %arg2[%dma_wait3A_777, %dma_wait3A_778] : memref<10000x128xf32, #tpu.memory_space<hbm>> -> memref<10000x128xf32, #tpu.memory_space<hbm>>
      tpu.wait_indirect_dma semaphore(%arg9 : memref<!tpu.dma_semaphore, #tpu.memory_space<semaphore_mem>>) src(%dma_wait3A_779 : memref<10000x128xf32, #tpu.memory_space<hbm>>) dst(%dma_wait3A_773 : memref<80x128xf32, #tpu.memory_space<vmem>>)
      %add3A_780 = arith.constant 1 : i32
      %add3A_781 = arith.addi %mul3A_767, %add3A_780 : i32
      %dma_start3A_782 = arith.constant 0 : i32
      %dma_start3A_783 = arith.constant 1 : i32
      %dma_start3A_784 = arith.constant 0 : i32
      %dma_start3A_785 = arith.constant 0 : i32
      %dma_start3A_786 = tpu.memref_slice %arg7[%dma_start3A_783, %dma_start3A_784, %dma_start3A_785] : memref<2x80x128xf32, #tpu.memory_space<vmem>> -> memref<1x80x128xf32, #tpu.memory_space<vmem>>
      %dma_start3A_787 = tpu.memref_squeeze %dma_start3A_786 : memref<1x80x128xf32, #tpu.memory_space<vmem>> -> memref<80x128xf32, #tpu.memory_space<vmem>>
      %dma_start3A_788 = arith.constant 0 : i32
      %dma_start3A_789 = tpu.memref_slice %arg5[%dma_start3A_782, %add3A_781, %dma_start3A_788] : memref<2x25x80xi32, #tpu.memory_space<vmem>> -> memref<1x1x80xi32, #tpu.memory_space<vmem>>
      %dma_start3A_790 = tpu.memref_squeeze %dma_start3A_789 : memref<1x1x80xi32, #tpu.memory_space<vmem>> -> memref<80xi32, #tpu.memory_space<vmem>>
      %dma_start3A_791 = arith.constant 0 : i32
      %dma_start3A_792 = arith.constant 0 : i32
      %dma_start3A_793 = tpu.memref_slice %arg2[%dma_start3A_791, %dma_start3A_792] : memref<10000x128xf32, #tpu.memory_space<hbm>> -> memref<10000x128xf32, #tpu.memory_space<hbm>>
      tpu.enqueue_indirect_dma source(%dma_start3A_793 : memref<10000x128xf32, #tpu.memory_space<hbm>>) target(%dma_start3A_787 : memref<80x128xf32, #tpu.memory_space<vmem>>) offsets(%dma_start3A_790 : memref<80xi32, #tpu.memory_space<vmem>>) semaphore(%arg10 : memref<!tpu.dma_semaphore, #tpu.memory_space<semaphore_mem>>)
      %run_scoped3A_794 = arith.constant 0 : i32
      %run_scoped3A_795 = arith.constant 0 : i32
      "tpu.region"() ({
        %run_scoped3A_828 = tpu.sem_alloc : memref<!tpu.dma_semaphore, #tpu.memory_space<semaphore_mem>>
        %dma_start3A_829 = arith.constant 0 : i32
        %dma_start3A_830 = arith.constant 0 : i32
        %dma_start3A_831 = tpu.memref_slice %arg7[%run_scoped3A_794, %dma_start3A_829, %dma_start3A_830] : memref<2x80x128xf32, #tpu.memory_space<vmem>> -> memref<1x80x128xf32, #tpu.memory_space<vmem>>
        %dma_start3A_832 = tpu.memref_squeeze %dma_start3A_831 : memref<1x80x128xf32, #tpu.memory_space<vmem>> -> memref<80x128xf32, #tpu.memory_space<vmem>>
        %dma_start3A_833 = arith.constant 0 : i32
        %dma_start3A_834 = tpu.memref_slice %arg6[%run_scoped3A_795, %mul3A_767, %dma_start3A_833] : memref<2x25x80xi32, #tpu.memory_space<vmem>> -> memref<1x1x80xi32, #tpu.memory_space<vmem>>
        %dma_start3A_835 = tpu.memref_squeeze %dma_start3A_834 : memref<1x1x80xi32, #tpu.memory_space<vmem>> -> memref<80xi32, #tpu.memory_space<vmem>>
        %dma_start3A_836 = arith.constant 0 : i32
        %dma_start3A_837 = arith.constant 0 : i32
        %dma_start3A_838 = tpu.memref_slice %arg8[%dma_start3A_836, %dma_start3A_837] : memref<10112x128xf32, #tpu.memory_space<vmem_shared>> -> memref<10112x128xf32, #tpu.memory_space<vmem_shared>>
        tpu.enqueue_indirect_dma source(%dma_start3A_832 : memref<80x128xf32, #tpu.memory_space<vmem>>) target(%dma_start3A_838 : memref<10112x128xf32, #tpu.memory_space<vmem_shared>>) offsets(%dma_start3A_835 : memref<80xi32, #tpu.memory_space<vmem>>) semaphore(%run_scoped3A_828 : memref<!tpu.dma_semaphore, #tpu.memory_space<semaphore_mem>>) {add = true}
        %dma_wait3A_839 = arith.constant 0 : i32
        %dma_wait3A_840 = arith.constant 0 : i32
        %dma_wait3A_841 = tpu.memref_slice %arg7[%run_scoped3A_794, %dma_wait3A_839, %dma_wait3A_840] : memref<2x80x128xf32, #tpu.memory_space<vmem>> -> memref<1x80x128xf32, #tpu.memory_space<vmem>>
        %dma_wait3A_842 = tpu.memref_squeeze %dma_wait3A_841 : memref<1x80x128xf32, #tpu.memory_space<vmem>> -> memref<80x128xf32, #tpu.memory_space<vmem>>
        %dma_wait3A_843 = arith.constant 0 : i32
        %dma_wait3A_844 = tpu.memref_slice %arg6[%run_scoped3A_795, %mul3A_767, %dma_wait3A_843] : memref<2x25x80xi32, #tpu.memory_space<vmem>> -> memref<1x1x80xi32, #tpu.memory_space<vmem>>
        %dma_wait3A_845 = tpu.memref_squeeze %dma_wait3A_844 : memref<1x1x80xi32, #tpu.memory_space<vmem>> -> memref<80xi32, #tpu.memory_space<vmem>>
        %dma_wait3A_846 = arith.constant 0 : i32
        %dma_wait3A_847 = arith.constant 0 : i32
        %dma_wait3A_848 = tpu.memref_slice %arg8[%dma_wait3A_846, %dma_wait3A_847] : memref<10112x128xf32, #tpu.memory_space<vmem_shared>> -> memref<10112x128xf32, #tpu.memory_space<vmem_shared>>
        tpu.wait_indirect_dma semaphore(%run_scoped3A_828 : memref<!tpu.dma_semaphore, #tpu.memory_space<semaphore_mem>>) src(%dma_wait3A_842 : memref<80x128xf32, #tpu.memory_space<vmem>>) dst(%dma_wait3A_848 : memref<10112x128xf32, #tpu.memory_space<vmem_shared>>)
        tpu.yield
      }) : () -> ()
      %add3A_796 = arith.constant 1 : i32
      %add3A_797 = arith.addi %mul3A_767, %add3A_796 : i32
      %dma_wait3A_798 = arith.constant 0 : i32
      %dma_wait3A_799 = arith.constant 1 : i32
      %dma_wait3A_800 = arith.constant 0 : i32
      %dma_wait3A_801 = arith.constant 0 : i32
      %dma_wait3A_802 = tpu.memref_slice %arg7[%dma_wait3A_799, %dma_wait3A_800, %dma_wait3A_801] : memref<2x80x128xf32, #tpu.memory_space<vmem>> -> memref<1x80x128xf32, #tpu.memory_space<vmem>>
      %dma_wait3A_803 = tpu.memref_squeeze %dma_wait3A_802 : memref<1x80x128xf32, #tpu.memory_space<vmem>> -> memref<80x128xf32, #tpu.memory_space<vmem>>
      %dma_wait3A_804 = arith.constant 0 : i32
      %dma_wait3A_805 = tpu.memref_slice %arg5[%dma_wait3A_798, %add3A_797, %dma_wait3A_804] : memref<2x25x80xi32, #tpu.memory_space<vmem>> -> memref<1x1x80xi32, #tpu.memory_space<vmem>>
      %dma_wait3A_806 = tpu.memref_squeeze %dma_wait3A_805 : memref<1x1x80xi32, #tpu.memory_space<vmem>> -> memref<80xi32, #tpu.memory_space<vmem>>
      %dma_wait3A_807 = arith.constant 0 : i32
      %dma_wait3A_808 = arith.constant 0 : i32
      %dma_wait3A_809 = tpu.memref_slice %arg2[%dma_wait3A_807, %dma_wait3A_808] : memref<10000x128xf32, #tpu.memory_space<hbm>> -> memref<10000x128xf32, #tpu.memory_space<hbm>>
      tpu.wait_indirect_dma semaphore(%arg10 : memref<!tpu.dma_semaphore, #tpu.memory_space<semaphore_mem>>) src(%dma_wait3A_809 : memref<10000x128xf32, #tpu.memory_space<hbm>>) dst(%dma_wait3A_803 : memref<80x128xf32, #tpu.memory_space<vmem>>)
      %add3A_810 = arith.constant 2 : i32
      %add3A_811 = arith.addi %mul3A_767, %add3A_810 : i32
      %dma_start3A_812 = arith.constant 0 : i32
      %dma_start3A_813 = arith.constant 0 : i32
      %dma_start3A_814 = arith.constant 0 : i32
      %dma_start3A_815 = arith.constant 0 : i32
      %dma_start3A_816 = tpu.memref_slice %arg7[%dma_start3A_813, %dma_start3A_814, %dma_start3A_815] : memref<2x80x128xf32, #tpu.memory_space<vmem>> -> memref<1x80x128xf32, #tpu.memory_space<vmem>>
      %dma_start3A_817 = tpu.memref_squeeze %dma_start3A_816 : memref<1x80x128xf32, #tpu.memory_space<vmem>> -> memref<80x128xf32, #tpu.memory_space<vmem>>
      %dma_start3A_818 = arith.constant 0 : i32
      %dma_start3A_819 = tpu.memref_slice %arg5[%dma_start3A_812, %add3A_811, %dma_start3A_818] : memref<2x25x80xi32, #tpu.memory_space<vmem>> -> memref<1x1x80xi32, #tpu.memory_space<vmem>>
      %dma_start3A_820 = tpu.memref_squeeze %dma_start3A_819 : memref<1x1x80xi32, #tpu.memory_space<vmem>> -> memref<80xi32, #tpu.memory_space<vmem>>
      %dma_start3A_821 = arith.constant 0 : i32
      %dma_start3A_822 = arith.constant 0 : i32
      %dma_start3A_823 = tpu.memref_slice %arg2[%dma_start3A_821, %dma_start3A_822] : memref<10000x128xf32, #tpu.memory_space<hbm>> -> memref<10000x128xf32, #tpu.memory_space<hbm>>
      tpu.enqueue_indirect_dma source(%dma_start3A_823 : memref<10000x128xf32, #tpu.memory_space<hbm>>) target(%dma_start3A_817 : memref<80x128xf32, #tpu.memory_space<vmem>>) offsets(%dma_start3A_820 : memref<80xi32, #tpu.memory_space<vmem>>) semaphore(%arg9 : memref<!tpu.dma_semaphore, #tpu.memory_space<semaphore_mem>>)
      %add3A_824 = arith.constant 1 : i32
      %add3A_825 = arith.addi %mul3A_767, %add3A_824 : i32
      %run_scoped3A_826 = arith.constant 1 : i32
      %run_scoped3A_827 = arith.constant 0 : i32
      "tpu.region"() ({
        %run_scoped3A_828 = tpu.sem_alloc : memref<!tpu.dma_semaphore, #tpu.memory_space<semaphore_mem>>
        %dma_start3A_829 = arith.constant 0 : i32
        %dma_start3A_830 = arith.constant 0 : i32
        %dma_start3A_831 = tpu.memref_slice %arg7[%run_scoped3A_826, %dma_start3A_829, %dma_start3A_830] : memref<2x80x128xf32, #tpu.memory_space<vmem>> -> memref<1x80x128xf32, #tpu.memory_space<vmem>>
        %dma_start3A_832 = tpu.memref_squeeze %dma_start3A_831 : memref<1x80x128xf32, #tpu.memory_space<vmem>> -> memref<80x128xf32, #tpu.memory_space<vmem>>
        %dma_start3A_833 = arith.constant 0 : i32
        %dma_start3A_834 = tpu.memref_slice %arg6[%run_scoped3A_827, %add3A_825, %dma_start3A_833] : memref<2x25x80xi32, #tpu.memory_space<vmem>> -> memref<1x1x80xi32, #tpu.memory_space<vmem>>
        %dma_start3A_835 = tpu.memref_squeeze %dma_start3A_834 : memref<1x1x80xi32, #tpu.memory_space<vmem>> -> memref<80xi32, #tpu.memory_space<vmem>>
        %dma_start3A_836 = arith.constant 0 : i32
        %dma_start3A_837 = arith.constant 0 : i32
        %dma_start3A_838 = tpu.memref_slice %arg8[%dma_start3A_836, %dma_start3A_837] : memref<10112x128xf32, #tpu.memory_space<vmem_shared>> -> memref<10112x128xf32, #tpu.memory_space<vmem_shared>>
        tpu.enqueue_indirect_dma source(%dma_start3A_832 : memref<80x128xf32, #tpu.memory_space<vmem>>) target(%dma_start3A_838 : memref<10112x128xf32, #tpu.memory_space<vmem_shared>>) offsets(%dma_start3A_835 : memref<80xi32, #tpu.memory_space<vmem>>) semaphore(%run_scoped3A_828 : memref<!tpu.dma_semaphore, #tpu.memory_space<semaphore_mem>>) {add = true}
        %dma_wait3A_839 = arith.constant 0 : i32
        %dma_wait3A_840 = arith.constant 0 : i32
        %dma_wait3A_841 = tpu.memref_slice %arg7[%run_scoped3A_826, %dma_wait3A_839, %dma_wait3A_840] : memref<2x80x128xf32, #tpu.memory_space<vmem>> -> memref<1x80x128xf32, #tpu.memory_space<vmem>>
        %dma_wait3A_842 = tpu.memref_squeeze %dma_wait3A_841 : memref<1x80x128xf32, #tpu.memory_space<vmem>> -> memref<80x128xf32, #tpu.memory_space<vmem>>
        %dma_wait3A_843 = arith.constant 0 : i32
        %dma_wait3A_844 = tpu.memref_slice %arg6[%run_scoped3A_827, %add3A_825, %dma_wait3A_843] : memref<2x25x80xi32, #tpu.memory_space<vmem>> -> memref<1x1x80xi32, #tpu.memory_space<vmem>>
        %dma_wait3A_845 = tpu.memref_squeeze %dma_wait3A_844 : memref<1x1x80xi32, #tpu.memory_space<vmem>> -> memref<80xi32, #tpu.memory_space<vmem>>
        %dma_wait3A_846 = arith.constant 0 : i32
        %dma_wait3A_847 = arith.constant 0 : i32
        %dma_wait3A_848 = tpu.memref_slice %arg8[%dma_wait3A_846, %dma_wait3A_847] : memref<10112x128xf32, #tpu.memory_space<vmem_shared>> -> memref<10112x128xf32, #tpu.memory_space<vmem_shared>>
        tpu.wait_indirect_dma semaphore(%run_scoped3A_828 : memref<!tpu.dma_semaphore, #tpu.memory_space<semaphore_mem>>) src(%dma_wait3A_842 : memref<80x128xf32, #tpu.memory_space<vmem>>) dst(%dma_wait3A_848 : memref<10112x128xf32, #tpu.memory_space<vmem_shared>>)
        tpu.yield
      }) : () -> ()
    }
    %scan3A_743 = arith.constant 12 : i32
    %dma_wait3A_744 = arith.constant 0 : i32
    %dma_wait3A_745 = arith.constant 24 : i32
    %dma_wait3A_746 = arith.constant 0 : i32
    %dma_wait3A_747 = arith.constant 0 : i32
    %dma_wait3A_748 = arith.constant 0 : i32
    %dma_wait3A_749 = tpu.memref_slice %arg7[%dma_wait3A_746, %dma_wait3A_747, %dma_wait3A_748] : memref<2x80x128xf32, #tpu.memory_space<vmem>> -> memref<1x80x128xf32, #tpu.memory_space<vmem>>
    %dma_wait3A_750 = tpu.memref_squeeze %dma_wait3A_749 : memref<1x80x128xf32, #tpu.memory_space<vmem>> -> memref<80x128xf32, #tpu.memory_space<vmem>>
    %dma_wait3A_751 = arith.constant 0 : i32
    %dma_wait3A_752 = tpu.memref_slice %arg5[%dma_wait3A_744, %dma_wait3A_745, %dma_wait3A_751] : memref<2x25x80xi32, #tpu.memory_space<vmem>> -> memref<1x1x80xi32, #tpu.memory_space<vmem>>
    %dma_wait3A_753 = tpu.memref_squeeze %dma_wait3A_752 : memref<1x1x80xi32, #tpu.memory_space<vmem>> -> memref<80xi32, #tpu.memory_space<vmem>>
    %dma_wait3A_754 = arith.constant 0 : i32
    %dma_wait3A_755 = arith.constant 0 : i32
    %dma_wait3A_756 = tpu.memref_slice %arg2[%dma_wait3A_754, %dma_wait3A_755] : memref<10000x128xf32, #tpu.memory_space<hbm>> -> memref<10000x128xf32, #tpu.memory_space<hbm>>
    tpu.wait_indirect_dma semaphore(%arg9 : memref<!tpu.dma_semaphore, #tpu.memory_space<semaphore_mem>>) src(%dma_wait3A_756 : memref<10000x128xf32, #tpu.memory_space<hbm>>) dst(%dma_wait3A_750 : memref<80x128xf32, #tpu.memory_space<vmem>>)
    %run_scoped3A_757 = arith.constant 0 : i32
    %run_scoped3A_758 = arith.constant 0 : i32
    %run_scoped3A_759 = arith.constant 24 : i32
    "tpu.region"() ({
      %run_scoped3A_765 = tpu.sem_alloc : memref<!tpu.dma_semaphore, #tpu.memory_space<semaphore_mem>>
      %dma_start3A_766 = arith.constant 0 : i32
      %dma_start3A_767 = arith.constant 0 : i32
      %dma_start3A_768 = tpu.memref_slice %arg7[%run_scoped3A_757, %dma_start3A_766, %dma_start3A_767] : memref<2x80x128xf32, #tpu.memory_space<vmem>> -> memref<1x80x128xf32, #tpu.memory_space<vmem>>
      %dma_start3A_769 = tpu.memref_squeeze %dma_start3A_768 : memref<1x80x128xf32, #tpu.memory_space<vmem>> -> memref<80x128xf32, #tpu.memory_space<vmem>>
      %dma_start3A_770 = arith.constant 0 : i32
      %dma_start3A_771 = tpu.memref_slice %arg6[%run_scoped3A_758, %run_scoped3A_759, %dma_start3A_770] : memref<2x25x80xi32, #tpu.memory_space<vmem>> -> memref<1x1x80xi32, #tpu.memory_space<vmem>>
      %dma_start3A_772 = tpu.memref_squeeze %dma_start3A_771 : memref<1x1x80xi32, #tpu.memory_space<vmem>> -> memref<80xi32, #tpu.memory_space<vmem>>
      %dma_start3A_773 = arith.constant 0 : i32
      %dma_start3A_774 = arith.constant 0 : i32
      %dma_start3A_775 = tpu.memref_slice %arg8[%dma_start3A_773, %dma_start3A_774] : memref<10112x128xf32, #tpu.memory_space<vmem_shared>> -> memref<10112x128xf32, #tpu.memory_space<vmem_shared>>
      tpu.enqueue_indirect_dma source(%dma_start3A_769 : memref<80x128xf32, #tpu.memory_space<vmem>>) target(%dma_start3A_775 : memref<10112x128xf32, #tpu.memory_space<vmem_shared>>) offsets(%dma_start3A_772 : memref<80xi32, #tpu.memory_space<vmem>>) semaphore(%run_scoped3A_765 : memref<!tpu.dma_semaphore, #tpu.memory_space<semaphore_mem>>) {add = true}
      %dma_wait3A_776 = arith.constant 0 : i32
      %dma_wait3A_777 = arith.constant 0 : i32
      %dma_wait3A_778 = tpu.memref_slice %arg7[%run_scoped3A_757, %dma_wait3A_776, %dma_wait3A_777] : memref<2x80x128xf32, #tpu.memory_space<vmem>> -> memref<1x80x128xf32, #tpu.memory_space<vmem>>
      %dma_wait3A_779 = tpu.memref_squeeze %dma_wait3A_778 : memref<1x80x128xf32, #tpu.memory_space<vmem>> -> memref<80x128xf32, #tpu.memory_space<vmem>>
      %dma_wait3A_780 = arith.constant 0 : i32
      %dma_wait3A_781 = tpu.memref_slice %arg6[%run_scoped3A_758, %run_scoped3A_759, %dma_wait3A_780] : memref<2x25x80xi32, #tpu.memory_space<vmem>> -> memref<1x1x80xi32, #tpu.memory_space<vmem>>
      %dma_wait3A_782 = tpu.memref_squeeze %dma_wait3A_781 : memref<1x1x80xi32, #tpu.memory_space<vmem>> -> memref<80xi32, #tpu.memory_space<vmem>>
      %dma_wait3A_783 = arith.constant 0 : i32
      %dma_wait3A_784 = arith.constant 0 : i32
      %dma_wait3A_785 = tpu.memref_slice %arg8[%dma_wait3A_783, %dma_wait3A_784] : memref<10112x128xf32, #tpu.memory_space<vmem_shared>> -> memref<10112x128xf32, #tpu.memory_space<vmem_shared>>
      tpu.wait_indirect_dma semaphore(%run_scoped3A_765 : memref<!tpu.dma_semaphore, #tpu.memory_space<semaphore_mem>>) src(%dma_wait3A_779 : memref<80x128xf32, #tpu.memory_space<vmem>>) dst(%dma_wait3A_785 : memref<10112x128xf32, #tpu.memory_space<vmem_shared>>)
      tpu.yield
    }) : () -> ()
    %barrier3A_760 = arith.constant 0 : index
    tpu.barrier barrier_id(%barrier3A_760)
    %mul3A_761 = arith.constant 632 : i32
    %mul3A_762 = arith.muli %arg1, %mul3A_761 : i32
    %mul3A_763 = arith.constant 632 : i32
    %mul3A_764 = arith.muli %arg1, %mul3A_763 : i32
    "tpu.region"() ({
      %run_scoped3A_765 = tpu.sem_alloc : memref<!tpu.dma_semaphore, #tpu.memory_space<semaphore_mem>>
      %dma_start3A_766 = arith.constant 0 : i32
      %dma_start3A_767 = tpu.memref_slice %arg4[%arg0, %mul3A_764, %dma_start3A_766] : memref<2x10112x128xf32, #tpu.memory_space<hbm>> -> memref<1x632x128xf32, #tpu.memory_space<hbm>>
      %dma_start3A_768 = tpu.memref_squeeze %dma_start3A_767 : memref<1x632x128xf32, #tpu.memory_space<hbm>> -> memref<632x128xf32, #tpu.memory_space<hbm>>
      %dma_start3A_769 = arith.constant 0 : i32
      %dma_start3A_770 = tpu.memref_slice %arg8[%mul3A_762, %dma_start3A_769] : memref<10112x128xf32, #tpu.memory_space<vmem_shared>> -> memref<632x128xf32, #tpu.memory_space<vmem_shared>>
      tpu.enqueue_dma source(%dma_start3A_770 : memref<632x128xf32, #tpu.memory_space<vmem_shared>>) target(%dma_start3A_768 : memref<632x128xf32, #tpu.memory_space<hbm>>) target_semaphore(%run_scoped3A_765 : memref<!tpu.dma_semaphore, #tpu.memory_space<semaphore_mem>>)
      %dma_wait3A_771 = arith.constant 0 : i32
      %dma_wait3A_772 = tpu.memref_slice %arg4[%arg0, %mul3A_764, %dma_wait3A_771] : memref<2x10112x128xf32, #tpu.memory_space<hbm>> -> memref<1x632x128xf32, #tpu.memory_space<hbm>>
      %dma_wait3A_773 = tpu.memref_squeeze %dma_wait3A_772 : memref<1x632x128xf32, #tpu.memory_space<hbm>> -> memref<632x128xf32, #tpu.memory_space<hbm>>
      %dma_wait3A_774 = arith.constant 0 : i32
      %dma_wait3A_775 = tpu.memref_slice %arg8[%mul3A_762, %dma_wait3A_774] : memref<10112x128xf32, #tpu.memory_space<vmem_shared>> -> memref<632x128xf32, #tpu.memory_space<vmem_shared>>
      tpu.wait_dma2 semaphore(%run_scoped3A_765 : memref<!tpu.dma_semaphore, #tpu.memory_space<semaphore_mem>>) src(%dma_wait3A_775 : memref<632x128xf32, #tpu.memory_space<vmem_shared>>) dst(%dma_wait3A_773 : memref<632x128xf32, #tpu.memory_space<hbm>>)
      tpu.yield
    }) : () -> ()
    return
  }
}

module attributes {stable_mosaic.version = 14 : i64} {
  func.func @_ln_relu_body(%arg0: i32, %arg1: memref<5000x128xf32, #tpu.memory_space<vmem>>, %arg2: memref<1x128xf32, #tpu.memory_space<vmem>>, %arg3: memref<1x128xf32, #tpu.memory_space<vmem>>, %arg4: memref<1x128xf32, #tpu.memory_space<vmem>>, %arg5: memref<128x128xf32, #tpu.memory_space<vmem>>, %arg6: memref<5000x128xf32, #tpu.memory_space<vmem>>, %arg7: memref<5000x128xf32, #tpu.memory_space<vmem>>) attributes {dimension_semantics = [#tpu.dimension_semantics<arbitrary>], iteration_bounds = array<i64: 2>, scalar_prefetch = 0 : i64, scratch_operands = 0 : i64, tpu.core_type = #tpu.core_type<tc>, window_params = [{transform_indices = @transform_0, window_bounds = array<i64: 5000, 128>}, {pipeline_mode = #tpu.pipeline_mode<synchronous>, transform_indices = @transform_1, window_bounds = array<i64: 1, 128>}, {pipeline_mode = #tpu.pipeline_mode<synchronous>, transform_indices = @transform_2, window_bounds = array<i64: 1, 128>}, {pipeline_mode = #tpu.pipeline_mode<synchronous>, transform_indices = @transform_3, window_bounds = array<i64: 1, 128>}, {pipeline_mode = #tpu.pipeline_mode<synchronous>, transform_indices = @transform_4, window_bounds = array<i64: 128, 128>}, {transform_indices = @transform_5, window_bounds = array<i64: 5000, 128>}, {transform_indices = @transform_6, window_bounds = array<i64: 5000, 128>}]} {
    %get3A = arith.constant 0 : index
    %get3A_0 = arith.constant 0 : index
    %get3A_1 = vector.load %arg1[%get3A, %get3A_0] : memref<5000x128xf32, #tpu.memory_space<vmem>>, vector<5000x128xf32>
    %reduce_sum3A = arith.constant dense<0.000000e+00> : vector<5000xf32>
    %reduce_sum3A_2 = vector.multi_reduction <add>, %get3A_1, %reduce_sum3A [1] : vector<5000x128xf32> to vector<5000xf32>
    %broadcast_in_dim3A = vector.shape_cast %reduce_sum3A_2 : vector<5000xf32> to vector<5000x1xf32>
    %div3A = arith.constant 1.280000e+02 : f32
    %div3A_3 = vector.broadcast %div3A : f32 to vector<5000x1xf32>
    %div3A_4 = arith.divf %broadcast_in_dim3A, %div3A_3 : vector<5000x1xf32>
    %sub3A = vector.broadcast %div3A_4 : vector<5000x1xf32> to vector<5000x128xf32>
    %sub3A_5 = arith.subf %get3A_1, %sub3A : vector<5000x128xf32>
    %integer_pow3A = arith.mulf %sub3A_5, %sub3A_5 : vector<5000x128xf32>
    %reduce_sum3A_6 = arith.constant dense<0.000000e+00> : vector<5000xf32>
    %reduce_sum3A_7 = vector.multi_reduction <add>, %integer_pow3A, %reduce_sum3A_6 [1] : vector<5000x128xf32> to vector<5000xf32>
    %broadcast_in_dim3A_8 = vector.shape_cast %reduce_sum3A_7 : vector<5000xf32> to vector<5000x1xf32>
    %div3A_9 = arith.constant 1.280000e+02 : f32
    %div3A_10 = vector.broadcast %div3A_9 : f32 to vector<5000x1xf32>
    %div3A_11 = arith.divf %broadcast_in_dim3A_8, %div3A_10 : vector<5000x1xf32>
    %sub3A_12 = vector.broadcast %div3A_4 : vector<5000x1xf32> to vector<5000x128xf32>
    %sub3A_13 = arith.subf %get3A_1, %sub3A_12 : vector<5000x128xf32>
    %add3A = arith.constant 9.99999974E-6 : f32
    %add3A_14 = vector.broadcast %add3A : f32 to vector<5000x1xf32>
    %add3A_15 = arith.addf %div3A_11, %add3A_14 : vector<5000x1xf32>
    %rsqrt3A = math.rsqrt %add3A_15 : vector<5000x1xf32>
    %mul3A = vector.broadcast %rsqrt3A : vector<5000x1xf32> to vector<5000x128xf32>
    %mul3A_16 = arith.mulf %sub3A_13, %mul3A : vector<5000x128xf32>
    %get3A_17 = arith.constant 0 : index
    %get3A_18 = arith.constant 0 : index
    %get3A_19 = vector.load %arg2[%get3A_17, %get3A_18] : memref<1x128xf32, #tpu.memory_space<vmem>>, vector<1x128xf32>
    %mul3A_20 = vector.broadcast %get3A_19 : vector<1x128xf32> to vector<5000x128xf32>
    %mul3A_21 = arith.mulf %mul3A_16, %mul3A_20 : vector<5000x128xf32>
    %get3A_22 = arith.constant 0 : index
    %get3A_23 = arith.constant 0 : index
    %get3A_24 = vector.load %arg3[%get3A_22, %get3A_23] : memref<1x128xf32, #tpu.memory_space<vmem>>, vector<1x128xf32>
    %add3A_25 = vector.broadcast %get3A_24 : vector<1x128xf32> to vector<5000x128xf32>
    %add3A_26 = arith.addf %mul3A_21, %add3A_25 : vector<5000x128xf32>
    %max3A = arith.constant 0.000000e+00 : f32
    %max3A_27 = vector.broadcast %max3A : f32 to vector<5000x128xf32>
    %max3A_28 = arith.maximumf %add3A_26, %max3A_27 : vector<5000x128xf32>
    %swap3A = arith.constant 0 : index
    %swap3A_29 = arith.constant 0 : index
    %swap3A_30 = vector.load %arg6[%swap3A, %swap3A_29] : memref<5000x128xf32, #tpu.memory_space<vmem>>, vector<5000x128xf32>
    tpu.vector_store %arg6[%swap3A, %swap3A_29], %max3A_28 {strides = array<i32>} : memref<5000x128xf32, #tpu.memory_space<vmem>>, vector<5000x128xf32>,
    %get3A_31 = arith.constant 0 : index
    %get3A_32 = arith.constant 0 : index
    %get3A_33 = vector.load %arg4[%get3A_31, %get3A_32] : memref<1x128xf32, #tpu.memory_space<vmem>>, vector<1x128xf32>
    %add3A_34 = vector.broadcast %get3A_33 : vector<1x128xf32> to vector<5000x128xf32>
    %add3A_35 = arith.addf %get3A_1, %add3A_34 : vector<5000x128xf32>
    %get3A_36 = arith.constant 0 : index
    %get3A_37 = arith.constant 0 : index
    %get3A_38 = vector.load %arg5[%get3A_36, %get3A_37] : memref<128x128xf32, #tpu.memory_space<vmem>>, vector<128x128xf32>
    %dot_general3A = arith.constant dense<0.000000e+00> : vector<5000x128xf32>
    %dot_general3A_39 = tpu.matmul %max3A_28, %get3A_38, %dot_general3A {dimension_numbers = #tpu.dot_dimension_numbers<[1], [0], [0], [1], [0, 0, 1, 1], [], []>, transpose_lhs_hint = false} : vector<5000x128xf32>, vector<128x128xf32>, vector<5000x128xf32> -> vector<5000x128xf32>
    %add3A_40 = arith.addf %add3A_35, %dot_general3A_39 : vector<5000x128xf32>
    %swap3A_41 = arith.constant 0 : index
    %swap3A_42 = arith.constant 0 : index
    %swap3A_43 = vector.load %arg7[%swap3A_41, %swap3A_42] : memref<5000x128xf32, #tpu.memory_space<vmem>>, vector<5000x128xf32>
    tpu.vector_store %arg7[%swap3A_41, %swap3A_42], %add3A_40 {strides = array<i32>} : memref<5000x128xf32, #tpu.memory_space<vmem>>, vector<5000x128xf32>,
    return
  }
  func.func @transform_0(%arg0: i32) -> (i32, i32) {
    %c0_i32 = arith.constant 0 : i32
    %c0_i32_0 = arith.constant 0 : i32
    return %arg0, %c0_i32 : i32, i32
  }
  func.func @transform_1(%arg0: i32) -> (i32, i32) {
    %c0_i32 = arith.constant 0 : i32
    %c0_i32_0 = arith.constant 0 : i32
    %c0_i32_1 = arith.constant 0 : i32
    return %c0_i32, %c0_i32_0 : i32, i32
  }
  func.func @transform_2(%arg0: i32) -> (i32, i32) {
    %c0_i32 = arith.constant 0 : i32
    %c0_i32_0 = arith.constant 0 : i32
    %c0_i32_1 = arith.constant 0 : i32
    return %c0_i32, %c0_i32_0 : i32, i32
  }
  func.func @transform_3(%arg0: i32) -> (i32, i32) {
    %c0_i32 = arith.constant 0 : i32
    %c0_i32_0 = arith.constant 0 : i32
    %c0_i32_1 = arith.constant 0 : i32
    return %c0_i32, %c0_i32_0 : i32, i32
  }
  func.func @transform_4(%arg0: i32) -> (i32, i32) {
    %c0_i32 = arith.constant 0 : i32
    %c0_i32_0 = arith.constant 0 : i32
    %c0_i32_1 = arith.constant 0 : i32
    return %c0_i32, %c0_i32_0 : i32, i32
  }
  func.func @transform_5(%arg0: i32) -> (i32, i32) {
    %c0_i32 = arith.constant 0 : i32
    %c0_i32_0 = arith.constant 0 : i32
    return %arg0, %c0_i32 : i32, i32
  }
  func.func @transform_6(%arg0: i32) -> (i32, i32) {
    %c0_i32 = arith.constant 0 : i32
    %c0_i32_0 = arith.constant 0 : i32
    return %arg0, %c0_i32 : i32, i32
  }
}

module attributes {stable_mosaic.version = 14 : i64} {
  func.func @_combine_body(%arg0: i32, %arg1: memref<5000x128xf32, #tpu.memory_space<vmem>>, %arg2: memref<2x5000x128xf32, #tpu.memory_space<vmem>>, %arg3: memref<128x128xf32, #tpu.memory_space<vmem>>, %arg4: memref<5000x128xf32, #tpu.memory_space<vmem>>) attributes {dimension_semantics = [#tpu.dimension_semantics<arbitrary>], iteration_bounds = array<i64: 2>, scalar_prefetch = 0 : i64, scratch_operands = 0 : i64, tpu.core_type = #tpu.core_type<tc>, window_params = [{transform_indices = @transform_0, window_bounds = array<i64: 5000, 128>}, {transform_indices = @transform_1, window_bounds = array<i64: 2, 5000, 128>}, {pipeline_mode = #tpu.pipeline_mode<synchronous>, transform_indices = @transform_2, window_bounds = array<i64: 128, 128>}, {transform_indices = @transform_3, window_bounds = array<i64: 5000, 128>}]} {
    %get3A = arith.constant 0 : index
    %get3A_0 = arith.constant 0 : index
    %get3A_1 = arith.constant 0 : index
    %get3A_2 = vector.load %arg2[%get3A, %get3A_0, %get3A_1] : memref<2x5000x128xf32, #tpu.memory_space<vmem>>, vector<1x5000x128xf32>
    %get3A_3 = vector.shape_cast %get3A_2 : vector<1x5000x128xf32> to vector<5000x128xf32>
    %get3A_4 = arith.constant 1 : index
    %get3A_5 = arith.constant 0 : index
    %get3A_6 = arith.constant 0 : index
    %get3A_7 = vector.load %arg2[%get3A_4, %get3A_5, %get3A_6] : memref<2x5000x128xf32, #tpu.memory_space<vmem>>, vector<1x5000x128xf32>
    %get3A_8 = vector.shape_cast %get3A_7 : vector<1x5000x128xf32> to vector<5000x128xf32>
    %add3A = arith.addf %get3A_3, %get3A_8 : vector<5000x128xf32>
    %get3A_9 = arith.constant 0 : index
    %get3A_10 = arith.constant 0 : index
    %get3A_11 = vector.load %arg1[%get3A_9, %get3A_10] : memref<5000x128xf32, #tpu.memory_space<vmem>>, vector<5000x128xf32>
    %get3A_12 = arith.constant 0 : index
    %get3A_13 = arith.constant 0 : index
    %get3A_14 = vector.load %arg3[%get3A_12, %get3A_13] : memref<128x128xf32, #tpu.memory_space<vmem>>, vector<128x128xf32>
    %dot_general3A = arith.constant dense<0.000000e+00> : vector<5000x128xf32>
    %dot_general3A_15 = tpu.matmul %add3A, %get3A_14, %dot_general3A {dimension_numbers = #tpu.dot_dimension_numbers<[1], [0], [0], [1], [0, 0, 1, 1], [], []>, transpose_lhs_hint = false} : vector<5000x128xf32>, vector<128x128xf32>, vector<5000x128xf32> -> vector<5000x128xf32>
    %add3A_16 = arith.addf %get3A_11, %dot_general3A_15 : vector<5000x128xf32>
    %swap3A = arith.constant 0 : index
    %swap3A_17 = arith.constant 0 : index
    %swap3A_18 = vector.load %arg4[%swap3A, %swap3A_17] : memref<5000x128xf32, #tpu.memory_space<vmem>>, vector<5000x128xf32>
    tpu.vector_store %arg4[%swap3A, %swap3A_17], %add3A_16 {strides = array<i32>} : memref<5000x128xf32, #tpu.memory_space<vmem>>, vector<5000x128xf32>,
    return
  }
  func.func @transform_0(%arg0: i32) -> (i32, i32) {
    %c0_i32 = arith.constant 0 : i32
    %c0_i32_0 = arith.constant 0 : i32
    return %arg0, %c0_i32 : i32, i32
  }
  func.func @transform_1(%arg0: i32) -> (i32, i32, i32) {
    %c0_i32 = arith.constant 0 : i32
    %c0_i32_0 = arith.constant 0 : i32
    %c0_i32_1 = arith.constant 0 : i32
    return %c0_i32, %arg0, %c0_i32_0 : i32, i32, i32
  }
  func.func @transform_2(%arg0: i32) -> (i32, i32) {
    %c0_i32 = arith.constant 0 : i32
    %c0_i32_0 = arith.constant 0 : i32
    %c0_i32_1 = arith.constant 0 : i32
    return %c0_i32, %c0_i32_0 : i32, i32
  }
  func.func @transform_3(%arg0: i32) -> (i32, i32) {
    %c0_i32 = arith.constant 0 : i32
    %c0_i32_0 = arith.constant 0 : i32
    return %arg0, %c0_i32 : i32, i32
  }
}

</mosaic_0001>

<sc_bundles>
// kernel: kernel.5.cloned.1.call-start
scs
__scs_entry_jumppad:
0x0: {  	(pc) =	sbr.rel $0x88, $3  }
0x1: {  	(tag) =	ssettag $0x0;
	lr =	simm.s32 $0x1  }
0x2: {  	[smem:$0x3F9A] =	sst lr;
	_ =	strace $0xD0000000  }
0x3: {  	_ = 	snop  }
0x4: {  	_ = 	snop  }
0x5: {  	_ = 	snop  }
0x6: {  	_ = 	snop  }
0x7: {  	_ = 	snop  }
__scs_overlays_trampoline_lowered:
0x8: {  	[smem:$0x3FA9] =	sst s0  }
0x9: {  	[smem:$0x3FAA] =	sst s1  }
0xa: {  	[smem:$0x3FAB] =	sst s2  }
0xb: {  	[smem:$0x3FAC] =	sst s3  }
0xc: {  	[smem:$0x3FAD] =	sst s4  }
0xd: {  	[smem:$0x3FAE] =	sst s5  }
0xe: {  	[smem:$0x3FAF] =	sst s6  }
0xf: {  	[smem:$0x3FB0] =	sst s7  }
0x10: {  	[smem:$0x3FB1] =	sst s8  }
0x11: {  	[smem:$0x3FB2] =	sst s9;
	s0 =	simm.s32 @!p0 $0x0  }
0x12: {  	s1 =	sld [smem:$0x3F98];
	s0 =	simm.s32 @p0 $0x1  }
0x13: {  	[smem:$0x3FB3] =	sst s0;
	s0 =	simm.s32 @!p1 $0x0  }
0x14: {  	s2 =	sld [smem:$0x3F97];
	s0 =	simm.s32 @p1 $0x1  }
0x15: {  	[smem:$0x3FB4] =	sst s0;
	s0 =	simm.s32 @!p2 $0x0  }
0x16: {  	s3 =	sld [smem:$0x3FDB];
	s0 =	simm.s32 @p2 $0x1  }
0x17: {  	s4 =	simm.s32 $0x1BF5;
	[smem:$0x3FB6] =	sst s0  }
0x18: {  	s0 =	sld [smem:$0x3F99];
	_ =	swait.ge [sflag:s4], $0x0  }
0x19: {  	s7 =	sld [smem:$0x3F9A]  }
0x1a: {  	s8 =	sadd.s32 $0xFFFFE003, lr  }
0x1b: {  	s9 =	sadd.s32 $0xFFFFFEF7, lr;
	s5 =	simm.s32 $0xFFFFFFFF;
	p2 =	slt.u32 s8, $0xFFFFF086  }
0x1c: {  	p1 =	slt.u32 s9, $0xF7A;
	s5 =	simm.s32 @!p2 $0x0  }
0x1d: {  	s5 =	simm.s32 @p1 $0x1;
	p0 =	seq.s32 s7, s2  }
0x1e: {  	s7 =	smul.u32 @!p0 $0xF7A, s2;
	p2 =	seq.s32 @!p0 s5, $0x0  }
0x1f: {  	s9 =	smul.u32 $0xF7A, s1;
	s8 =	simm.s32 @!p0 $0x1BF5;
	p2 =	por !p2, p0  }
0x20: {  	[sflag:s8] =	ssyncset.s32 @!p0 $0xFFFFF086;
	s6 =	sadd.s32 @!p0 s3, s7;
	s7 =	simm.s32 @!p0 $0x108  }
0x21: {  	s3 =	sadd.s32 s3, s9;
	s6 =	sadd.s32 @!p0 $0x88, s6;
	s7 =	simm.s32 @p2 $0x1082  }
0x22: {  	[simem:s7], [sflag:s8] =	dma.local @!p0 [hbm:s6], $0xF7A  }
0x23: {  	s9 =	sor.u32 $0xD0000000, s2;
	s6 =	simm.s32 $0x108;
	_ =	swait.ge @!p0 [sflag:s8], $0x0  }
0x24: {  	s3 =	sadd.s32 $0x88, s3;
	s6 =	simm.s32 @!p1 $0x1082;
	[sflag:s4] =	ssyncset.s32 $0xFFFFF086  }
0x25: {  	[simem:s6], [sflag:s4] =	dma.local [hbm:s3], $0xF7A  }
0x26: {  	[smem:$0x3F9A] =	sst s1;
	(tag) =	ssettag s2;
	_ =	strace s9  }
0x27: {  	s1 =	sld [smem:$0x3FAA]  }
0x28: {  	s2 =	sld [smem:$0x3FAB]  }
0x29: {  	s4 =	sld [smem:$0x3FAD]  }
0x2a: {  	p0 =	seq.s32 s5, $0x0;
	s5 =	sld [smem:$0x3FAE]  }
0x2b: {  	s6 =	sld [smem:$0x3FAF]  }
0x2c: {  	s7 =	sld [smem:$0x3FB0]  }
0x2d: {  	s3 =	simm.s32 $0x108;
	s8 =	sld [smem:$0x3FB1]  }
0x2e: {  	s3 =	simm.s32 @!p0 $0x1082;
	s9 =	sld [smem:$0x3FB2]  }
0x2f: {  	lr =	sadd.s32 s0, s3;
	s0 =	sld [smem:$0x3FA9]  }
0x30: {  	s3 =	sld [smem:$0x3FAC]  }
0x31: {  	[smem:$0x3FB5] =	sst s10  }
0x32: {  	s10 =	sld [smem:$0x3FB3];
	_ =	sdelay $0x3  }
0x33: {  	p0 =	seq.s32 s10, $0x1;
	s10 =	sld [smem:$0x3FB5];
	_ =	sdelay $0x3  }
0x34: {  	[smem:$0x3FB5] =	sst s10  }
0x35: {  	s10 =	sld [smem:$0x3FB4];
	_ =	sdelay $0x3  }
0x36: {  	p1 =	seq.s32 s10, $0x1;
	s10 =	sld [smem:$0x3FB5];
	_ =	sdelay $0x3  }
0x37: {  	[smem:$0x3FB5] =	sst s10  }
0x38: {  	s10 =	sld [smem:$0x3FB6]  }
0x39: {  	_ = 	snop;
	(pc) =	sbr.ind lr, $3  }
0x3a: {  	_ = 	snop  }
0x3b: {  	_ = 	snop  }
0x3c: {  	p2 =	seq.s32 s10, $0x1;
	s10 =	sld [smem:$0x3FB5]  }
0x3d: {  	_ =	shalt  }
0x3e: {  	_ =	shalt  }
0x3f: {  	_ =	shalt  }
0x40: {  	_ =	shalt  }
0x41: {  	_ =	shalt  }
0x42: {  	_ =	shalt  }
0x43: {  	_ =	shalt  }
0x44: {  	_ =	shalt  }
0x45: {  	_ =	shalt  }
0x46: {  	_ =	shalt  }
0x47: {  	_ =	shalt  }
0x48: {  	_ =	shalt  }
0x49: {  	_ =	shalt  }
0x4a: {  	_ =	shalt  }
0x4b: {  	_ =	shalt  }
0x4c: {  	_ =	shalt  }
0x4d: {  	_ =	shalt  }
0x4e: {  	_ =	shalt  }
0x4f: {  	_ =	shalt  }
0x50: {  	_ =	shalt  }
0x51: {  	_ =	shalt  }
0x52: {  	_ =	shalt  }
0x53: {  	_ =	shalt  }
0x54: {  	_ =	shalt  }
0x55: {  	_ =	shalt  }
0x56: {  	_ =	shalt  }
0x57: {  	_ =	shalt  }
0x58: {  	_ =	shalt  }
0x59: {  	_ =	shalt  }
0x5a: {  	_ =	shalt  }
0x5b: {  	_ =	shalt  }
0x5c: {  	_ =	shalt  }
0x5d: {  	_ =	shalt  }
0x5e: {  	_ =	shalt  }
0x5f: {  	_ =	shalt  }
0x60: {  	_ =	shalt  }
0x61: {  	_ =	shalt  }
0x62: {  	_ =	shalt  }
0x63: {  	_ =	shalt  }
0x64: {  	_ =	shalt  }
0x65: {  	_ =	shalt  }
0x66: {  	_ =	shalt  }
0x67: {  	_ =	shalt  }
0x68: {  	_ =	shalt  }
0x69: {  	_ =	shalt  }
0x6a: {  	_ =	shalt  }
0x6b: {  	_ =	shalt  }
0x6c: {  	_ =	shalt  }
0x6d: {  	_ =	shalt  }
0x6e: {  	_ =	shalt  }
0x6f: {  	_ =	shalt  }
0x70: {  	_ =	shalt  }
0x71: {  	_ =	shalt  }
0x72: {  	_ =	shalt  }
0x73: {  	_ =	shalt  }
0x74: {  	_ =	shalt  }
0x75: {  	_ =	shalt  }
0x76: {  	_ =	shalt  }
0x77: {  	_ =	shalt  }
0x78: {  	_ =	shalt  }
0x79: {  	_ =	shalt  }
0x7a: {  	_ =	shalt  }
0x7b: {  	_ =	shalt  }
0x7c: {  	_ =	shalt  }
0x7d: {  	_ =	shalt  }
0x7e: {  	_ =	shalt  }
0x7f: {  	_ =	shalt  }
0x80: {  	_ =	shalt  }
0x81: {  	_ =	shalt  }
0x82: {  	_ =	shalt  }
0x83: {  	_ =	shalt  }
0x84: {  	_ =	shalt  }
0x85: {  	_ =	shalt  }
0x86: {  	_ =	shalt  }
0x87: {  	_ =	shalt  }
.Lfunc_end0:
.L_simem_size_0:
called_computation_lowered:
.L_overlay_start_0:
0x88: {  	s2 =	sld [smem:$0x3FD9]  }
0x89: {  	s3 =	sld [smem:$0x3FFE];
	_ =	sdelay $0x1  }
0x8a: {  	s1 =	srdreg.scid  }
0x8b: {  	s0 =	sand.u32 $0x1, s1  }
0x8c: {  	s17 =	sshll.u32 s0, $0xA;
	s2 =	sadd.s32 s3, s2  }
0x8d: {  	s2 =	sadd.s32 s2, s17  }
0x8e: {  	[smem:$0x3FC1] =	sst s2  }
0x8f: {  	_ = 	snop  }
0x90: {  	s2 =	sld [smem:$0x3FD0];
	(tm) =	ssettm $0x1  }
0x91: {  	s18 =	sld [smem:$0x3FFB];
	_ =	sdelay $0x3  }
0x92: {  	_ =	strace s18  }
0x93: {  	s3 =	sld [smem:$0x3FFC];
	_ =	sdelay $0x3  }
0x94: {  	_ =	strace s3  }
0x95: {  	s3 =	sld [smem:$0x3FFD];
	_ =	sdelay $0x3  }
0x96: {  	_ =	strace s3  }
0x97: {  	_ =	strace $0x8FFFFFFF  }
0x98: {  	s19 =	sld [smem:$0x3FDB];
	_ =	sdelay $0x1  }
0x99: {  	s4 =	simm.s32 $_scs_section_size  }
0x9a: {  	s5 =	simm.s32 $_size__tile_overlayer_lowered;
	s6 =	simm.s32 $_tile_overlayer_lowered  }
0x9b: {  	s22 =	simm.s32 $0x1BFF;
	s21 =	sshll.u32 s6, $0x1;
	s3 =	sadd.s32 s4, s19  }
0x9c: {  	s7 =	simm.s32 $0x0;
	s20 =	sshll.u32 s5, $0x1;
	s5 =	sadd.s32 s21, s3  }
0x9d: {  	[timem:s7], [sflag:s22] =	dma.local [hbm:s5], s20  }
0x9e: {  	_ =	swait.ge [sflag:s22], s20  }
0x9f: {  	s4 =	ssub.s32 $0x0, s20;
	[sflag:s22] =	ssyncset.done $0x0  }
0xa0: {  	[sflag:s22] =	ssyncadd.s32 s4;
	_ =	sdelay $0x1  }
0xa1: {  	s23 =	simm.s32 $0x1B8B  }
0xa2: {  	_ =	swait.ge [sflag:s23], $0x1  }
0xa3: {  	[sflag:s23] =	ssyncset.done $0x0  }
0xa4: {  	s25 =	simm.s32 $0x1B8E;
	s24 =	sld [smem:$0x3FFE];
	[sflag:s23] =	ssyncadd.s32 $0xFFFFFFFF  }
0xa5: {  	s26 =	simm.s32 $execute0_lowered;
	[smem:$0x3FD2] =	sst s25  }
0xa6: {  	s5 =	sshll.u32 s26, $0x1;
	_ =	strace $0x80000046;
	[dreg:$0x1] =	wrdreg $0xFFFFFFFF  }
0xa7: {  	s28 =	simm.s32 $_size_execute0_lowered;
	s3 =	sadd.s32 s3, s5;
	[dreg:$0x0] =	wrdreg $0x0  }
0xa8: {  	s5 =	sshll.u32 s28, $0x1;
	[dreg:$0x2] =	wrdreg s3  }
0xa9: {  	[dreg:$0x3] =	wrdreg s5  }
0xaa: {  	[dreg:$0x4] =	wrdreg $0xC0  }
0xab: {  	_ =	task [dreg:s7], $0x5FFFF  }
0xac: {  	[dreg:$0x1] =	wrdreg $0xFFFFFFFF  }
0xad: {  	[dreg:$0x0] =	wrdreg $0x60  }
0xae: {  	[dreg:$0x2] =	wrdreg s2  }
0xaf: {  	[dreg:$0x3] =	wrdreg s24  }
0xb0: {  	[dreg:$0x4] =	wrdreg $0x90000  }
0xb1: {  	[dreg:$0x5] =	wrdreg $0x9  }
0xb2: {  	_ =	task.clear_ibuf [dreg:s7], $0x6FFFF;
	_ =	strace $0x90000046  }
0xb3: {  	s29 =	simm.s32 $0x9;
	_ =	strace $0x80000048  }
0xb4: {  	_ =	swait.ge [sflag:s29], $0x1  }
0xb5: {  	[sflag:s29] =	ssyncadd.s32 $0xFFFFFFFF  }
0xb6: {  	_ =	strace $0x90000048  }
0xb7: {  	_ =	sfence  }
0xb8: {  	s30 =	sld [smem:$0x0];
	_ =	sdelay $0x2  }
0xb9: {  	s31 =	sshll.u32 s1, $0xD;
	s1 =	sshrl.u32 s1, $0x2  }
0xba: {  	s3 =	sand.u32 $0x4000, s31;
	s1 =	sadd.s32 s1, s30  }
0xbb: {  	s0 =	sor.u32 s3, s0;
	s1 =	sshll.u32 s1, $0x11  }
0xbc: {  	s0 =	sor.u32 s1, s0  }
0xbd: {  	s0 =	sadd.s32 $0x8F2B, s0  }
0xbe: {  	[sflag:s0] =	ssyncadd.remote.s32 $0x1  }
0xbf: {  	_ =	sfence.sel $0xFFFF  }
0xc0: {  	[dreg:$0x0] =	wrdreg $0xFFFFFFFF;
	(pc) =	sbr.abs _section_cstart, $3  }
0xc1: {  	[dreg:$0x1] =	wrdreg $0xFFFFFFFF  }
0xc2: {  	_ =	task.clear_ibuf [dreg:s7], $0x2FFFF;
	_ =	strace $0x9FFFFFFF  }
0xc3: {  	(tm) =	ssettm $0x7FFFFFFF  }
tec
execute0_lowered:
.L_overlay_start_1:
0x0: {  	(tag) =	ssettag $0x1  }
0x1: {  	s2 =	rddreg [dreg:$0x0]  }
0x2: {  	s0 =	srdreg.scid;
	s5 =	rddreg [dreg:$0x1]  }
0x3: {  	s8 =	stileid.u32;
	s3 =	rddreg [dreg:$0x2]  }
0x4: {  	s4 =	simm.s32 $0x0;
	s28 =	simm.s32 $0x2;
	s29 =	simm.s32 $0x4  }
0x5: {  	s30 =	simm.s32 $0x2000;
	s0 =	sand.u32 $0x1, s0;
	s7 =	smul.u32 $0x13C00, s8  }
0x6: {  	s31 =	simm.s32 $0x1000;
	s1 =	sshll.u32 s0, $0x4;
	s6 =	smul.u32 $0x13C000, s0  }
0x7: {  	s9 =	simm.s32 $0x3C00;
	s1 =	sor.u32 s8, s1;
	s8 =	smul.u32 $0x4F000, s8  }
0x8: {  	s10 =	simm.s32 $0x0;
	s0 =	ssub.s32 $0x2, s0;
	s1 =	smul.u32 $0x5000, s1  }
0x9: {  	[smem:$0x7FF] =	sst s4;
	s19 =	sshrl.u32 s0, $0x1;
	s6 =	sadd.s32 s7, s6  }
0xa: {  	s6 =	sshrl.u32 s6, $0x3;
	s18 =	sshrl.u32 s8, $0x2;
	s1 =	sshrl.u32 s1, $0x3  }
0xb: {  	s6 =	sadd.s32 s6, s5;
	s1 =	sadd.s32 s1, s5;
	s5 =	sadd.s32 s18, s3  }
0xc: {  	_ =	strace $0x80000047;
	s0 =	ssub.s32 s0, s19;
	s7 =	sadd.s32 $0x2800, s5  }
0xd: {  	s8 =	simm.s32 $0x3;
	s20 =	sadd.s32 $0x5000, s5;
	[dreg:$0x4] =	wrdreg s7  }
0xe: {  	s21 =	sadd.s32 $0x7800, s5;
	s22 =	sadd.s32 $0xA000, s5;
	[dreg:$0x5] =	wrdreg s20  }
0xf: {  	s23 =	sadd.s32 $0xC800, s5;
	s24 =	sadd.s32 $0xF000, s5;
	[dreg:$0x6] =	wrdreg s21  }
0x10: {  	s25 =	sadd.s32 $0x11800, s5;
	s26 =	sadd.s32 $0x1600, s1;
	[dreg:$0x7] =	wrdreg s22  }
0x11: {  	s14 =	sadd.s32 $0x15600, s1;
	s15 =	sadd.s32 $0x1800, s1;
	[dreg:$0x8] =	wrdreg s23  }
0x12: {  	s16 =	sadd.s32 $0x15800, s1;
	s17 =	sadd.s32 $0x1A00, s1;
	[dreg:$0x9] =	wrdreg s24  }
0x13: {  	s18 =	sadd.s32 $0x15A00, s1;
	s19 =	sadd.s32 $0x1C00, s1;
	[dreg:$0xa] =	wrdreg s25  }
0x14: {  	[dreg:$0xb] =	wrdreg s26;
	s20 =	sadd.s32 $0x15C00, s1;
	s21 =	sadd.s32 $0x1E00, s1  }
0x15: {  	s22 =	sadd.s32 $0x15E00, s1;
	s23 =	sadd.s32 $0x29600, s6;
	s24 =	smax.u32 s0, $0x1  }
0x16: {  	s25 =	simm.s32 $0x4000;
	s26 =	simm.s32 $0x1;
	s1 =	simm.s32 $0x3000  }
0x17: {  	v0 =	vimm.f32 $0.0e+00;
	s0 =	simm.s32 $0x50;
	s6 =	simm.s32 $0x6800;
	s7 =	simm.s32 $0x2C00  }
.LBB2_1:
0x18: {  	s11 =	simm.s32 $0x0;
	s12 =	simm.s32 $0x200  }
.LBB2_2:
0x19: {  	p0 =	sne.s32 s12, $0x9E00;
	[tilespmem:s11+$0x4070] =	vst v0  }
0x1a: {  	[tilespmem:s11+$0x4000] =	vst v0  }
0x1b: {  	[tilespmem:s11+$0x4010] =	vst v0  }
.Ltmp0:
0x1c: {  	[tilespmem:s11+$0x4020] =	vst v0;
	(pc) =	sbr.rel @p0 .LBB2_2-.Ltmp0, $4  }
0x1d: {  	[tilespmem:s11+$0x4030] =	vst v0  }
0x1e: {  	[tilespmem:s11+$0x4040] =	vst v0  }
0x1f: {  	[tilespmem:s11+$0x4050] =	vst v0  }
0x20: {  	[tilespmem:s11+$0x4060] =	vst v0;
	s11 =	sshra.s32 s12, $0x2;
	s12 =	sadd.s32 $0x200, s12  }
0x21: {  	[tilespmem:s11+$0x4070] =	vst v0  }
0x22: {  	[tilespmem:s11+$0x4000] =	vst v0  }
0x23: {  	[tilespmem:s11+$0x4010] =	vst v0  }
0x24: {  	[tilespmem:s11+$0x4020] =	vst v0  }
0x25: {  	[tilespmem:s11+$0x4030] =	vst v0  }
0x26: {  	[tilespmem:s11+$0x4040] =	vst v0  }
0x27: {  	[tilespmem:s11+$0x4050] =	vst v0  }
0x28: {  	[tilespmem:s11+$0x4060] =	vst v0  }
0x29: {  	[spmem:s5] =	stream.linear.scatter [tilespmem:s25], [sflag:$0x1], $0x2800, $0x38;
	[tilespmem:$0x1CC00] =	vst v63  }
0x2a: {  	s12 =	rddreg [dreg:$0x4]  }
0x2b: {  	[spmem:s12] =	stream.linear.scatter [tilespmem:s25], [sflag:$0x1], $0x2800, $0x38;
	[tilespmem:$0x1CC00] =	vst v63  }
0x2c: {  	s13 =	rddreg [dreg:$0x5]  }
0x2d: {  	[spmem:s13] =	stream.linear.scatter [tilespmem:s25], [sflag:$0x1], $0x2800, $0x38;
	[tilespmem:$0x1CC00] =	vst v63  }
0x2e: {  	s12 =	rddreg [dreg:$0x6]  }
0x2f: {  	[spmem:s12] =	stream.linear.scatter [tilespmem:s25], [sflag:$0x1], $0x2800, $0x38;
	[tilespmem:$0x1CC00] =	vst v63  }
0x30: {  	s13 =	rddreg [dreg:$0x7]  }
0x31: {  	[spmem:s13] =	stream.linear.scatter [tilespmem:s25], [sflag:$0x1], $0x2800, $0x38;
	[tilespmem:$0x1CC00] =	vst v63  }
0x32: {  	s12 =	rddreg [dreg:$0x8]  }
0x33: {  	[spmem:s12] =	stream.linear.scatter [tilespmem:s25], [sflag:$0x1], $0x2800, $0x38;
	[tilespmem:$0x1CC00] =	vst v63  }
0x34: {  	s13 =	rddreg [dreg:$0x9]  }
0x35: {  	[spmem:s13] =	stream.linear.scatter [tilespmem:s25], [sflag:$0x1], $0x2800, $0x38;
	[tilespmem:$0x1CC00] =	vst v63  }
0x36: {  	s12 =	rddreg [dreg:$0xa]  }
0x37: {  	[spmem:s12] =	stream.linear.scatter [tilespmem:s25], [sflag:$0x2], $0x2400, $0x38;
	[tilespmem:$0x1CC00] =	vst v63  }
0x38: {  	_ =	swait.ge [sflag:s26], $0x2800  }
0x39: {  	[sflag:s26] =	ssyncset.done $0x0  }
0x3a: {  	[sflag:s26] =	ssyncadd.s32 $0xFFFFD800  }
0x3b: {  	_ =	swait.ge [sflag:s26], $0x2800  }
0x3c: {  	[sflag:s26] =	ssyncset.done $0x0  }
0x3d: {  	[sflag:s26] =	ssyncadd.s32 $0xFFFFD800  }
0x3e: {  	_ =	swait.ge [sflag:s26], $0x2800  }
0x3f: {  	[sflag:s26] =	ssyncset.done $0x0  }
0x40: {  	[sflag:s26] =	ssyncadd.s32 $0xFFFFD800  }
0x41: {  	_ =	swait.ge [sflag:s26], $0x2800  }
0x42: {  	[sflag:s26] =	ssyncset.done $0x0  }
0x43: {  	[sflag:s26] =	ssyncadd.s32 $0xFFFFD800  }
0x44: {  	_ =	swait.ge [sflag:s26], $0x2800  }
0x45: {  	[sflag:s26] =	ssyncset.done $0x0  }
0x46: {  	[sflag:s26] =	ssyncadd.s32 $0xFFFFD800  }
0x47: {  	_ =	swait.ge [sflag:s26], $0x2800  }
0x48: {  	[sflag:s26] =	ssyncset.done $0x0  }
0x49: {  	[sflag:s26] =	ssyncadd.s32 $0xFFFFD800  }
0x4a: {  	_ =	swait.ge [sflag:s26], $0x2800  }
0x4b: {  	[sflag:s26] =	ssyncset.done $0x0  }
0x4c: {  	[sflag:s26] =	ssyncadd.s32 $0xFFFFD800  }
0x4d: {  	_ =	swait.ge [sflag:s28], $0x2400  }
0x4e: {  	[sflag:s28] =	ssyncset.done $0x0  }
0x4f: {  	[sflag:s28] =	ssyncadd.s32 $0xFFFFDC00  }
0x50: {  	[bflag:$0x0] =	sbarrier.arrive $0xFFFF  }
0x51: {  	s13 =	simm.s32 $0x0;
	s12 =	rddreg [dreg:$0xb]  }
0x52: {  	[tilespmem:s13], [sflag:$0x4] =	stream.linear.gather [hbm4b:s12+s13], $0xC80, $0x38;
	[tilespmem:$0x1CC00] =	vst v63  }
0x53: {  	_ =	swait.ge [sflag:s29], $0xC80  }
0x54: {  	[sflag:s29] =	ssyncset.done $0x0  }
0x55: {  	[sflag:s29] =	ssyncadd.s32 $0xFFFFF380  }
0x56: {  	[tilespmem:s30], [sflag:$0x4] =	stream.linear.gather [hbm4b:s14+s13], $0xC80, $0x38;
	[tilespmem:$0x1CC00] =	vst v63  }
0x57: {  	_ =	swait.ge [sflag:s29], $0xC80  }
0x58: {  	[sflag:s29] =	ssyncset.done $0x0  }
0x59: {  	[sflag:s29] =	ssyncadd.s32 $0xFFFFF380  }
0x5a: {  	[tilespmem:s31], [sflag:$0x3] =	stream.linear.gather [hbm4b:s15+s13], $0xC80, $0x38;
	[tilespmem:$0x1CC00] =	vst v63  }
0x5b: {  	_ = 	snop  }
0x5c: {  	[tilespmem:s1], [sflag:$0x3] =	stream.linear.gather [hbm4b:s16+s13], $0xC80, $0x38;
	[tilespmem:$0x1CC00] =	vst v63  }
0x5d: {  	_ = 	snop  }
0x5e: {  	[tilespmem:s25], [sflag:$0x1] =	stream.indirect.gather [hbm4b:s2+s0], $0x80, s13, s0, $0xb8;
	[tilespmem:$0x1CC00] =	vst v63  }
0x5f: {  	_ =	swait.ge [sflag:s26], $0x2800  }
0x60: {  	[sflag:s26] =	ssyncset.done $0x0  }
0x61: {  	s12 =	simm.s32 $0x80;
	[sflag:s26] =	ssyncadd.s32 $0xFFFFD800  }
0x62: {  	[tilespmem:s6], [sflag:$0x2] =	stream.indirect.gather [hbm4b:s2+s0], $0x80, s12, s0, $0xb8;
	[tilespmem:$0x1CC00] =	vst v63  }
0x63: {  	s13 =	simm.s32 $0x2000  }
0x64: {  	[spmem:s3] =	stream.indirect.scatter.add.f32 [tilespmem:s25], [sflag:$0x4], $0x80, s13, s0, $0xb8;
	[tilespmem:$0x1CC00] =	vst v63  }
0x65: {  	_ =	swait.ge [sflag:s29], $0x2800  }
0x66: {  	[sflag:s29] =	ssyncset.done $0x0  }
0x67: {  	[sflag:s29] =	ssyncadd.s32 $0xFFFFD800  }
0x68: {  	_ =	swait.ge [sflag:s28], $0x2800  }
0x69: {  	[sflag:s28] =	ssyncset.done $0x0  }
0x6a: {  	s12 =	simm.s32 $0x100;
	[sflag:s28] =	ssyncadd.s32 $0xFFFFD800  }
0x6b: {  	[tilespmem:s25], [sflag:$0x1] =	stream.indirect.gather [hbm4b:s2+s0], $0x80, s12, s0, $0xb8;
	[tilespmem:$0x1CC00] =	vst v63  }
0x6c: {  	s13 =	simm.s32 $0x2080  }
0x6d: {  	[spmem:s3] =	stream.indirect.scatter.add.f32 [tilespmem:s6], [sflag:$0x4], $0x80, s13, s0, $0xb8;
	[tilespmem:$0x1CC00] =	vst v63  }
0x6e: {  	_ =	swait.ge [sflag:s29], $0x2800  }
0x6f: {  	s11 =	simm.s32 $0x400;
	[sflag:s29] =	ssyncset.done $0x0  }
.LBB2_4:
0x70: {  	p0 =	sne.s32 s11, $0x2C00  }
0x71: {  	[sflag:s29] =	ssyncadd.s32 $0xFFFFD800;
	s12 =	smov.u32 s11;
	s11 =	sadd.s32 $0x400, s11  }
0x72: {  	_ = 	snop  }
0x73: {  	_ =	swait.ge [sflag:s26], $0x2800  }
0x74: {  	s12 =	sshra.s32 s12, $0x2;
	[sflag:s26] =	ssyncset.done $0x0  }
0x75: {  	s13 =	sadd.s32 $0x80, s12;
	[sflag:s26] =	ssyncadd.s32 $0xFFFFD800  }
0x76: {  	[tilespmem:s6], [sflag:$0x2] =	stream.indirect.gather [hbm4b:s2+s0], $0x80, s13, s0, $0xb8;
	[tilespmem:$0x1CC00] =	vst v63  }
0x77: {  	s13 =	sadd.s32 $0x2000, s12  }
0x78: {  	[spmem:s3] =	stream.indirect.scatter.add.f32 [tilespmem:s25], [sflag:$0x4], $0x80, s13, s0, $0xb8;
	[tilespmem:$0x1CC00] =	vst v63  }
0x79: {  	_ =	swait.ge [sflag:s29], $0x2800  }
0x7a: {  	[sflag:s29] =	ssyncset.done $0x0  }
0x7b: {  	[sflag:s29] =	ssyncadd.s32 $0xFFFFD800  }
0x7c: {  	_ =	swait.ge [sflag:s28], $0x2800  }
0x7d: {  	[sflag:s28] =	ssyncset.done $0x0  }
0x7e: {  	s13 =	sadd.s32 $0x100, s12;
	[sflag:s28] =	ssyncadd.s32 $0xFFFFD800  }
0x7f: {  	[tilespmem:s25], [sflag:$0x1] =	stream.indirect.gather [hbm4b:s2+s0], $0x80, s13, s0, $0xb8;
	[tilespmem:$0x1CC00] =	vst v63  }
.Ltmp1:
0x80: {  	_ = 	snop;
	(pc) =	sbr.rel @p0 .LBB2_4-.Ltmp1, $4  }
0x81: {  	s12 =	sadd.s32 $0x2080, s12  }
0x82: {  	[spmem:s3] =	stream.indirect.scatter.add.f32 [tilespmem:s6], [sflag:$0x4], $0x80, s12, s0, $0xb8;
	[tilespmem:$0x1CC00] =	vst v63  }
0x83: {  	_ =	swait.ge [sflag:s29], $0x2800  }
0x84: {  	[sflag:s29] =	ssyncset.done $0x0  }
0x85: {  	[sflag:s29] =	ssyncadd.s32 $0xFFFFD800  }
0x86: {  	_ =	swait.ge [sflag:s26], $0x2800  }
0x87: {  	[sflag:s26] =	ssyncset.done $0x0  }
0x88: {  	[sflag:s26] =	ssyncadd.s32 $0xFFFFD800  }
0x89: {  	[spmem:s3] =	stream.indirect.scatter.add.f32 [tilespmem:s25], [sflag:$0x4], $0x80, s7, s0, $0xb8;
	[tilespmem:$0x1CC00] =	vst v63  }
0x8a: {  	_ =	swait.ge [sflag:s29], $0x2800  }
0x8b: {  	[sflag:s29] =	ssyncset.done $0x0  }
0x8c: {  	[sflag:s29] =	ssyncadd.s32 $0xFFFFD800  }
0x8d: {  	_ =	swait.ge [sflag:s8], $0xC80  }
0x8e: {  	[sflag:s8] =	ssyncset.done $0x0  }
0x8f: {  	[sflag:s8] =	ssyncadd.s32 $0xFFFFF380  }
0x90: {  	_ =	swait.ge [sflag:s8], $0xC80  }
0x91: {  	[sflag:s8] =	ssyncset.done $0x0  }
0x92: {  	[sflag:s8] =	ssyncadd.s32 $0xFFFFF380  }
0x93: {  	[tilespmem:s4], [sflag:$0x3] =	stream.linear.gather [hbm4b:s17+s4], $0xC80, $0x38;
	[tilespmem:$0x1CC00] =	vst v63  }
0x94: {  	_ = 	snop  }
0x95: {  	[tilespmem:s30], [sflag:$0x3] =	stream.linear.gather [hbm4b:s18+s4], $0xC80, $0x38;
	[tilespmem:$0x1CC00] =	vst v63  }
0x96: {  	_ = 	snop  }
0x97: {  	[tilespmem:s25], [sflag:$0x1] =	stream.indirect.gather [hbm4b:s2+s0], $0x80, s31, s0, $0xb8;
	[tilespmem:$0x1CC00] =	vst v63  }
0x98: {  	_ =	swait.ge [sflag:s26], $0x2800  }
0x99: {  	[sflag:s26] =	ssyncset.done $0x0  }
0x9a: {  	s11 =	simm.s32 $0x1080;
	[sflag:s26] =	ssyncadd.s32 $0xFFFFD800  }
0x9b: {  	[tilespmem:s6], [sflag:$0x2] =	stream.indirect.gather [hbm4b:s2+s0], $0x80, s11, s0, $0xb8;
	[tilespmem:$0x1CC00] =	vst v63  }
0x9c: {  	s13 =	simm.s32 $0x3000  }
0x9d: {  	[spmem:s3] =	stream.indirect.scatter.add.f32 [tilespmem:s25], [sflag:$0x4], $0x80, s13, s0, $0xb8;
	[tilespmem:$0x1CC00] =	vst v63  }
0x9e: {  	_ =	swait.ge [sflag:s29], $0x2800  }
0x9f: {  	[sflag:s29] =	ssyncset.done $0x0  }
0xa0: {  	[sflag:s29] =	ssyncadd.s32 $0xFFFFD800  }
0xa1: {  	_ =	swait.ge [sflag:s28], $0x2800  }
0xa2: {  	[sflag:s28] =	ssyncset.done $0x0  }
0xa3: {  	s12 =	simm.s32 $0x1100;
	[sflag:s28] =	ssyncadd.s32 $0xFFFFD800  }
0xa4: {  	[tilespmem:s25], [sflag:$0x1] =	stream.indirect.gather [hbm4b:s2+s0], $0x80, s12, s0, $0xb8;
	[tilespmem:$0x1CC00] =	vst v63  }
0xa5: {  	s13 =	simm.s32 $0x3080  }
0xa6: {  	[spmem:s3] =	stream.indirect.scatter.add.f32 [tilespmem:s6], [sflag:$0x4], $0x80, s13, s0, $0xb8;
	[tilespmem:$0x1CC00] =	vst v63  }
0xa7: {  	_ =	swait.ge [sflag:s29], $0x2800  }
0xa8: {  	s11 =	simm.s32 $0xFFFFD400;
	[sflag:s29] =	ssyncset.done $0x0  }
.LBB2_6:
0xa9: {  	p0 =	sne.s32 s11, $0xFFFFFC00  }
0xaa: {  	[sflag:s29] =	ssyncadd.s32 $0xFFFFD800;
	s12 =	smov.u32 s11;
	s11 =	sadd.s32 $0x400, s11  }
0xab: {  	_ = 	snop  }
0xac: {  	_ =	swait.ge [sflag:s26], $0x2800  }
0xad: {  	s12 =	sshra.s32 s12, $0x2;
	[sflag:s26] =	ssyncset.done $0x0  }
0xae: {  	s13 =	sadd.s32 $0x1C80, s12;
	[sflag:s26] =	ssyncadd.s32 $0xFFFFD800  }
0xaf: {  	[tilespmem:s6], [sflag:$0x2] =	stream.indirect.gather [hbm4b:s2+s0], $0x80, s13, s0, $0xb8;
	[tilespmem:$0x1CC00] =	vst v63  }
0xb0: {  	s13 =	sadd.s32 $0x3C00, s12  }
0xb1: {  	[spmem:s3] =	stream.indirect.scatter.add.f32 [tilespmem:s25], [sflag:$0x4], $0x80, s13, s0, $0xb8;
	[tilespmem:$0x1CC00] =	vst v63  }
0xb2: {  	_ =	swait.ge [sflag:s29], $0x2800  }
0xb3: {  	[sflag:s29] =	ssyncset.done $0x0  }
0xb4: {  	[sflag:s29] =	ssyncadd.s32 $0xFFFFD800  }
0xb5: {  	_ =	swait.ge [sflag:s28], $0x2800  }
0xb6: {  	[sflag:s28] =	ssyncset.done $0x0  }
0xb7: {  	s13 =	sadd.s32 $0x1D00, s12;
	[sflag:s28] =	ssyncadd.s32 $0xFFFFD800  }
0xb8: {  	[tilespmem:s25], [sflag:$0x1] =	stream.indirect.gather [hbm4b:s2+s0], $0x80, s13, s0, $0xb8;
	[tilespmem:$0x1CC00] =	vst v63  }
.Ltmp2:
0xb9: {  	_ = 	snop;
	(pc) =	sbr.rel @p0 .LBB2_6-.Ltmp2, $4  }
0xba: {  	s12 =	sadd.s32 $0x3C80, s12  }
0xbb: {  	[spmem:s3] =	stream.indirect.scatter.add.f32 [tilespmem:s6], [sflag:$0x4], $0x80, s12, s0, $0xb8;
	[tilespmem:$0x1CC00] =	vst v63  }
0xbc: {  	_ =	swait.ge [sflag:s29], $0x2800  }
0xbd: {  	[sflag:s29] =	ssyncset.done $0x0  }
0xbe: {  	[sflag:s29] =	ssyncadd.s32 $0xFFFFD800  }
0xbf: {  	_ =	swait.ge [sflag:s26], $0x2800  }
0xc0: {  	[sflag:s26] =	ssyncset.done $0x0  }
0xc1: {  	[sflag:s26] =	ssyncadd.s32 $0xFFFFD800  }
0xc2: {  	[spmem:s3] =	stream.indirect.scatter.add.f32 [tilespmem:s25], [sflag:$0x4], $0x80, s9, s0, $0xb8;
	[tilespmem:$0x1CC00] =	vst v63  }
0xc3: {  	_ =	swait.ge [sflag:s29], $0x2800  }
0xc4: {  	[sflag:s29] =	ssyncset.done $0x0  }
0xc5: {  	[sflag:s29] =	ssyncadd.s32 $0xFFFFD800  }
0xc6: {  	_ =	swait.ge [sflag:s8], $0xC80  }
0xc7: {  	[sflag:s8] =	ssyncset.done $0x0  }
0xc8: {  	[sflag:s8] =	ssyncadd.s32 $0xFFFFF380  }
0xc9: {  	_ =	swait.ge [sflag:s8], $0xC80  }
0xca: {  	[sflag:s8] =	ssyncset.done $0x0  }
0xcb: {  	s11 =	simm.s32 $0x0;
	[sflag:s8] =	ssyncadd.s32 $0xFFFFF380  }
0xcc: {  	[tilespmem:s31], [sflag:$0x3] =	stream.linear.gather [hbm4b:s19+s11], $0xC80, $0x38;
	[tilespmem:$0x1CC00] =	vst v63  }
0xcd: {  	_ = 	snop  }
0xce: {  	[tilespmem:s1], [sflag:$0x3] =	stream.linear.gather [hbm4b:s20+s11], $0xC80, $0x38;
	[tilespmem:$0x1CC00] =	vst v63  }
0xcf: {  	_ = 	snop  }
0xd0: {  	[tilespmem:s25], [sflag:$0x1] =	stream.indirect.gather [hbm4b:s2+s0], $0x80, s11, s0, $0xb8;
	[tilespmem:$0x1CC00] =	vst v63  }
0xd1: {  	_ =	swait.ge [sflag:s26], $0x2800  }
0xd2: {  	[sflag:s26] =	ssyncset.done $0x0  }
0xd3: {  	s12 =	simm.s32 $0x80;
	[sflag:s26] =	ssyncadd.s32 $0xFFFFD800  }
0xd4: {  	[tilespmem:s6], [sflag:$0x2] =	stream.indirect.gather [hbm4b:s2+s0], $0x80, s12, s0, $0xb8;
	[tilespmem:$0x1CC00] =	vst v63  }
0xd5: {  	s13 =	simm.s32 $0x2000  }
0xd6: {  	[spmem:s3] =	stream.indirect.scatter.add.f32 [tilespmem:s25], [sflag:$0x4], $0x80, s13, s0, $0xb8;
	[tilespmem:$0x1CC00] =	vst v63  }
0xd7: {  	_ =	swait.ge [sflag:s29], $0x2800  }
0xd8: {  	[sflag:s29] =	ssyncset.done $0x0  }
0xd9: {  	[sflag:s29] =	ssyncadd.s32 $0xFFFFD800  }
0xda: {  	_ =	swait.ge [sflag:s28], $0x2800  }
0xdb: {  	[sflag:s28] =	ssyncset.done $0x0  }
0xdc: {  	s12 =	simm.s32 $0x100;
	[sflag:s28] =	ssyncadd.s32 $0xFFFFD800  }
0xdd: {  	[tilespmem:s25], [sflag:$0x1] =	stream.indirect.gather [hbm4b:s2+s0], $0x80, s12, s0, $0xb8;
	[tilespmem:$0x1CC00] =	vst v63  }
0xde: {  	s13 =	simm.s32 $0x2080  }
0xdf: {  	[spmem:s3] =	stream.indirect.scatter.add.f32 [tilespmem:s6], [sflag:$0x4], $0x80, s13, s0, $0xb8;
	[tilespmem:$0x1CC00] =	vst v63  }
0xe0: {  	_ =	swait.ge [sflag:s29], $0x2800  }
0xe1: {  	s11 =	simm.s32 $0x400;
	[sflag:s29] =	ssyncset.done $0x0  }
.LBB2_8:
0xe2: {  	p0 =	sne.s32 s11, $0x2C00  }
0xe3: {  	[sflag:s29] =	ssyncadd.s32 $0xFFFFD800;
	s12 =	smov.u32 s11;
	s11 =	sadd.s32 $0x400, s11  }
0xe4: {  	_ = 	snop  }
0xe5: {  	_ =	swait.ge [sflag:s26], $0x2800  }
0xe6: {  	s12 =	sshra.s32 s12, $0x2;
	[sflag:s26] =	ssyncset.done $0x0  }
0xe7: {  	s13 =	sadd.s32 $0x80, s12;
	[sflag:s26] =	ssyncadd.s32 $0xFFFFD800  }
0xe8: {  	[tilespmem:s6], [sflag:$0x2] =	stream.indirect.gather [hbm4b:s2+s0], $0x80, s13, s0, $0xb8;
	[tilespmem:$0x1CC00] =	vst v63  }
0xe9: {  	s13 =	sadd.s32 $0x2000, s12  }
0xea: {  	[spmem:s3] =	stream.indirect.scatter.add.f32 [tilespmem:s25], [sflag:$0x4], $0x80, s13, s0, $0xb8;
	[tilespmem:$0x1CC00] =	vst v63  }
0xeb: {  	_ =	swait.ge [sflag:s29], $0x2800  }
0xec: {  	[sflag:s29] =	ssyncset.done $0x0  }
0xed: {  	[sflag:s29] =	ssyncadd.s32 $0xFFFFD800  }
0xee: {  	_ =	swait.ge [sflag:s28], $0x2800  }
0xef: {  	[sflag:s28] =	ssyncset.done $0x0  }
0xf0: {  	s13 =	sadd.s32 $0x100, s12;
	[sflag:s28] =	ssyncadd.s32 $0xFFFFD800  }
0xf1: {  	[tilespmem:s25], [sflag:$0x1] =	stream.indirect.gather [hbm4b:s2+s0], $0x80, s13, s0, $0xb8;
	[tilespmem:$0x1CC00] =	vst v63  }
.Ltmp3:
0xf2: {  	_ = 	snop;
	(pc) =	sbr.rel @p0 .LBB2_8-.Ltmp3, $4  }
0xf3: {  	s12 =	sadd.s32 $0x2080, s12  }
0xf4: {  	[spmem:s3] =	stream.indirect.scatter.add.f32 [tilespmem:s6], [sflag:$0x4], $0x80, s12, s0, $0xb8;
	[tilespmem:$0x1CC00] =	vst v63  }
0xf5: {  	_ =	swait.ge [sflag:s29], $0x2800  }
0xf6: {  	[sflag:s29] =	ssyncset.done $0x0  }
0xf7: {  	[sflag:s29] =	ssyncadd.s32 $0xFFFFD800  }
0xf8: {  	_ =	swait.ge [sflag:s26], $0x2800  }
0xf9: {  	[sflag:s26] =	ssyncset.done $0x0  }
0xfa: {  	[sflag:s26] =	ssyncadd.s32 $0xFFFFD800  }
0xfb: {  	[spmem:s3] =	stream.indirect.scatter.add.f32 [tilespmem:s25], [sflag:$0x4], $0x80, s7, s0, $0xb8;
	[tilespmem:$0x1CC00] =	vst v63  }
0xfc: {  	_ =	swait.ge [sflag:s29], $0x2800  }
0xfd: {  	[sflag:s29] =	ssyncset.done $0x0  }
0xfe: {  	[sflag:s29] =	ssyncadd.s32 $0xFFFFD800  }
0xff: {  	_ =	swait.ge [sflag:s8], $0xC80  }
0x100: {  	[sflag:s8] =	ssyncset.done $0x0  }
0x101: {  	[sflag:s8] =	ssyncadd.s32 $0xFFFFF380  }
0x102: {  	_ =	swait.ge [sflag:s8], $0xC80  }
0x103: {  	[sflag:s8] =	ssyncset.done $0x0  }
0x104: {  	[sflag:s8] =	ssyncadd.s32 $0xFFFFF380  }
0x105: {  	[tilespmem:s4], [sflag:$0x3] =	stream.linear.gather [hbm4b:s21+s4], $0xC80, $0x38;
	[tilespmem:$0x1CC00] =	vst v63  }
0x106: {  	_ = 	snop  }
0x107: {  	[tilespmem:s30], [sflag:$0x3] =	stream.linear.gather [hbm4b:s22+s4], $0xC80, $0x38;
	[tilespmem:$0x1CC00] =	vst v63  }
0x108: {  	_ = 	snop  }
0x109: {  	[tilespmem:s25], [sflag:$0x1] =	stream.indirect.gather [hbm4b:s2+s0], $0x80, s31, s0, $0xb8;
	[tilespmem:$0x1CC00] =	vst v63  }
0x10a: {  	_ =	swait.ge [sflag:s26], $0x2800  }
0x10b: {  	[sflag:s26] =	ssyncset.done $0x0  }
0x10c: {  	s11 =	simm.s32 $0x1080;
	[sflag:s26] =	ssyncadd.s32 $0xFFFFD800  }
0x10d: {  	[tilespmem:s6], [sflag:$0x2] =	stream.indirect.gather [hbm4b:s2+s0], $0x80, s11, s0, $0xb8;
	[tilespmem:$0x1CC00] =	vst v63  }
0x10e: {  	s13 =	simm.s32 $0x3000  }
0x10f: {  	[spmem:s3] =	stream.indirect.scatter.add.f32 [tilespmem:s25], [sflag:$0x4], $0x80, s13, s0, $0xb8;
	[tilespmem:$0x1CC00] =	vst v63  }
0x110: {  	_ =	swait.ge [sflag:s29], $0x2800  }
0x111: {  	[sflag:s29] =	ssyncset.done $0x0  }
0x112: {  	[sflag:s29] =	ssyncadd.s32 $0xFFFFD800  }
0x113: {  	_ =	swait.ge [sflag:s28], $0x2800  }
0x114: {  	[sflag:s28] =	ssyncset.done $0x0  }
0x115: {  	s12 =	simm.s32 $0x1100;
	[sflag:s28] =	ssyncadd.s32 $0xFFFFD800  }
0x116: {  	[tilespmem:s25], [sflag:$0x1] =	stream.indirect.gather [hbm4b:s2+s0], $0x80, s12, s0, $0xb8;
	[tilespmem:$0x1CC00] =	vst v63  }
0x117: {  	s13 =	simm.s32 $0x3080  }
0x118: {  	[spmem:s3] =	stream.indirect.scatter.add.f32 [tilespmem:s6], [sflag:$0x4], $0x80, s13, s0, $0xb8;
	[tilespmem:$0x1CC00] =	vst v63  }
0x119: {  	_ =	swait.ge [sflag:s29], $0x2800  }
0x11a: {  	s11 =	simm.s32 $0xFFFFD400;
	[sflag:s29] =	ssyncset.done $0x0  }
.LBB2_10:
0x11b: {  	p0 =	sne.s32 s11, $0xFFFFFC00  }
0x11c: {  	[sflag:s29] =	ssyncadd.s32 $0xFFFFD800;
	s12 =	smov.u32 s11;
	s11 =	sadd.s32 $0x400, s11  }
0x11d: {  	_ = 	snop  }
0x11e: {  	_ =	swait.ge [sflag:s26], $0x2800  }
0x11f: {  	s12 =	sshra.s32 s12, $0x2;
	[sflag:s26] =	ssyncset.done $0x0  }
0x120: {  	s13 =	sadd.s32 $0x1C80, s12;
	[sflag:s26] =	ssyncadd.s32 $0xFFFFD800  }
0x121: {  	[tilespmem:s6], [sflag:$0x2] =	stream.indirect.gather [hbm4b:s2+s0], $0x80, s13, s0, $0xb8;
	[tilespmem:$0x1CC00] =	vst v63  }
0x122: {  	s13 =	sadd.s32 $0x3C00, s12  }
0x123: {  	[spmem:s3] =	stream.indirect.scatter.add.f32 [tilespmem:s25], [sflag:$0x4], $0x80, s13, s0, $0xb8;
	[tilespmem:$0x1CC00] =	vst v63  }
0x124: {  	_ =	swait.ge [sflag:s29], $0x2800  }
0x125: {  	[sflag:s29] =	ssyncset.done $0x0  }
0x126: {  	[sflag:s29] =	ssyncadd.s32 $0xFFFFD800  }
0x127: {  	_ =	swait.ge [sflag:s28], $0x2800  }
0x128: {  	[sflag:s28] =	ssyncset.done $0x0  }
0x129: {  	s13 =	sadd.s32 $0x1D00, s12;
	[sflag:s28] =	ssyncadd.s32 $0xFFFFD800  }
0x12a: {  	[tilespmem:s25], [sflag:$0x1] =	stream.indirect.gather [hbm4b:s2+s0], $0x80, s13, s0, $0xb8;
	[tilespmem:$0x1CC00] =	vst v63  }
.Ltmp4:
0x12b: {  	_ = 	snop;
	(pc) =	sbr.rel @p0 .LBB2_10-.Ltmp4, $4  }
0x12c: {  	s12 =	sadd.s32 $0x3C80, s12  }
0x12d: {  	[spmem:s3] =	stream.indirect.scatter.add.f32 [tilespmem:s6], [sflag:$0x4], $0x80, s12, s0, $0xb8;
	[tilespmem:$0x1CC00] =	vst v63  }
0x12e: {  	_ =	swait.ge [sflag:s29], $0x2800  }
0x12f: {  	[sflag:s29] =	ssyncset.done $0x0  }
0x130: {  	[sflag:s29] =	ssyncadd.s32 $0xFFFFD800  }
0x131: {  	_ =	swait.ge [sflag:s26], $0x2800  }
0x132: {  	[sflag:s26] =	ssyncset.done $0x0  }
0x133: {  	[sflag:s26] =	ssyncadd.s32 $0xFFFFD800  }
0x134: {  	[spmem:s3] =	stream.indirect.scatter.add.f32 [tilespmem:s25], [sflag:$0x4], $0x80, s9, s0, $0xb8;
	[tilespmem:$0x1CC00] =	vst v63  }
0x135: {  	_ =	swait.ge [sflag:s29], $0x2800  }
0x136: {  	[sflag:s29] =	ssyncset.done $0x0  }
0x137: {  	[sflag:s29] =	ssyncadd.s32 $0xFFFFD800  }
0x138: {  	_ =	swait.ge [sflag:s8], $0xC80  }
0x139: {  	[sflag:s8] =	ssyncset.done $0x0  }
0x13a: {  	[sflag:s8] =	ssyncadd.s32 $0xFFFFF380  }
0x13b: {  	_ =	swait.ge [sflag:s8], $0xC80  }
0x13c: {  	[sflag:s8] =	ssyncset.done $0x0  }
0x13d: {  	s11 =	simm.s32 $0x0;
	[sflag:s8] =	ssyncadd.s32 $0xFFFFF380  }
0x13e: {  	[tilespmem:s25], [sflag:$0x1] =	stream.indirect.gather [hbm4b:s2+s0], $0x80, s11, s0, $0xb8;
	[tilespmem:$0x1CC00] =	vst v63  }
0x13f: {  	_ =	swait.ge [sflag:s26], $0x2800  }
0x140: {  	[sflag:s26] =	ssyncset.done $0x0  }
0x141: {  	s12 =	simm.s32 $0x80;
	[sflag:s26] =	ssyncadd.s32 $0xFFFFD800  }
0x142: {  	[tilespmem:s6], [sflag:$0x2] =	stream.indirect.gather [hbm4b:s2+s0], $0x80, s12, s0, $0xb8;
	[tilespmem:$0x1CC00] =	vst v63  }
0x143: {  	s13 =	simm.s32 $0x2000  }
0x144: {  	[spmem:s3] =	stream.indirect.scatter.add.f32 [tilespmem:s25], [sflag:$0x4], $0x80, s13, s0, $0xb8;
	[tilespmem:$0x1CC00] =	vst v63  }
0x145: {  	_ =	swait.ge [sflag:s29], $0x2800  }
0x146: {  	[sflag:s29] =	ssyncset.done $0x0  }
0x147: {  	[sflag:s29] =	ssyncadd.s32 $0xFFFFD800  }
0x148: {  	_ =	swait.ge [sflag:s28], $0x2800  }
0x149: {  	[sflag:s28] =	ssyncset.done $0x0  }
0x14a: {  	s12 =	simm.s32 $0x100;
	[sflag:s28] =	ssyncadd.s32 $0xFFFFD800  }
0x14b: {  	[tilespmem:s25], [sflag:$0x1] =	stream.indirect.gather [hbm4b:s2+s0], $0x80, s12, s0, $0xb8;
	[tilespmem:$0x1CC00] =	vst v63  }
0x14c: {  	s13 =	simm.s32 $0x2080  }
0x14d: {  	[spmem:s3] =	stream.indirect.scatter.add.f32 [tilespmem:s6], [sflag:$0x4], $0x80, s13, s0, $0xb8;
	[tilespmem:$0x1CC00] =	vst v63  }
0x14e: {  	_ =	swait.ge [sflag:s29], $0x2800  }
0x14f: {  	s11 =	simm.s32 $0x400;
	[sflag:s29] =	ssyncset.done $0x0  }
.LBB2_12:
0x150: {  	p0 =	sne.s32 s11, $0x2C00  }
0x151: {  	[sflag:s29] =	ssyncadd.s32 $0xFFFFD800;
	s12 =	smov.u32 s11;
	s11 =	sadd.s32 $0x400, s11  }
0x152: {  	_ = 	snop  }
0x153: {  	_ =	swait.ge [sflag:s26], $0x2800  }
0x154: {  	s12 =	sshra.s32 s12, $0x2;
	[sflag:s26] =	ssyncset.done $0x0  }
0x155: {  	s13 =	sadd.s32 $0x80, s12;
	[sflag:s26] =	ssyncadd.s32 $0xFFFFD800  }
0x156: {  	[tilespmem:s6], [sflag:$0x2] =	stream.indirect.gather [hbm4b:s2+s0], $0x80, s13, s0, $0xb8;
	[tilespmem:$0x1CC00] =	vst v63  }
0x157: {  	s13 =	sadd.s32 $0x2000, s12  }
0x158: {  	[spmem:s3] =	stream.indirect.scatter.add.f32 [tilespmem:s25], [sflag:$0x4], $0x80, s13, s0, $0xb8;
	[tilespmem:$0x1CC00] =	vst v63  }
0x159: {  	_ =	swait.ge [sflag:s29], $0x2800  }
0x15a: {  	[sflag:s29] =	ssyncset.done $0x0  }
0x15b: {  	[sflag:s29] =	ssyncadd.s32 $0xFFFFD800  }
0x15c: {  	_ =	swait.ge [sflag:s28], $0x2800  }
0x15d: {  	[sflag:s28] =	ssyncset.done $0x0  }
0x15e: {  	s13 =	sadd.s32 $0x100, s12;
	[sflag:s28] =	ssyncadd.s32 $0xFFFFD800  }
0x15f: {  	[tilespmem:s25], [sflag:$0x1] =	stream.indirect.gather [hbm4b:s2+s0], $0x80, s13, s0, $0xb8;
	[tilespmem:$0x1CC00] =	vst v63  }
.Ltmp5:
0x160: {  	_ = 	snop;
	(pc) =	sbr.rel @p0 .LBB2_12-.Ltmp5, $4  }
0x161: {  	s12 =	sadd.s32 $0x2080, s12  }
0x162: {  	[spmem:s3] =	stream.indirect.scatter.add.f32 [tilespmem:s6], [sflag:$0x4], $0x80, s12, s0, $0xb8;
	[tilespmem:$0x1CC00] =	vst v63  }
0x163: {  	_ =	swait.ge [sflag:s29], $0x2800  }
0x164: {  	[sflag:s29] =	ssyncset.done $0x0  }
0x165: {  	[sflag:s29] =	ssyncadd.s32 $0xFFFFD800  }
0x166: {  	_ =	swait.ge [sflag:s26], $0x2800  }
0x167: {  	[sflag:s26] =	ssyncset.done $0x0  }
0x168: {  	[sflag:s26] =	ssyncadd.s32 $0xFFFFD800  }
0x169: {  	[spmem:s3] =	stream.indirect.scatter.add.f32 [tilespmem:s25], [sflag:$0x4], $0x80, s7, s0, $0xb8;
	[tilespmem:$0x1CC00] =	vst v63  }
0x16a: {  	s11 =	stileid.u32;
	_ =	swait.ge [sflag:s29], $0x2800  }
0x16b: {  	s12 =	sshrl.u32 s5, $0x3;
	s10 =	sadd.s32 $0x1, s10;
	[sflag:s29] =	ssyncset.done $0x0  }
0x16c: {  	s11 =	sshll.u32 s11, $0x6;
	p0 =	sne.s32 s10, s24;
	[sflag:s29] =	ssyncadd.s32 $0xFFFFD800  }
.Ltmp6:
0x16d: {  	s11 =	sor.u32 $0x1C04, s11;
	[bflag:$0x0] =	sbarrier.arrive $0xFFFF;
	(pc) =	sbr.rel @p0 .LBB2_1-.Ltmp6, $4  }
0x16e: {  	[hbm:s23], [sflag:s11] =	dma.local [spmem:s12], $0x2780  }
0x16f: {  	_ =	swait.ge [sflag:s29], $0x2780  }
0x170: {  	[sflag:s29] =	ssyncset.done $0x0  }
0x171: {  	[sflag:s29] =	ssyncadd.s32 $0xFFFFD880  }
0x172: {  	_ =	sfence.sel $0x180000  }
0x173: {  	[bflag:$0x0] =	sbarrier.arrive $0xFFFF  }
0x174: {  	_ =	strace $0x90000047  }
0x175: {  	s0 =	stileid.u32;
	[bflag:$0x2] =	sbarrier.arrive $0xFFFF  }
0x176: {  	p0 =	sne.s32 s0, $0x0;
	s0 =	rddreg [dreg:$0x3]  }
0x177: {  	s0 =	sadd.s32 @!p0 $0x100000, s0  }
0x178: {  	[sflag:s0] =	ssyncadd.tile.s32 @!p0 $0x1;
	_ =	shalt  }
.Lfunc_end2:
_tile_overlayer_lowered:
.L_overlay_start_2:
0x179: {  	(tag) =	ssettag $0x2  }
0x17a: {  	s0 =	rddreg [dreg:$0x0];
	s2 =	stileid.u32  }
0x17b: {  	s1 =	rddreg [dreg:$0x1];
	p0 =	sne.s32 s2, $0x0  }
0x17c: {  	s3 =	rddreg [dreg:$0x2];
	[bflag:$0x3] =	sbarrier.arrive $0xFFFF;
	s2 =	simm.s32 @!p0 $0x1C04  }
0x17d: {  	[timem:s3], [sflag:s2] =	dma.local @!p0 [hbm:s0], s1  }
0x17e: {  	s0 =	simm.s32 @!p0 $0x4  }
0x17f: {  	_ =	swait.ge @!p0 [sflag:s0], s1  }
0x180: {  	s1 =	ssub.s32 @!p0 $0x0, s1;
	[sflag:s0] =	ssyncset.done @!p0 $0x0  }
0x181: {  	[sflag:s0] =	ssyncadd.s32 @!p0 s1  }
0x182: {  	[bflag:$0x3] =	sbarrier.arrive $0xFFFF  }
0x183: {  	_ =	shalt  }

</sc_bundles>
